<compile_context>
chip_gen: v7x
topology: tpu7x:2x2x1
jax: 0.10.2.dev20260603
libtpu: 0.0.44.dev20260713+nightly
codegen_flags: <defaults>
</compile_context>

<pallas_src>
import functools

import jax
import jax.numpy as jnp
from jax import lax
from jax.experimental import pallas as pl
from jax.experimental.pallas import tpu as pltpu
from jax.experimental.pallas import tpu_sc as plsc

N = 10000
E = 320000
D = 128
NP = 10240

NC = 2
NS = 16
NW = NC * NS
C = 128
NCH = 80
HNCH = 40
EPW = NCH * C
EP = NW * EPW
ROWS_PT = NP // NS

_mesh = plsc.VectorSubcoreMesh(core_axis_name="c", subcore_axis_name="s")


def _fill_f32(ref, n, value):
    def body(i, _):
        ref[pl.ds(i * 16, 16)] = jnp.full((16,), value, jnp.float32)
        return 0
    lax.fori_loop(0, n // 16, body, 0)


@functools.partial(
    pl.kernel,
    out_type=jax.ShapeDtypeStruct((NC, NP), jnp.float32),
    mesh=_mesh,
    scratch_types=[
        pltpu.VMEM((NCH, C), jnp.int32),
        pltpu.VMEM((C,), jnp.float32),
        pltpu.VMEM((ROWS_PT,), jnp.float32),
        pltpu.VMEM_SHARED((NP,), jnp.float32),
        pltpu.SemaphoreType.DMA,
    ],
)
def _deg_kernel(dst_hbm, out_hbm, idx_v, ones_v, zbuf, acc_sp, sem):
    c = lax.axis_index("c")
    s = lax.axis_index("s")
    wid = c * NS + s
    _fill_f32(ones_v, C, 1.0)
    _fill_f32(zbuf, ROWS_PT, 0.0)
    pltpu.sync_copy(zbuf, acc_sp.at[pl.ds(s * ROWS_PT, ROWS_PT)])
    pltpu.async_copy(dst_hbm.at[wid], idx_v, sem).wait()
    plsc.subcore_barrier()
    def body(j, _):
        for b in range(8):
            pltpu.async_copy(ones_v, acc_sp.at[idx_v.at[j * 8 + b]], sem,
                             add=True)
        for b in range(8):
            pltpu.make_async_copy(ones_v, acc_sp.at[idx_v.at[0]], sem).wait()
        return 0
    lax.fori_loop(0, NCH // 8, body, 0)
    plsc.subcore_barrier()
    pltpu.sync_copy(acc_sp.at[pl.ds(s * ROWS_PT, ROWS_PT)],
                    out_hbm.at[c, pl.ds(s * ROWS_PT, ROWS_PT)])


@functools.partial(
    pl.kernel,
    out_type=jax.ShapeDtypeStruct((NC, NP, D), jnp.float32),
    mesh=_mesh,
    scratch_types=[
        pltpu.VMEM((HNCH, C), jnp.int32),
        pltpu.VMEM((HNCH, C), jnp.int32),
        pltpu.VMEM((C, D), jnp.float32),
        pltpu.VMEM((C, D), jnp.float32),
        pltpu.VMEM_SHARED((NP, D), jnp.float32),
        pltpu.SemaphoreType.DMA,
        pltpu.SemaphoreType.DMA,
        pltpu.SemaphoreType.DMA,
    ],
)
def _agg_kernel(g_hbm, src_hbm, dst_hbm, out_hbm, src_v, dst_v, rows0, rows1,
                acc_sp, sem0, sem1, isem):
    c = lax.axis_index("c")
    s = lax.axis_index("s")
    wid = c * NS + s
    def zrow(r, _):
        def zcol(k, _):
            rows0[r, pl.ds(k * 16, 16)] = jnp.zeros((16,), jnp.float32)
            return 0
        lax.fori_loop(0, D // 16, zcol, 0)
        return 0
    lax.fori_loop(0, C, zrow, 0)
    def zinit(k, _):
        pltpu.sync_copy(rows0, acc_sp.at[pl.ds(s * ROWS_PT + k * C, C)])
        return 0
    lax.fori_loop(0, ROWS_PT // C, zinit, 0)
    plsc.subcore_barrier()
    for h in range(NCH // HNCH):
        pltpu.async_copy(src_hbm.at[wid, pl.ds(h * HNCH, HNCH)], src_v,
                         isem)
        pltpu.async_copy(dst_hbm.at[wid, pl.ds(h * HNCH, HNCH)], dst_v,
                         isem)
        pltpu.make_async_copy(src_hbm.at[wid, pl.ds(0, HNCH)], src_v,
                              isem).wait()
        pltpu.make_async_copy(dst_hbm.at[wid, pl.ds(0, HNCH)], dst_v,
                              isem).wait()
        pltpu.async_copy(g_hbm.at[src_v.at[0]], rows0, sem0)
        def body(j, _):
            @pl.when(j % 2 == 0)
            def _even():
                @pl.when(j + 1 < HNCH)
                def _():
                    pltpu.async_copy(g_hbm.at[src_v.at[j + 1]], rows1, sem1)
                pltpu.make_async_copy(g_hbm.at[src_v.at[0]], rows0,
                                      sem0).wait()
                pltpu.sync_copy(rows0, acc_sp.at[dst_v.at[j]], add=True)
            @pl.when(j % 2 == 1)
            def _odd():
                @pl.when(j + 1 < HNCH)
                def _():
                    pltpu.async_copy(g_hbm.at[src_v.at[j + 1]], rows0, sem0)
                pltpu.make_async_copy(g_hbm.at[src_v.at[0]], rows1,
                                      sem1).wait()
                pltpu.sync_copy(rows1, acc_sp.at[dst_v.at[j]], add=True)
            return 0
        lax.fori_loop(0, HNCH, body, 0)
    plsc.subcore_barrier()
    pltpu.sync_copy(acc_sp.at[pl.ds(s * ROWS_PT, ROWS_PT)],
                    out_hbm.at[c, pl.ds(s * ROWS_PT, ROWS_PT), :])



RB = 2048


def _k1_body(d_ref, x_ref, w_ref, o_ref):
    dis = lax.rsqrt(d_ref[:, 0:1] + d_ref[:, 1:2] + 1.0)
    o_ref[...] = dis * jnp.dot(x_ref[...], w_ref[...],
                               preferred_element_type=jnp.float32)


def _k2_body(d_ref, a_ref, g_ref, b_ref, w_ref, o_ref):
    dis = lax.rsqrt(d_ref[:, 0:1] + d_ref[:, 1:2] + 1.0)
    t = jnp.maximum(dis * (a_ref[0] + a_ref[1] + g_ref[...]) + b_ref[...], 0.0)
    o_ref[...] = dis * jnp.dot(t, w_ref[...],
                               preferred_element_type=jnp.float32)


def _k3_body(d_ref, a_ref, g_ref, b_ref, o_ref):
    dis = lax.rsqrt(d_ref[:, 0:1] + d_ref[:, 1:2] + 1.0)
    o_ref[...] = jnp.maximum(
        dis * (a_ref[0] + a_ref[1] + g_ref[...]) + b_ref[...], 0.0)


_dspec = pl.BlockSpec((RB, 2), lambda i: (i, 0))
_rspec = pl.BlockSpec((RB, D), lambda i: (i, 0))
_aspec = pl.BlockSpec((NC, RB, D), lambda i: (0, i, 0))
_wspec = pl.BlockSpec((D, D), lambda i: (0, 0))
_bspec = pl.BlockSpec((1, D), lambda i: (0, 0))
_grid = (NP // RB,)
_out128 = jax.ShapeDtypeStruct((NP, D), jnp.float32)

_k1 = pl.pallas_call(_k1_body, grid=_grid, out_shape=_out128,
                     in_specs=[_dspec, _rspec, _wspec], out_specs=_rspec)
_k2 = pl.pallas_call(_k2_body, grid=_grid, out_shape=_out128,
                     in_specs=[_dspec, _aspec, _rspec, _bspec, _wspec],
                     out_specs=_rspec)
_k3 = pl.pallas_call(_k3_body, grid=_grid, out_shape=_out128,
                     in_specs=[_dspec, _aspec, _rspec, _bspec],
                     out_specs=_rspec)


def kernel(x, edge_index, W1, b1, W2, b2):
    pad = jnp.full((EP - E,), NP - 1, jnp.int32)
    src = jnp.concatenate([edge_index[0], pad]).reshape(NW, NCH, C)
    dst = jnp.concatenate([edge_index[1], pad]).reshape(NW, NCH, C)
    xp = jnp.concatenate([x, jnp.zeros((NP - N, D), jnp.float32)], axis=0)
    deg = _deg_kernel(dst)
    deg_nt = deg.T
    b1r = b1.reshape(1, D)
    b2r = b2.reshape(1, D)
    g1 = _k1(deg_nt, xp, W1)
    acc1 = _agg_kernel(g1, src, dst)
    g2 = _k2(deg_nt, acc1, g1, b1r, W2)
    acc2 = _agg_kernel(g2, src, dst)
    return _k3(deg_nt, acc2, g2, b2r)[:N]

# --- scband reference (transcript-rebuilt; emitter-appended) ---
"""Pipeline reference for scband-simple-gnn-35433480192527 (READ-ONLY COPY).

The authoritative reference and input builder live on the scoring server;
editing this copy changes nothing except your own understanding.
"""

import jax, jax.numpy as jnp
import numpy as np

N = 10000
E = 320000
D_IN = 128
D_HID = 128
D_OUT = 128


def setup_inputs(seed: int = 0) -> dict:
    key = jax.random.key(seed)
    k1, k2, k3, k4 = jax.random.split(key, 4)
    x = jax.random.normal(k1, (N, D_IN), dtype=jnp.float32)
    edge_index = jax.random.randint(k2, (2, E), 0, N, dtype=jnp.int32)
    # GCNConv linear weights (glorot-like init) and separate bias terms
    W1 = jax.random.normal(k3, (D_IN, D_HID), dtype=jnp.float32) * (1.0 / np.sqrt(D_IN))
    b1 = jnp.zeros((D_HID,), dtype=jnp.float32)
    W2 = jax.random.normal(k4, (D_HID, D_OUT), dtype=jnp.float32) * (1.0 / np.sqrt(D_HID))
    b2 = jnp.zeros((D_OUT,), dtype=jnp.float32)
    return {"x": x, "edge_index": edge_index, "W1": W1, "b1": b1, "W2": W2, "b2": b2}


def _gcn_conv(x, edge_index, W, b):
    # Faithful PyG GCNConv: add self-loops, symmetric normalization
    # out = D^{-1/2} (A + I) D^{-1/2} (x W) + b
    src = edge_index[0]
    dst = edge_index[1]
    loop = jnp.arange(N, dtype=src.dtype)
    src = jnp.concatenate([src, loop])
    dst = jnp.concatenate([dst, loop])
    deg = jnp.zeros((N,), dtype=x.dtype).at[dst].add(1.0)
    deg_inv_sqrt = jnp.where(deg > 0, 1.0 / jnp.sqrt(deg), 0.0)
    norm = deg_inv_sqrt[src] * deg_inv_sqrt[dst]
    h = x @ W
    msg = h[src] * norm[:, None]
    out = jax.ops.segment_sum(msg, dst, num_segments=N)
    return out + b


def reference(x, edge_index, W1, b1, W2, b2):
    h = jax.nn.relu(_gcn_conv(x, edge_index, W1, b1))
    out = jax.nn.relu(_gcn_conv(h, edge_index, W2, b2))
    return out

if __name__ == "__main__":
    import jax
    _d = setup_inputs()
    print(jax.jit(kernel)(*tuple(_d.values())))

</pallas_src>

<mosaic_0001>
#map = affine_map<(d0, d1) -> (0, 0, 0)>
#map1 = affine_map<(d0, d1) -> (0, 0)>
module attributes {stable_mosaic.version = 14 : i64} {
  func.func @_deg_kernel(%arg0: i32, %arg1: i32, %arg2: memref<32x80x128xi32, #tpu.memory_space<hbm>>, %arg3: memref<2x10240xf32, #tpu.memory_space<hbm>>, %arg4: memref<80x128xi32, #tpu.memory_space<vmem>>, %arg5: memref<128xf32, #tpu.memory_space<vmem>>, %arg6: memref<640xf32, #tpu.memory_space<vmem>>, %arg7: memref<10240xf32, #tpu.memory_space<vmem_shared>>, %arg8: memref<!tpu.dma_semaphore, #tpu.memory_space<semaphore_mem>>) attributes {dimension_semantics = [#tpu.dimension_semantics<core_parallel>, #tpu.dimension_semantics<subcore_parallel>], iteration_bounds = array<i64: 2, 16>, scalar_prefetch = 0 : i64, scratch_operands = 5 : i64, tpu.core_type = #tpu.core_type<sc_vector_subcore>, window_params = [{transform_indices = #map}, {transform_indices = #map1}]} {
    %mul3A = arith.constant 16 : i32
    %mul3A_0 = arith.muli %arg0, %mul3A : i32
    %add3A = arith.addi %mul3A_0, %arg1 : i32
    %scan3A = arith.constant 0 : i32
    %scan3A_1 = arith.constant 0 : i32
    %scan3A_2 = arith.constant 8 : i32
    %scan3A_3 = arith.addi %scan3A_1, %scan3A_2 : i32
    %scan3A_4 = arith.constant 1 : i32
    %scan3A_5 = scf.for %scan3A_42 = %scan3A_1 to %scan3A_3 step %scan3A_4 iter_args(%scan3A_43 = %scan3A) -> (i32)  : i32 {
      %broadcast_in_dim3A = arith.constant 1.000000e+00 : f32
      %broadcast_in_dim3A_44 = vector.broadcast %broadcast_in_dim3A : f32 to vector<16xf32>
      %mul3A_45 = arith.constant 16 : i32
      %mul3A_46 = arith.muli %scan3A_42, %mul3A_45 : i32
      %swap3A = arith.index_cast %mul3A_46 : i32 to index
      %swap3A_47 = tpu.vector_load %arg5[%swap3A] {strides = array<i32>} : memref<128xf32, #tpu.memory_space<vmem>>, vector<16xf32>,
      %swap3A_48 = vector.shape_cast %swap3A_47 : vector<16xf32> to vector<16xf32>
      %swap3A_49 = vector.shape_cast %broadcast_in_dim3A_44 : vector<16xf32> to vector<16xf32>
      tpu.vector_store %arg5[%swap3A], %swap3A_49 {strides = array<i32>} : memref<128xf32, #tpu.memory_space<vmem>>, vector<16xf32>,
      %scan3A_50 = arith.constant 0 : i32
      scf.yield %scan3A_50 : i32
    }
    %scan3A_6 = arith.constant 8 : i32
    %scan3A_7 = arith.constant 0 : i32
    %scan3A_8 = arith.constant 0 : i32
    %scan3A_9 = arith.constant 40 : i32
    %scan3A_10 = arith.addi %scan3A_8, %scan3A_9 : i32
    %scan3A_11 = arith.constant 1 : i32
    %scan3A_12 = scf.for %scan3A_42 = %scan3A_8 to %scan3A_10 step %scan3A_11 iter_args(%scan3A_43 = %scan3A_7) -> (i32)  : i32 {
      %broadcast_in_dim3A = arith.constant 0.000000e+00 : f32
      %broadcast_in_dim3A_44 = vector.broadcast %broadcast_in_dim3A : f32 to vector<16xf32>
      %mul3A_45 = arith.constant 16 : i32
      %mul3A_46 = arith.muli %scan3A_42, %mul3A_45 : i32
      %swap3A = arith.index_cast %mul3A_46 : i32 to index
      %swap3A_47 = tpu.vector_load %arg6[%swap3A] {strides = array<i32>} : memref<640xf32, #tpu.memory_space<vmem>>, vector<16xf32>,
      %swap3A_48 = vector.shape_cast %swap3A_47 : vector<16xf32> to vector<16xf32>
      %swap3A_49 = vector.shape_cast %broadcast_in_dim3A_44 : vector<16xf32> to vector<16xf32>
      tpu.vector_store %arg6[%swap3A], %swap3A_49 {strides = array<i32>} : memref<640xf32, #tpu.memory_space<vmem>>, vector<16xf32>,
      %scan3A_50 = arith.constant 0 : i32
      scf.yield %scan3A_50 : i32
    }
    %scan3A_13 = arith.constant 40 : i32
    %mul3A_14 = arith.constant 640 : i32
    %mul3A_15 = arith.muli %arg1, %mul3A_14 : i32
    "tpu.region"() ({
      %run_scoped3A = tpu.sem_alloc : memref<!tpu.dma_semaphore, #tpu.memory_space<semaphore_mem>>
      %dma_start3A_42 = tpu.memref_slice %arg7[%mul3A_15] : memref<10240xf32, #tpu.memory_space<vmem_shared>> -> memref<640xf32, #tpu.memory_space<vmem_shared>>
      %dma_start3A_43 = tpu.memref_slice %arg7[%mul3A_15] : memref<10240xf32, #tpu.memory_space<vmem_shared>> -> memref<640xf32, #tpu.memory_space<vmem_shared>>
      tpu.enqueue_dma source(%arg6 : memref<640xf32, #tpu.memory_space<vmem>>) target(%dma_start3A_43 : memref<640xf32, #tpu.memory_space<vmem_shared>>) target_semaphore(%run_scoped3A : memref<!tpu.dma_semaphore, #tpu.memory_space<semaphore_mem>>)
      %dma_wait3A_44 = tpu.memref_slice %arg7[%mul3A_15] : memref<10240xf32, #tpu.memory_space<vmem_shared>> -> memref<640xf32, #tpu.memory_space<vmem_shared>>
      %dma_wait3A_45 = tpu.memref_slice %arg7[%mul3A_15] : memref<10240xf32, #tpu.memory_space<vmem_shared>> -> memref<640xf32, #tpu.memory_space<vmem_shared>>
      tpu.wait_dma2 semaphore(%run_scoped3A : memref<!tpu.dma_semaphore, #tpu.memory_space<semaphore_mem>>) src(%arg6 : memref<640xf32, #tpu.memory_space<vmem>>) dst(%dma_wait3A_45 : memref<640xf32, #tpu.memory_space<vmem_shared>>)
      tpu.yield
    }) : () -> ()
    %dma_start3A = arith.constant 0 : i32
    %dma_start3A_16 = arith.constant 0 : i32
    %dma_start3A_17 = tpu.memref_slice %arg2[%add3A, %dma_start3A, %dma_start3A_16] : memref<32x80x128xi32, #tpu.memory_space<hbm>> -> memref<1x80x128xi32, #tpu.memory_space<hbm>>
    %dma_start3A_18 = tpu.memref_squeeze %dma_start3A_17 : memref<1x80x128xi32, #tpu.memory_space<hbm>> -> memref<80x128xi32, #tpu.memory_space<hbm>>
    %dma_start3A_19 = arith.constant 0 : i32
    %dma_start3A_20 = arith.constant 0 : i32
    %dma_start3A_21 = tpu.memref_slice %arg2[%add3A, %dma_start3A_19, %dma_start3A_20] : memref<32x80x128xi32, #tpu.memory_space<hbm>> -> memref<1x80x128xi32, #tpu.memory_space<hbm>>
    %dma_start3A_22 = tpu.memref_squeeze %dma_start3A_21 : memref<1x80x128xi32, #tpu.memory_space<hbm>> -> memref<80x128xi32, #tpu.memory_space<hbm>>
    tpu.enqueue_dma source(%dma_start3A_22 : memref<80x128xi32, #tpu.memory_space<hbm>>) target(%arg4 : memref<80x128xi32, #tpu.memory_space<vmem>>) target_semaphore(%arg8 : memref<!tpu.dma_semaphore, #tpu.memory_space<semaphore_mem>>)
    %dma_wait3A = arith.constant 0 : i32
    %dma_wait3A_23 = arith.constant 0 : i32
    %dma_wait3A_24 = tpu.memref_slice %arg2[%add3A, %dma_wait3A, %dma_wait3A_23] : memref<32x80x128xi32, #tpu.memory_space<hbm>> -> memref<1x80x128xi32, #tpu.memory_space<hbm>>
    %dma_wait3A_25 = tpu.memref_squeeze %dma_wait3A_24 : memref<1x80x128xi32, #tpu.memory_space<hbm>> -> memref<80x128xi32, #tpu.memory_space<hbm>>
    %dma_wait3A_26 = arith.constant 0 : i32
    %dma_wait3A_27 = arith.constant 0 : i32
    %dma_wait3A_28 = tpu.memref_slice %arg2[%add3A, %dma_wait3A_26, %dma_wait3A_27] : memref<32x80x128xi32, #tpu.memory_space<hbm>> -> memref<1x80x128xi32, #tpu.memory_space<hbm>>
    %dma_wait3A_29 = tpu.memref_squeeze %dma_wait3A_28 : memref<1x80x128xi32, #tpu.memory_space<hbm>> -> memref<80x128xi32, #tpu.memory_space<hbm>>
    tpu.wait_dma2 semaphore(%arg8 : memref<!tpu.dma_semaphore, #tpu.memory_space<semaphore_mem>>) src(%dma_wait3A_29 : memref<80x128xi32, #tpu.memory_space<hbm>>) dst(%arg4 : memref<80x128xi32, #tpu.memory_space<vmem>>)
    %barrier3A = arith.constant 0 : index
    tpu.barrier barrier_id(%barrier3A)
    %scan3A_30 = arith.constant 0 : i32
    %scan3A_31 = arith.constant 0 : i32
    %scan3A_32 = arith.constant 10 : i32
    %scan3A_33 = arith.addi %scan3A_31, %scan3A_32 : i32
    %scan3A_34 = arith.constant 1 : i32
    %scan3A_35 = scf.for %scan3A_42 = %scan3A_31 to %scan3A_33 step %scan3A_34 iter_args(%scan3A_43 = %scan3A_30) -> (i32)  : i32 {
      %mul3A_44 = arith.constant 8 : i32
      %mul3A_45 = arith.muli %scan3A_42, %mul3A_44 : i32
      %add3A_46 = arith.constant 0 : i32
      %add3A_47 = arith.addi %mul3A_45, %add3A_46 : i32
      %dma_start3A_48 = arith.constant 0 : i32
      %dma_start3A_49 = tpu.memref_slice %arg4[%add3A_47, %dma_start3A_48] : memref<80x128xi32, #tpu.memory_space<vmem>> -> memref<1x128xi32, #tpu.memory_space<vmem>>
      %dma_start3A_50 = tpu.memref_squeeze %dma_start3A_49 : memref<1x128xi32, #tpu.memory_space<vmem>> -> memref<128xi32, #tpu.memory_space<vmem>>
      %dma_start3A_51 = arith.constant 0 : i32
      %dma_start3A_52 = tpu.memref_slice %arg7[%dma_start3A_51] : memref<10240xf32, #tpu.memory_space<vmem_shared>> -> memref<10240xf32, #tpu.memory_space<vmem_shared>>
      tpu.enqueue_indirect_dma source(%arg5 : memref<128xf32, #tpu.memory_space<vmem>>) target(%dma_start3A_52 : memref<10240xf32, #tpu.memory_space<vmem_shared>>) offsets(%dma_start3A_50 : memref<128xi32, #tpu.memory_space<vmem>>) semaphore(%arg8 : memref<!tpu.dma_semaphore, #tpu.memory_space<semaphore_mem>>) {add = true}
      %mul3A_53 = arith.constant 8 : i32
      %mul3A_54 = arith.muli %scan3A_42, %mul3A_53 : i32
      %add3A_55 = arith.constant 1 : i32
      %add3A_56 = arith.addi %mul3A_54, %add3A_55 : i32
      %dma_start3A_57 = arith.constant 0 : i32
      %dma_start3A_58 = tpu.memref_slice %arg4[%add3A_56, %dma_start3A_57] : memref<80x128xi32, #tpu.memory_space<vmem>> -> memref<1x128xi32, #tpu.memory_space<vmem>>
      %dma_start3A_59 = tpu.memref_squeeze %dma_start3A_58 : memref<1x128xi32, #tpu.memory_space<vmem>> -> memref<128xi32, #tpu.memory_space<vmem>>
      %dma_start3A_60 = arith.constant 0 : i32
      %dma_start3A_61 = tpu.memref_slice %arg7[%dma_start3A_60] : memref<10240xf32, #tpu.memory_space<vmem_shared>> -> memref<10240xf32, #tpu.memory_space<vmem_shared>>
      tpu.enqueue_indirect_dma source(%arg5 : memref<128xf32, #tpu.memory_space<vmem>>) target(%dma_start3A_61 : memref<10240xf32, #tpu.memory_space<vmem_shared>>) offsets(%dma_start3A_59 : memref<128xi32, #tpu.memory_space<vmem>>) semaphore(%arg8 : memref<!tpu.dma_semaphore, #tpu.memory_space<semaphore_mem>>) {add = true}
      %mul3A_62 = arith.constant 8 : i32
      %mul3A_63 = arith.muli %scan3A_42, %mul3A_62 : i32
      %add3A_64 = arith.constant 2 : i32
      %add3A_65 = arith.addi %mul3A_63, %add3A_64 : i32
      %dma_start3A_66 = arith.constant 0 : i32
      %dma_start3A_67 = tpu.memref_slice %arg4[%add3A_65, %dma_start3A_66] : memref<80x128xi32, #tpu.memory_space<vmem>> -> memref<1x128xi32, #tpu.memory_space<vmem>>
      %dma_start3A_68 = tpu.memref_squeeze %dma_start3A_67 : memref<1x128xi32, #tpu.memory_space<vmem>> -> memref<128xi32, #tpu.memory_space<vmem>>
      %dma_start3A_69 = arith.constant 0 : i32
      %dma_start3A_70 = tpu.memref_slice %arg7[%dma_start3A_69] : memref<10240xf32, #tpu.memory_space<vmem_shared>> -> memref<10240xf32, #tpu.memory_space<vmem_shared>>
      tpu.enqueue_indirect_dma source(%arg5 : memref<128xf32, #tpu.memory_space<vmem>>) target(%dma_start3A_70 : memref<10240xf32, #tpu.memory_space<vmem_shared>>) offsets(%dma_start3A_68 : memref<128xi32, #tpu.memory_space<vmem>>) semaphore(%arg8 : memref<!tpu.dma_semaphore, #tpu.memory_space<semaphore_mem>>) {add = true}
      %mul3A_71 = arith.constant 8 : i32
      %mul3A_72 = arith.muli %scan3A_42, %mul3A_71 : i32
      %add3A_73 = arith.constant 3 : i32
      %add3A_74 = arith.addi %mul3A_72, %add3A_73 : i32
      %dma_start3A_75 = arith.constant 0 : i32
      %dma_start3A_76 = tpu.memref_slice %arg4[%add3A_74, %dma_start3A_75] : memref<80x128xi32, #tpu.memory_space<vmem>> -> memref<1x128xi32, #tpu.memory_space<vmem>>
      %dma_start3A_77 = tpu.memref_squeeze %dma_start3A_76 : memref<1x128xi32, #tpu.memory_space<vmem>> -> memref<128xi32, #tpu.memory_space<vmem>>
      %dma_start3A_78 = arith.constant 0 : i32
      %dma_start3A_79 = tpu.memref_slice %arg7[%dma_start3A_78] : memref<10240xf32, #tpu.memory_space<vmem_shared>> -> memref<10240xf32, #tpu.memory_space<vmem_shared>>
      tpu.enqueue_indirect_dma source(%arg5 : memref<128xf32, #tpu.memory_space<vmem>>) target(%dma_start3A_79 : memref<10240xf32, #tpu.memory_space<vmem_shared>>) offsets(%dma_start3A_77 : memref<128xi32, #tpu.memory_space<vmem>>) semaphore(%arg8 : memref<!tpu.dma_semaphore, #tpu.memory_space<semaphore_mem>>) {add = true}
      %mul3A_80 = arith.constant 8 : i32
      %mul3A_81 = arith.muli %scan3A_42, %mul3A_80 : i32
      %add3A_82 = arith.constant 4 : i32
      %add3A_83 = arith.addi %mul3A_81, %add3A_82 : i32
      %dma_start3A_84 = arith.constant 0 : i32
      %dma_start3A_85 = tpu.memref_slice %arg4[%add3A_83, %dma_start3A_84] : memref<80x128xi32, #tpu.memory_space<vmem>> -> memref<1x128xi32, #tpu.memory_space<vmem>>
      %dma_start3A_86 = tpu.memref_squeeze %dma_start3A_85 : memref<1x128xi32, #tpu.memory_space<vmem>> -> memref<128xi32, #tpu.memory_space<vmem>>
      %dma_start3A_87 = arith.constant 0 : i32
      %dma_start3A_88 = tpu.memref_slice %arg7[%dma_start3A_87] : memref<10240xf32, #tpu.memory_space<vmem_shared>> -> memref<10240xf32, #tpu.memory_space<vmem_shared>>
      tpu.enqueue_indirect_dma source(%arg5 : memref<128xf32, #tpu.memory_space<vmem>>) target(%dma_start3A_88 : memref<10240xf32, #tpu.memory_space<vmem_shared>>) offsets(%dma_start3A_86 : memref<128xi32, #tpu.memory_space<vmem>>) semaphore(%arg8 : memref<!tpu.dma_semaphore, #tpu.memory_space<semaphore_mem>>) {add = true}
      %mul3A_89 = arith.constant 8 : i32
      %mul3A_90 = arith.muli %scan3A_42, %mul3A_89 : i32
      %add3A_91 = arith.constant 5 : i32
      %add3A_92 = arith.addi %mul3A_90, %add3A_91 : i32
      %dma_start3A_93 = arith.constant 0 : i32
      %dma_start3A_94 = tpu.memref_slice %arg4[%add3A_92, %dma_start3A_93] : memref<80x128xi32, #tpu.memory_space<vmem>> -> memref<1x128xi32, #tpu.memory_space<vmem>>
      %dma_start3A_95 = tpu.memref_squeeze %dma_start3A_94 : memref<1x128xi32, #tpu.memory_space<vmem>> -> memref<128xi32, #tpu.memory_space<vmem>>
      %dma_start3A_96 = arith.constant 0 : i32
      %dma_start3A_97 = tpu.memref_slice %arg7[%dma_start3A_96] : memref<10240xf32, #tpu.memory_space<vmem_shared>> -> memref<10240xf32, #tpu.memory_space<vmem_shared>>
      tpu.enqueue_indirect_dma source(%arg5 : memref<128xf32, #tpu.memory_space<vmem>>) target(%dma_start3A_97 : memref<10240xf32, #tpu.memory_space<vmem_shared>>) offsets(%dma_start3A_95 : memref<128xi32, #tpu.memory_space<vmem>>) semaphore(%arg8 : memref<!tpu.dma_semaphore, #tpu.memory_space<semaphore_mem>>) {add = true}
      %mul3A_98 = arith.constant 8 : i32
      %mul3A_99 = arith.muli %scan3A_42, %mul3A_98 : i32
      %add3A_100 = arith.constant 6 : i32
      %add3A_101 = arith.addi %mul3A_99, %add3A_100 : i32
      %dma_start3A_102 = arith.constant 0 : i32
      %dma_start3A_103 = tpu.memref_slice %arg4[%add3A_101, %dma_start3A_102] : memref<80x128xi32, #tpu.memory_space<vmem>> -> memref<1x128xi32, #tpu.memory_space<vmem>>
      %dma_start3A_104 = tpu.memref_squeeze %dma_start3A_103 : memref<1x128xi32, #tpu.memory_space<vmem>> -> memref<128xi32, #tpu.memory_space<vmem>>
      %dma_start3A_105 = arith.constant 0 : i32
      %dma_start3A_106 = tpu.memref_slice %arg7[%dma_start3A_105] : memref<10240xf32, #tpu.memory_space<vmem_shared>> -> memref<10240xf32, #tpu.memory_space<vmem_shared>>
      tpu.enqueue_indirect_dma source(%arg5 : memref<128xf32, #tpu.memory_space<vmem>>) target(%dma_start3A_106 : memref<10240xf32, #tpu.memory_space<vmem_shared>>) offsets(%dma_start3A_104 : memref<128xi32, #tpu.memory_space<vmem>>) semaphore(%arg8 : memref<!tpu.dma_semaphore, #tpu.memory_space<semaphore_mem>>) {add = true}
      %mul3A_107 = arith.constant 8 : i32
      %mul3A_108 = arith.muli %scan3A_42, %mul3A_107 : i32
      %add3A_109 = arith.constant 7 : i32
      %add3A_110 = arith.addi %mul3A_108, %add3A_109 : i32
      %dma_start3A_111 = arith.constant 0 : i32
      %dma_start3A_112 = tpu.memref_slice %arg4[%add3A_110, %dma_start3A_111] : memref<80x128xi32, #tpu.memory_space<vmem>> -> memref<1x128xi32, #tpu.memory_space<vmem>>
      %dma_start3A_113 = tpu.memref_squeeze %dma_start3A_112 : memref<1x128xi32, #tpu.memory_space<vmem>> -> memref<128xi32, #tpu.memory_space<vmem>>
      %dma_start3A_114 = arith.constant 0 : i32
      %dma_start3A_115 = tpu.memref_slice %arg7[%dma_start3A_114] : memref<10240xf32, #tpu.memory_space<vmem_shared>> -> memref<10240xf32, #tpu.memory_space<vmem_shared>>
      tpu.enqueue_indirect_dma source(%arg5 : memref<128xf32, #tpu.memory_space<vmem>>) target(%dma_start3A_115 : memref<10240xf32, #tpu.memory_space<vmem_shared>>) offsets(%dma_start3A_113 : memref<128xi32, #tpu.memory_space<vmem>>) semaphore(%arg8 : memref<!tpu.dma_semaphore, #tpu.memory_space<semaphore_mem>>) {add = true}
      %dma_wait3A_116 = arith.constant 0 : i32
      %dma_wait3A_117 = arith.constant 0 : i32
      %dma_wait3A_118 = tpu.memref_slice %arg4[%dma_wait3A_116, %dma_wait3A_117] : memref<80x128xi32, #tpu.memory_space<vmem>> -> memref<1x128xi32, #tpu.memory_space<vmem>>
      %dma_wait3A_119 = tpu.memref_squeeze %dma_wait3A_118 : memref<1x128xi32, #tpu.memory_space<vmem>> -> memref<128xi32, #tpu.memory_space<vmem>>
      %dma_wait3A_120 = arith.constant 0 : i32
      %dma_wait3A_121 = tpu.memref_slice %arg7[%dma_wait3A_120] : memref<10240xf32, #tpu.memory_space<vmem_shared>> -> memref<10240xf32, #tpu.memory_space<vmem_shared>>
      tpu.wait_indirect_dma semaphore(%arg8 : memref<!tpu.dma_semaphore, #tpu.memory_space<semaphore_mem>>) src(%arg5 : memref<128xf32, #tpu.memory_space<vmem>>) dst(%dma_wait3A_121 : memref<10240xf32, #tpu.memory_space<vmem_shared>>)
      %dma_wait3A_122 = arith.constant 0 : i32
      %dma_wait3A_123 = arith.constant 0 : i32
      %dma_wait3A_124 = tpu.memref_slice %arg4[%dma_wait3A_122, %dma_wait3A_123] : memref<80x128xi32, #tpu.memory_space<vmem>> -> memref<1x128xi32, #tpu.memory_space<vmem>>
      %dma_wait3A_125 = tpu.memref_squeeze %dma_wait3A_124 : memref<1x128xi32, #tpu.memory_space<vmem>> -> memref<128xi32, #tpu.memory_space<vmem>>
      %dma_wait3A_126 = arith.constant 0 : i32
      %dma_wait3A_127 = tpu.memref_slice %arg7[%dma_wait3A_126] : memref<10240xf32, #tpu.memory_space<vmem_shared>> -> memref<10240xf32, #tpu.memory_space<vmem_shared>>
      tpu.wait_indirect_dma semaphore(%arg8 : memref<!tpu.dma_semaphore, #tpu.memory_space<semaphore_mem>>) src(%arg5 : memref<128xf32, #tpu.memory_space<vmem>>) dst(%dma_wait3A_127 : memref<10240xf32, #tpu.memory_space<vmem_shared>>)
      %dma_wait3A_128 = arith.constant 0 : i32
      %dma_wait3A_129 = arith.constant 0 : i32
      %dma_wait3A_130 = tpu.memref_slice %arg4[%dma_wait3A_128, %dma_wait3A_129] : memref<80x128xi32, #tpu.memory_space<vmem>> -> memref<1x128xi32, #tpu.memory_space<vmem>>
      %dma_wait3A_131 = tpu.memref_squeeze %dma_wait3A_130 : memref<1x128xi32, #tpu.memory_space<vmem>> -> memref<128xi32, #tpu.memory_space<vmem>>
      %dma_wait3A_132 = arith.constant 0 : i32
      %dma_wait3A_133 = tpu.memref_slice %arg7[%dma_wait3A_132] : memref<10240xf32, #tpu.memory_space<vmem_shared>> -> memref<10240xf32, #tpu.memory_space<vmem_shared>>
      tpu.wait_indirect_dma semaphore(%arg8 : memref<!tpu.dma_semaphore, #tpu.memory_space<semaphore_mem>>) src(%arg5 : memref<128xf32, #tpu.memory_space<vmem>>) dst(%dma_wait3A_133 : memref<10240xf32, #tpu.memory_space<vmem_shared>>)
      %dma_wait3A_134 = arith.constant 0 : i32
      %dma_wait3A_135 = arith.constant 0 : i32
      %dma_wait3A_136 = tpu.memref_slice %arg4[%dma_wait3A_134, %dma_wait3A_135] : memref<80x128xi32, #tpu.memory_space<vmem>> -> memref<1x128xi32, #tpu.memory_space<vmem>>
      %dma_wait3A_137 = tpu.memref_squeeze %dma_wait3A_136 : memref<1x128xi32, #tpu.memory_space<vmem>> -> memref<128xi32, #tpu.memory_space<vmem>>
      %dma_wait3A_138 = arith.constant 0 : i32
      %dma_wait3A_139 = tpu.memref_slice %arg7[%dma_wait3A_138] : memref<10240xf32, #tpu.memory_space<vmem_shared>> -> memref<10240xf32, #tpu.memory_space<vmem_shared>>
      tpu.wait_indirect_dma semaphore(%arg8 : memref<!tpu.dma_semaphore, #tpu.memory_space<semaphore_mem>>) src(%arg5 : memref<128xf32, #tpu.memory_space<vmem>>) dst(%dma_wait3A_139 : memref<10240xf32, #tpu.memory_space<vmem_shared>>)
      %dma_wait3A_140 = arith.constant 0 : i32
      %dma_wait3A_141 = arith.constant 0 : i32
      %dma_wait3A_142 = tpu.memref_slice %arg4[%dma_wait3A_140, %dma_wait3A_141] : memref<80x128xi32, #tpu.memory_space<vmem>> -> memref<1x128xi32, #tpu.memory_space<vmem>>
      %dma_wait3A_143 = tpu.memref_squeeze %dma_wait3A_142 : memref<1x128xi32, #tpu.memory_space<vmem>> -> memref<128xi32, #tpu.memory_space<vmem>>
      %dma_wait3A_144 = arith.constant 0 : i32
      %dma_wait3A_145 = tpu.memref_slice %arg7[%dma_wait3A_144] : memref<10240xf32, #tpu.memory_space<vmem_shared>> -> memref<10240xf32, #tpu.memory_space<vmem_shared>>
      tpu.wait_indirect_dma semaphore(%arg8 : memref<!tpu.dma_semaphore, #tpu.memory_space<semaphore_mem>>) src(%arg5 : memref<128xf32, #tpu.memory_space<vmem>>) dst(%dma_wait3A_145 : memref<10240xf32, #tpu.memory_space<vmem_shared>>)
      %dma_wait3A_146 = arith.constant 0 : i32
      %dma_wait3A_147 = arith.constant 0 : i32
      %dma_wait3A_148 = tpu.memref_slice %arg4[%dma_wait3A_146, %dma_wait3A_147] : memref<80x128xi32, #tpu.memory_space<vmem>> -> memref<1x128xi32, #tpu.memory_space<vmem>>
      %dma_wait3A_149 = tpu.memref_squeeze %dma_wait3A_148 : memref<1x128xi32, #tpu.memory_space<vmem>> -> memref<128xi32, #tpu.memory_space<vmem>>
      %dma_wait3A_150 = arith.constant 0 : i32
      %dma_wait3A_151 = tpu.memref_slice %arg7[%dma_wait3A_150] : memref<10240xf32, #tpu.memory_space<vmem_shared>> -> memref<10240xf32, #tpu.memory_space<vmem_shared>>
      tpu.wait_indirect_dma semaphore(%arg8 : memref<!tpu.dma_semaphore, #tpu.memory_space<semaphore_mem>>) src(%arg5 : memref<128xf32, #tpu.memory_space<vmem>>) dst(%dma_wait3A_151 : memref<10240xf32, #tpu.memory_space<vmem_shared>>)
      %dma_wait3A_152 = arith.constant 0 : i32
      %dma_wait3A_153 = arith.constant 0 : i32
      %dma_wait3A_154 = tpu.memref_slice %arg4[%dma_wait3A_152, %dma_wait3A_153] : memref<80x128xi32, #tpu.memory_space<vmem>> -> memref<1x128xi32, #tpu.memory_space<vmem>>
      %dma_wait3A_155 = tpu.memref_squeeze %dma_wait3A_154 : memref<1x128xi32, #tpu.memory_space<vmem>> -> memref<128xi32, #tpu.memory_space<vmem>>
      %dma_wait3A_156 = arith.constant 0 : i32
      %dma_wait3A_157 = tpu.memref_slice %arg7[%dma_wait3A_156] : memref<10240xf32, #tpu.memory_space<vmem_shared>> -> memref<10240xf32, #tpu.memory_space<vmem_shared>>
      tpu.wait_indirect_dma semaphore(%arg8 : memref<!tpu.dma_semaphore, #tpu.memory_space<semaphore_mem>>) src(%arg5 : memref<128xf32, #tpu.memory_space<vmem>>) dst(%dma_wait3A_157 : memref<10240xf32, #tpu.memory_space<vmem_shared>>)
      %dma_wait3A_158 = arith.constant 0 : i32
      %dma_wait3A_159 = arith.constant 0 : i32
      %dma_wait3A_160 = tpu.memref_slice %arg4[%dma_wait3A_158, %dma_wait3A_159] : memref<80x128xi32, #tpu.memory_space<vmem>> -> memref<1x128xi32, #tpu.memory_space<vmem>>
      %dma_wait3A_161 = tpu.memref_squeeze %dma_wait3A_160 : memref<1x128xi32, #tpu.memory_space<vmem>> -> memref<128xi32, #tpu.memory_space<vmem>>
      %dma_wait3A_162 = arith.constant 0 : i32
      %dma_wait3A_163 = tpu.memref_slice %arg7[%dma_wait3A_162] : memref<10240xf32, #tpu.memory_space<vmem_shared>> -> memref<10240xf32, #tpu.memory_space<vmem_shared>>
      tpu.wait_indirect_dma semaphore(%arg8 : memref<!tpu.dma_semaphore, #tpu.memory_space<semaphore_mem>>) src(%arg5 : memref<128xf32, #tpu.memory_space<vmem>>) dst(%dma_wait3A_163 : memref<10240xf32, #tpu.memory_space<vmem_shared>>)
      %scan3A_164 = arith.constant 0 : i32
      scf.yield %scan3A_164 : i32
    }
    %scan3A_36 = arith.constant 10 : i32
    %barrier3A_37 = arith.constant 0 : index
    tpu.barrier barrier_id(%barrier3A_37)
    %mul3A_38 = arith.constant 640 : i32
    %mul3A_39 = arith.muli %arg1, %mul3A_38 : i32
    %mul3A_40 = arith.constant 640 : i32
    %mul3A_41 = arith.muli %arg1, %mul3A_40 : i32
    "tpu.region"() ({
      %run_scoped3A = tpu.sem_alloc : memref<!tpu.dma_semaphore, #tpu.memory_space<semaphore_mem>>
      %dma_start3A_42 = tpu.memref_slice %arg3[%arg0, %mul3A_41] : memref<2x10240xf32, #tpu.memory_space<hbm>> -> memref<1x640xf32, #tpu.memory_space<hbm>>
      %dma_start3A_43 = tpu.memref_squeeze %dma_start3A_42 : memref<1x640xf32, #tpu.memory_space<hbm>> -> memref<640xf32, #tpu.memory_space<hbm>>
      %dma_start3A_44 = tpu.memref_slice %arg7[%mul3A_39] : memref<10240xf32, #tpu.memory_space<vmem_shared>> -> memref<640xf32, #tpu.memory_space<vmem_shared>>
      tpu.enqueue_dma source(%dma_start3A_44 : memref<640xf32, #tpu.memory_space<vmem_shared>>) target(%dma_start3A_43 : memref<640xf32, #tpu.memory_space<hbm>>) target_semaphore(%run_scoped3A : memref<!tpu.dma_semaphore, #tpu.memory_space<semaphore_mem>>)
      %dma_wait3A_45 = tpu.memref_slice %arg3[%arg0, %mul3A_41] : memref<2x10240xf32, #tpu.memory_space<hbm>> -> memref<1x640xf32, #tpu.memory_space<hbm>>
      %dma_wait3A_46 = tpu.memref_squeeze %dma_wait3A_45 : memref<1x640xf32, #tpu.memory_space<hbm>> -> memref<640xf32, #tpu.memory_space<hbm>>
      %dma_wait3A_47 = tpu.memref_slice %arg7[%mul3A_39] : memref<10240xf32, #tpu.memory_space<vmem_shared>> -> memref<640xf32, #tpu.memory_space<vmem_shared>>
      tpu.wait_dma2 semaphore(%run_scoped3A : memref<!tpu.dma_semaphore, #tpu.memory_space<semaphore_mem>>) src(%dma_wait3A_47 : memref<640xf32, #tpu.memory_space<vmem_shared>>) dst(%dma_wait3A_46 : memref<640xf32, #tpu.memory_space<hbm>>)
      tpu.yield
    }) : () -> ()
    return
  }
}

#map = affine_map<(d0, d1) -> (0, 0)>
#map1 = affine_map<(d0, d1) -> (0, 0, 0)>
module attributes {stable_mosaic.version = 14 : i64} {
  func.func @_agg_kernel(%arg0: i32, %arg1: i32, %arg2: memref<10240x128xf32, #tpu.memory_space<hbm>>, %arg3: memref<32x80x128xi32, #tpu.memory_space<hbm>>, %arg4: memref<32x80x128xi32, #tpu.memory_space<hbm>>, %arg5: memref<2x10240x128xf32, #tpu.memory_space<hbm>>, %arg6: memref<40x128xi32, #tpu.memory_space<vmem>>, %arg7: memref<40x128xi32, #tpu.memory_space<vmem>>, %arg8: memref<128x128xf32, #tpu.memory_space<vmem>>, %arg9: memref<128x128xf32, #tpu.memory_space<vmem>>, %arg10: memref<10240x128xf32, #tpu.memory_space<vmem_shared>>, %arg11: memref<!tpu.dma_semaphore, #tpu.memory_space<semaphore_mem>>, %arg12: memref<!tpu.dma_semaphore, #tpu.memory_space<semaphore_mem>>, %arg13: memref<!tpu.dma_semaphore, #tpu.memory_space<semaphore_mem>>) attributes {dimension_semantics = [#tpu.dimension_semantics<core_parallel>, #tpu.dimension_semantics<subcore_parallel>], iteration_bounds = array<i64: 2, 16>, scalar_prefetch = 0 : i64, scratch_operands = 8 : i64, tpu.core_type = #tpu.core_type<sc_vector_subcore>, window_params = [{transform_indices = #map}, {transform_indices = #map1}, {transform_indices = #map1}, {transform_indices = #map1}]} {
    %mul3A = arith.constant 16 : i32
    %mul3A_0 = arith.muli %arg0, %mul3A : i32
    %add3A = arith.addi %mul3A_0, %arg1 : i32
    %scan3A = arith.constant 0 : i32
    %scan3A_1 = arith.constant 0 : i32
    %scan3A_2 = arith.constant 128 : i32
    %scan3A_3 = arith.addi %scan3A_1, %scan3A_2 : i32
    %scan3A_4 = arith.constant 1 : i32
    %scan3A_5 = scf.for %scan3A_109 = %scan3A_1 to %scan3A_3 step %scan3A_4 iter_args(%scan3A_110 = %scan3A) -> (i32)  : i32 {
      %scan3A_111 = arith.constant 0 : i32
      %scan3A_112 = arith.constant 0 : i32
      %scan3A_113 = arith.constant 8 : i32
      %scan3A_114 = arith.addi %scan3A_112, %scan3A_113 : i32
      %scan3A_115 = arith.constant 1 : i32
      %scan3A_116 = scf.for %scan3A_119 = %scan3A_112 to %scan3A_114 step %scan3A_115 iter_args(%scan3A_120 = %scan3A_111) -> (i32)  : i32 {
        %broadcast_in_dim3A = arith.constant 0.000000e+00 : f32
        %broadcast_in_dim3A_121 = vector.broadcast %broadcast_in_dim3A : f32 to vector<16xf32>
        %mul3A_122 = arith.constant 16 : i32
        %mul3A_123 = arith.muli %scan3A_119, %mul3A_122 : i32
        %swap3A = arith.index_cast %scan3A_109 : i32 to index
        %swap3A_124 = arith.index_cast %mul3A_123 : i32 to index
        %swap3A_125 = tpu.vector_load %arg8[%swap3A, %swap3A_124] {strides = array<i32>} : memref<128x128xf32, #tpu.memory_space<vmem>>, vector<1x16xf32>,
        %swap3A_126 = vector.shape_cast %swap3A_125 : vector<1x16xf32> to vector<16xf32>
        %swap3A_127 = vector.shape_cast %broadcast_in_dim3A_121 : vector<16xf32> to vector<1x16xf32>
        tpu.vector_store %arg8[%swap3A, %swap3A_124], %swap3A_127 {strides = array<i32>} : memref<128x128xf32, #tpu.memory_space<vmem>>, vector<1x16xf32>,
        %scan3A_128 = arith.constant 0 : i32
        scf.yield %scan3A_128 : i32
      }
      %scan3A_117 = arith.constant 8 : i32
      %scan3A_118 = arith.constant 0 : i32
      scf.yield %scan3A_118 : i32
    }
    %scan3A_6 = arith.constant 128 : i32
    %scan3A_7 = arith.constant 0 : i32
    %scan3A_8 = arith.constant 0 : i32
    %scan3A_9 = arith.constant 5 : i32
    %scan3A_10 = arith.addi %scan3A_8, %scan3A_9 : i32
    %scan3A_11 = arith.constant 1 : i32
    %scan3A_12 = scf.for %scan3A_109 = %scan3A_8 to %scan3A_10 step %scan3A_11 iter_args(%scan3A_110 = %scan3A_7) -> (i32)  : i32 {
      %mul3A_111 = arith.constant 640 : i32
      %mul3A_112 = arith.muli %arg1, %mul3A_111 : i32
      %mul3A_113 = arith.constant 128 : i32
      %mul3A_114 = arith.muli %scan3A_109, %mul3A_113 : i32
      %add3A_115 = arith.addi %mul3A_112, %mul3A_114 : i32
      "tpu.region"() ({
        %run_scoped3A = tpu.sem_alloc : memref<!tpu.dma_semaphore, #tpu.memory_space<semaphore_mem>>
        %dma_start3A_117 = arith.constant 0 : i32
        %dma_start3A_118 = tpu.memref_slice %arg10[%add3A_115, %dma_start3A_117] : memref<10240x128xf32, #tpu.memory_space<vmem_shared>> -> memref<128x128xf32, #tpu.memory_space<vmem_shared>>
        %dma_start3A_119 = arith.constant 0 : i32
        %dma_start3A_120 = tpu.memref_slice %arg10[%add3A_115, %dma_start3A_119] : memref<10240x128xf32, #tpu.memory_space<vmem_shared>> -> memref<128x128xf32, #tpu.memory_space<vmem_shared>>
        tpu.enqueue_dma source(%arg8 : memref<128x128xf32, #tpu.memory_space<vmem>>) target(%dma_start3A_120 : memref<128x128xf32, #tpu.memory_space<vmem_shared>>) target_semaphore(%run_scoped3A : memref<!tpu.dma_semaphore, #tpu.memory_space<semaphore_mem>>)
        %dma_wait3A_121 = arith.constant 0 : i32
        %dma_wait3A_122 = tpu.memref_slice %arg10[%add3A_115, %dma_wait3A_121] : memref<10240x128xf32, #tpu.memory_space<vmem_shared>> -> memref<128x128xf32, #tpu.memory_space<vmem_shared>>
        %dma_wait3A_123 = arith.constant 0 : i32
        %dma_wait3A_124 = tpu.memref_slice %arg10[%add3A_115, %dma_wait3A_123] : memref<10240x128xf32, #tpu.memory_space<vmem_shared>> -> memref<128x128xf32, #tpu.memory_space<vmem_shared>>
        tpu.wait_dma2 semaphore(%run_scoped3A : memref<!tpu.dma_semaphore, #tpu.memory_space<semaphore_mem>>) src(%arg8 : memref<128x128xf32, #tpu.memory_space<vmem>>) dst(%dma_wait3A_124 : memref<128x128xf32, #tpu.memory_space<vmem_shared>>)
        tpu.yield
      }) : () -> ()
      %scan3A_116 = arith.constant 0 : i32
      scf.yield %scan3A_116 : i32
    }
    %scan3A_13 = arith.constant 5 : i32
    %barrier3A = arith.constant 0 : index
    tpu.barrier barrier_id(%barrier3A)
    %dma_start3A = arith.constant 0 : i32
    %dma_start3A_14 = arith.constant 0 : i32
    %dma_start3A_15 = tpu.memref_slice %arg3[%add3A, %dma_start3A, %dma_start3A_14] : memref<32x80x128xi32, #tpu.memory_space<hbm>> -> memref<1x40x128xi32, #tpu.memory_space<hbm>>
    %dma_start3A_16 = tpu.memref_squeeze %dma_start3A_15 : memref<1x40x128xi32, #tpu.memory_space<hbm>> -> memref<40x128xi32, #tpu.memory_space<hbm>>
    %dma_start3A_17 = arith.constant 0 : i32
    %dma_start3A_18 = arith.constant 0 : i32
    %dma_start3A_19 = tpu.memref_slice %arg3[%add3A, %dma_start3A_17, %dma_start3A_18] : memref<32x80x128xi32, #tpu.memory_space<hbm>> -> memref<1x40x128xi32, #tpu.memory_space<hbm>>
    %dma_start3A_20 = tpu.memref_squeeze %dma_start3A_19 : memref<1x40x128xi32, #tpu.memory_space<hbm>> -> memref<40x128xi32, #tpu.memory_space<hbm>>
    tpu.enqueue_dma source(%dma_start3A_20 : memref<40x128xi32, #tpu.memory_space<hbm>>) target(%arg6 : memref<40x128xi32, #tpu.memory_space<vmem>>) target_semaphore(%arg13 : memref<!tpu.dma_semaphore, #tpu.memory_space<semaphore_mem>>)
    %dma_start3A_21 = arith.constant 0 : i32
    %dma_start3A_22 = arith.constant 0 : i32
    %dma_start3A_23 = tpu.memref_slice %arg4[%add3A, %dma_start3A_21, %dma_start3A_22] : memref<32x80x128xi32, #tpu.memory_space<hbm>> -> memref<1x40x128xi32, #tpu.memory_space<hbm>>
    %dma_start3A_24 = tpu.memref_squeeze %dma_start3A_23 : memref<1x40x128xi32, #tpu.memory_space<hbm>> -> memref<40x128xi32, #tpu.memory_space<hbm>>
    %dma_start3A_25 = arith.constant 0 : i32
    %dma_start3A_26 = arith.constant 0 : i32
    %dma_start3A_27 = tpu.memref_slice %arg4[%add3A, %dma_start3A_25, %dma_start3A_26] : memref<32x80x128xi32, #tpu.memory_space<hbm>> -> memref<1x40x128xi32, #tpu.memory_space<hbm>>
    %dma_start3A_28 = tpu.memref_squeeze %dma_start3A_27 : memref<1x40x128xi32, #tpu.memory_space<hbm>> -> memref<40x128xi32, #tpu.memory_space<hbm>>
    tpu.enqueue_dma source(%dma_start3A_28 : memref<40x128xi32, #tpu.memory_space<hbm>>) target(%arg7 : memref<40x128xi32, #tpu.memory_space<vmem>>) target_semaphore(%arg13 : memref<!tpu.dma_semaphore, #tpu.memory_space<semaphore_mem>>)
    %dma_wait3A = arith.constant 0 : i32
    %dma_wait3A_29 = arith.constant 0 : i32
    %dma_wait3A_30 = tpu.memref_slice %arg3[%add3A, %dma_wait3A, %dma_wait3A_29] : memref<32x80x128xi32, #tpu.memory_space<hbm>> -> memref<1x40x128xi32, #tpu.memory_space<hbm>>
    %dma_wait3A_31 = tpu.memref_squeeze %dma_wait3A_30 : memref<1x40x128xi32, #tpu.memory_space<hbm>> -> memref<40x128xi32, #tpu.memory_space<hbm>>
    %dma_wait3A_32 = arith.constant 0 : i32
    %dma_wait3A_33 = arith.constant 0 : i32
    %dma_wait3A_34 = tpu.memref_slice %arg3[%add3A, %dma_wait3A_32, %dma_wait3A_33] : memref<32x80x128xi32, #tpu.memory_space<hbm>> -> memref<1x40x128xi32, #tpu.memory_space<hbm>>
    %dma_wait3A_35 = tpu.memref_squeeze %dma_wait3A_34 : memref<1x40x128xi32, #tpu.memory_space<hbm>> -> memref<40x128xi32, #tpu.memory_space<hbm>>
    tpu.wait_dma2 semaphore(%arg13 : memref<!tpu.dma_semaphore, #tpu.memory_space<semaphore_mem>>) src(%dma_wait3A_35 : memref<40x128xi32, #tpu.memory_space<hbm>>) dst(%arg6 : memref<40x128xi32, #tpu.memory_space<vmem>>)
    %dma_wait3A_36 = arith.constant 0 : i32
    %dma_wait3A_37 = arith.constant 0 : i32
    %dma_wait3A_38 = tpu.memref_slice %arg4[%add3A, %dma_wait3A_36, %dma_wait3A_37] : memref<32x80x128xi32, #tpu.memory_space<hbm>> -> memref<1x40x128xi32, #tpu.memory_space<hbm>>
    %dma_wait3A_39 = tpu.memref_squeeze %dma_wait3A_38 : memref<1x40x128xi32, #tpu.memory_space<hbm>> -> memref<40x128xi32, #tpu.memory_space<hbm>>
    %dma_wait3A_40 = arith.constant 0 : i32
    %dma_wait3A_41 = arith.constant 0 : i32
    %dma_wait3A_42 = tpu.memref_slice %arg4[%add3A, %dma_wait3A_40, %dma_wait3A_41] : memref<32x80x128xi32, #tpu.memory_space<hbm>> -> memref<1x40x128xi32, #tpu.memory_space<hbm>>
    %dma_wait3A_43 = tpu.memref_squeeze %dma_wait3A_42 : memref<1x40x128xi32, #tpu.memory_space<hbm>> -> memref<40x128xi32, #tpu.memory_space<hbm>>
    tpu.wait_dma2 semaphore(%arg13 : memref<!tpu.dma_semaphore, #tpu.memory_space<semaphore_mem>>) src(%dma_wait3A_43 : memref<40x128xi32, #tpu.memory_space<hbm>>) dst(%arg7 : memref<40x128xi32, #tpu.memory_space<vmem>>)
    %dma_start3A_44 = arith.constant 0 : i32
    %dma_start3A_45 = arith.constant 0 : i32
    %dma_start3A_46 = tpu.memref_slice %arg6[%dma_start3A_44, %dma_start3A_45] : memref<40x128xi32, #tpu.memory_space<vmem>> -> memref<1x128xi32, #tpu.memory_space<vmem>>
    %dma_start3A_47 = tpu.memref_squeeze %dma_start3A_46 : memref<1x128xi32, #tpu.memory_space<vmem>> -> memref<128xi32, #tpu.memory_space<vmem>>
    %dma_start3A_48 = arith.constant 0 : i32
    %dma_start3A_49 = arith.constant 0 : i32
    %dma_start3A_50 = tpu.memref_slice %arg2[%dma_start3A_48, %dma_start3A_49] : memref<10240x128xf32, #tpu.memory_space<hbm>> -> memref<10240x128xf32, #tpu.memory_space<hbm>>
    tpu.enqueue_indirect_dma source(%dma_start3A_50 : memref<10240x128xf32, #tpu.memory_space<hbm>>) target(%arg8 : memref<128x128xf32, #tpu.memory_space<vmem>>) offsets(%dma_start3A_47 : memref<128xi32, #tpu.memory_space<vmem>>) semaphore(%arg11 : memref<!tpu.dma_semaphore, #tpu.memory_space<semaphore_mem>>)
    %scan3A_51 = arith.constant 0 : i32
    %scan3A_52 = arith.constant 0 : i32
    %scan3A_53 = arith.constant 40 : i32
    %scan3A_54 = arith.addi %scan3A_52, %scan3A_53 : i32
    %scan3A_55 = arith.constant 1 : i32
    %scan3A_56 = scf.for %scan3A_109 = %scan3A_52 to %scan3A_54 step %scan3A_55 iter_args(%scan3A_110 = %scan3A_51) -> (i32)  : i32 {
      %jit3A = arith.constant 2 : i32
      %eq3A = arith.constant 0 : i32
      %eq3A_111 = arith.cmpi eq, %jit3A, %eq3A : i32
      %jit3A_112 = arith.constant 1 : i32
      %select_n3A = arith.select %eq3A_111, %jit3A_112, %jit3A : i32
      %rem3A = arith.remsi %scan3A_109, %select_n3A : i32
      %ne3A = arith.constant 0 : i32
      %ne3A_113 = arith.cmpi ne, %rem3A, %ne3A : i32
      %lt3A = arith.constant 0 : i32
      %lt3A_114 = arith.cmpi slt, %rem3A, %lt3A : i32
      %lt3A_115 = arith.constant 0 : i32
      %lt3A_116 = arith.cmpi slt, %select_n3A, %lt3A_115 : i32
      %ne3A_117 = arith.xori %lt3A_114, %lt3A_116 : i1
      %and3A = arith.andi %ne3A_117, %ne3A_113 : i1
      %add3A_118 = arith.addi %rem3A, %select_n3A : i32
      %select_n3A_119 = arith.select %and3A, %add3A_118, %rem3A : i32
      %eq3A_120 = arith.constant 0 : i32
      %eq3A_121 = arith.cmpi eq, %select_n3A_119, %eq3A_120 : i32
      %convert_element_type3A = arith.extui %eq3A_121 : i1 to i32
      %cond3A = arith.constant 0 : i32
      %cond3A_122 = arith.cmpi ne, %convert_element_type3A, %cond3A : i32
      scf.if %cond3A_122 {
        %add3A_145 = arith.constant 1 : i32
        %add3A_146 = arith.addi %scan3A_109, %add3A_145 : i32
        %lt3A_147 = arith.constant 40 : i32
        %lt3A_148 = arith.cmpi slt, %add3A_146, %lt3A_147 : i32
        %convert_element_type3A_149 = arith.extui %lt3A_148 : i1 to i32
        %cond3A_150 = arith.constant 0 : i32
        %cond3A_151 = arith.cmpi ne, %convert_element_type3A_149, %cond3A_150 : i32
        scf.if %cond3A_151 {
          %add3A_159 = arith.constant 1 : i32
          %add3A_160 = arith.addi %scan3A_109, %add3A_159 : i32
          %dma_start3A_161 = arith.constant 0 : i32
          %dma_start3A_162 = tpu.memref_slice %arg6[%add3A_160, %dma_start3A_161] : memref<40x128xi32, #tpu.memory_space<vmem>> -> memref<1x128xi32, #tpu.memory_space<vmem>>
          %dma_start3A_163 = tpu.memref_squeeze %dma_start3A_162 : memref<1x128xi32, #tpu.memory_space<vmem>> -> memref<128xi32, #tpu.memory_space<vmem>>
          %dma_start3A_164 = arith.constant 0 : i32
          %dma_start3A_165 = arith.constant 0 : i32
          %dma_start3A_166 = tpu.memref_slice %arg2[%dma_start3A_164, %dma_start3A_165] : memref<10240x128xf32, #tpu.memory_space<hbm>> -> memref<10240x128xf32, #tpu.memory_space<hbm>>
          tpu.enqueue_indirect_dma source(%dma_start3A_166 : memref<10240x128xf32, #tpu.memory_space<hbm>>) target(%arg9 : memref<128x128xf32, #tpu.memory_space<vmem>>) offsets(%dma_start3A_163 : memref<128xi32, #tpu.memory_space<vmem>>) semaphore(%arg12 : memref<!tpu.dma_semaphore, #tpu.memory_space<semaphore_mem>>)
        } else {
        }
        %dma_wait3A_152 = arith.constant 0 : i32
        %dma_wait3A_153 = arith.constant 0 : i32
        %dma_wait3A_154 = tpu.memref_slice %arg6[%dma_wait3A_152, %dma_wait3A_153] : memref<40x128xi32, #tpu.memory_space<vmem>> -> memref<1x128xi32, #tpu.memory_space<vmem>>
        %dma_wait3A_155 = tpu.memref_squeeze %dma_wait3A_154 : memref<1x128xi32, #tpu.memory_space<vmem>> -> memref<128xi32, #tpu.memory_space<vmem>>
        %dma_wait3A_156 = arith.constant 0 : i32
        %dma_wait3A_157 = arith.constant 0 : i32
        %dma_wait3A_158 = tpu.memref_slice %arg2[%dma_wait3A_156, %dma_wait3A_157] : memref<10240x128xf32, #tpu.memory_space<hbm>> -> memref<10240x128xf32, #tpu.memory_space<hbm>>
        tpu.wait_indirect_dma semaphore(%arg11 : memref<!tpu.dma_semaphore, #tpu.memory_space<semaphore_mem>>) src(%dma_wait3A_158 : memref<10240x128xf32, #tpu.memory_space<hbm>>) dst(%arg8 : memref<128x128xf32, #tpu.memory_space<vmem>>)
        "tpu.region"() ({
          %run_scoped3A = tpu.sem_alloc : memref<!tpu.dma_semaphore, #tpu.memory_space<semaphore_mem>>
          %dma_start3A_159 = arith.constant 0 : i32
          %dma_start3A_160 = tpu.memref_slice %arg7[%scan3A_109, %dma_start3A_159] : memref<40x128xi32, #tpu.memory_space<vmem>> -> memref<1x128xi32, #tpu.memory_space<vmem>>
          %dma_start3A_161 = tpu.memref_squeeze %dma_start3A_160 : memref<1x128xi32, #tpu.memory_space<vmem>> -> memref<128xi32, #tpu.memory_space<vmem>>
          %dma_start3A_162 = arith.constant 0 : i32
          %dma_start3A_163 = arith.constant 0 : i32
          %dma_start3A_164 = tpu.memref_slice %arg10[%dma_start3A_162, %dma_start3A_163] : memref<10240x128xf32, #tpu.memory_space<vmem_shared>> -> memref<10240x128xf32, #tpu.memory_space<vmem_shared>>
          tpu.enqueue_indirect_dma source(%arg8 : memref<128x128xf32, #tpu.memory_space<vmem>>) target(%dma_start3A_164 : memref<10240x128xf32, #tpu.memory_space<vmem_shared>>) offsets(%dma_start3A_161 : memref<128xi32, #tpu.memory_space<vmem>>) semaphore(%run_scoped3A : memref<!tpu.dma_semaphore, #tpu.memory_space<semaphore_mem>>) {add = true}
          %dma_wait3A_165 = arith.constant 0 : i32
          %dma_wait3A_166 = tpu.memref_slice %arg7[%scan3A_109, %dma_wait3A_165] : memref<40x128xi32, #tpu.memory_space<vmem>> -> memref<1x128xi32, #tpu.memory_space<vmem>>
          %dma_wait3A_167 = tpu.memref_squeeze %dma_wait3A_166 : memref<1x128xi32, #tpu.memory_space<vmem>> -> memref<128xi32, #tpu.memory_space<vmem>>
          %dma_wait3A_168 = arith.constant 0 : i32
          %dma_wait3A_169 = arith.constant 0 : i32
          %dma_wait3A_170 = tpu.memref_slice %arg10[%dma_wait3A_168, %dma_wait3A_169] : memref<10240x128xf32, #tpu.memory_space<vmem_shared>> -> memref<10240x128xf32, #tpu.memory_space<vmem_shared>>
          tpu.wait_indirect_dma semaphore(%run_scoped3A : memref<!tpu.dma_semaphore, #tpu.memory_space<semaphore_mem>>) src(%arg8 : memref<128x128xf32, #tpu.memory_space<vmem>>) dst(%dma_wait3A_170 : memref<10240x128xf32, #tpu.memory_space<vmem_shared>>)
          tpu.yield
        }) : () -> ()
      } else {
      }
      %jit3A_123 = arith.constant 2 : i32
      %eq3A_124 = arith.constant 0 : i32
      %eq3A_125 = arith.cmpi eq, %jit3A_123, %eq3A_124 : i32
      %jit3A_126 = arith.constant 1 : i32
      %select_n3A_127 = arith.select %eq3A_125, %jit3A_126, %jit3A_123 : i32
      %rem3A_128 = arith.remsi %scan3A_109, %select_n3A_127 : i32
      %ne3A_129 = arith.constant 0 : i32
      %ne3A_130 = arith.cmpi ne, %rem3A_128, %ne3A_129 : i32
      %lt3A_131 = arith.constant 0 : i32
      %lt3A_132 = arith.cmpi slt, %rem3A_128, %lt3A_131 : i32
      %lt3A_133 = arith.constant 0 : i32
      %lt3A_134 = arith.cmpi slt, %select_n3A_127, %lt3A_133 : i32
      %ne3A_135 = arith.xori %lt3A_132, %lt3A_134 : i1
      %and3A_136 = arith.andi %ne3A_135, %ne3A_130 : i1
      %add3A_137 = arith.addi %rem3A_128, %select_n3A_127 : i32
      %select_n3A_138 = arith.select %and3A_136, %add3A_137, %rem3A_128 : i32
      %eq3A_139 = arith.constant 1 : i32
      %eq3A_140 = arith.cmpi eq, %select_n3A_138, %eq3A_139 : i32
      %convert_element_type3A_141 = arith.extui %eq3A_140 : i1 to i32
      %cond3A_142 = arith.constant 0 : i32
      %cond3A_143 = arith.cmpi ne, %convert_element_type3A_141, %cond3A_142 : i32
      scf.if %cond3A_143 {
        %add3A_145 = arith.constant 1 : i32
        %add3A_146 = arith.addi %scan3A_109, %add3A_145 : i32
        %lt3A_147 = arith.constant 40 : i32
        %lt3A_148 = arith.cmpi slt, %add3A_146, %lt3A_147 : i32
        %convert_element_type3A_149 = arith.extui %lt3A_148 : i1 to i32
        %cond3A_150 = arith.constant 0 : i32
        %cond3A_151 = arith.cmpi ne, %convert_element_type3A_149, %cond3A_150 : i32
        scf.if %cond3A_151 {
          %add3A_159 = arith.constant 1 : i32
          %add3A_160 = arith.addi %scan3A_109, %add3A_159 : i32
          %dma_start3A_161 = arith.constant 0 : i32
          %dma_start3A_162 = tpu.memref_slice %arg6[%add3A_160, %dma_start3A_161] : memref<40x128xi32, #tpu.memory_space<vmem>> -> memref<1x128xi32, #tpu.memory_space<vmem>>
          %dma_start3A_163 = tpu.memref_squeeze %dma_start3A_162 : memref<1x128xi32, #tpu.memory_space<vmem>> -> memref<128xi32, #tpu.memory_space<vmem>>
          %dma_start3A_164 = arith.constant 0 : i32
          %dma_start3A_165 = arith.constant 0 : i32
          %dma_start3A_166 = tpu.memref_slice %arg2[%dma_start3A_164, %dma_start3A_165] : memref<10240x128xf32, #tpu.memory_space<hbm>> -> memref<10240x128xf32, #tpu.memory_space<hbm>>
          tpu.enqueue_indirect_dma source(%dma_start3A_166 : memref<10240x128xf32, #tpu.memory_space<hbm>>) target(%arg8 : memref<128x128xf32, #tpu.memory_space<vmem>>) offsets(%dma_start3A_163 : memref<128xi32, #tpu.memory_space<vmem>>) semaphore(%arg11 : memref<!tpu.dma_semaphore, #tpu.memory_space<semaphore_mem>>)
        } else {
        }
        %dma_wait3A_152 = arith.constant 0 : i32
        %dma_wait3A_153 = arith.constant 0 : i32
        %dma_wait3A_154 = tpu.memref_slice %arg6[%dma_wait3A_152, %dma_wait3A_153] : memref<40x128xi32, #tpu.memory_space<vmem>> -> memref<1x128xi32, #tpu.memory_space<vmem>>
        %dma_wait3A_155 = tpu.memref_squeeze %dma_wait3A_154 : memref<1x128xi32, #tpu.memory_space<vmem>> -> memref<128xi32, #tpu.memory_space<vmem>>
        %dma_wait3A_156 = arith.constant 0 : i32
        %dma_wait3A_157 = arith.constant 0 : i32
        %dma_wait3A_158 = tpu.memref_slice %arg2[%dma_wait3A_156, %dma_wait3A_157] : memref<10240x128xf32, #tpu.memory_space<hbm>> -> memref<10240x128xf32, #tpu.memory_space<hbm>>
        tpu.wait_indirect_dma semaphore(%arg12 : memref<!tpu.dma_semaphore, #tpu.memory_space<semaphore_mem>>) src(%dma_wait3A_158 : memref<10240x128xf32, #tpu.memory_space<hbm>>) dst(%arg9 : memref<128x128xf32, #tpu.memory_space<vmem>>)
        "tpu.region"() ({
          %run_scoped3A = tpu.sem_alloc : memref<!tpu.dma_semaphore, #tpu.memory_space<semaphore_mem>>
          %dma_start3A_159 = arith.constant 0 : i32
          %dma_start3A_160 = tpu.memref_slice %arg7[%scan3A_109, %dma_start3A_159] : memref<40x128xi32, #tpu.memory_space<vmem>> -> memref<1x128xi32, #tpu.memory_space<vmem>>
          %dma_start3A_161 = tpu.memref_squeeze %dma_start3A_160 : memref<1x128xi32, #tpu.memory_space<vmem>> -> memref<128xi32, #tpu.memory_space<vmem>>
          %dma_start3A_162 = arith.constant 0 : i32
          %dma_start3A_163 = arith.constant 0 : i32
          %dma_start3A_164 = tpu.memref_slice %arg10[%dma_start3A_162, %dma_start3A_163] : memref<10240x128xf32, #tpu.memory_space<vmem_shared>> -> memref<10240x128xf32, #tpu.memory_space<vmem_shared>>
          tpu.enqueue_indirect_dma source(%arg9 : memref<128x128xf32, #tpu.memory_space<vmem>>) target(%dma_start3A_164 : memref<10240x128xf32, #tpu.memory_space<vmem_shared>>) offsets(%dma_start3A_161 : memref<128xi32, #tpu.memory_space<vmem>>) semaphore(%run_scoped3A : memref<!tpu.dma_semaphore, #tpu.memory_space<semaphore_mem>>) {add = true}
          %dma_wait3A_165 = arith.constant 0 : i32
          %dma_wait3A_166 = tpu.memref_slice %arg7[%scan3A_109, %dma_wait3A_165] : memref<40x128xi32, #tpu.memory_space<vmem>> -> memref<1x128xi32, #tpu.memory_space<vmem>>
          %dma_wait3A_167 = tpu.memref_squeeze %dma_wait3A_166 : memref<1x128xi32, #tpu.memory_space<vmem>> -> memref<128xi32, #tpu.memory_space<vmem>>
          %dma_wait3A_168 = arith.constant 0 : i32
          %dma_wait3A_169 = arith.constant 0 : i32
          %dma_wait3A_170 = tpu.memref_slice %arg10[%dma_wait3A_168, %dma_wait3A_169] : memref<10240x128xf32, #tpu.memory_space<vmem_shared>> -> memref<10240x128xf32, #tpu.memory_space<vmem_shared>>
          tpu.wait_indirect_dma semaphore(%run_scoped3A : memref<!tpu.dma_semaphore, #tpu.memory_space<semaphore_mem>>) src(%arg9 : memref<128x128xf32, #tpu.memory_space<vmem>>) dst(%dma_wait3A_170 : memref<10240x128xf32, #tpu.memory_space<vmem_shared>>)
          tpu.yield
        }) : () -> ()
      } else {
      }
      %scan3A_144 = arith.constant 0 : i32
      scf.yield %scan3A_144 : i32
    }
    %scan3A_57 = arith.constant 40 : i32
    %dma_start3A_58 = arith.constant 40 : i32
    %dma_start3A_59 = arith.constant 0 : i32
    %dma_start3A_60 = tpu.memref_slice %arg3[%add3A, %dma_start3A_58, %dma_start3A_59] : memref<32x80x128xi32, #tpu.memory_space<hbm>> -> memref<1x40x128xi32, #tpu.memory_space<hbm>>
    %dma_start3A_61 = tpu.memref_squeeze %dma_start3A_60 : memref<1x40x128xi32, #tpu.memory_space<hbm>> -> memref<40x128xi32, #tpu.memory_space<hbm>>
    %dma_start3A_62 = arith.constant 40 : i32
    %dma_start3A_63 = arith.constant 0 : i32
    %dma_start3A_64 = tpu.memref_slice %arg3[%add3A, %dma_start3A_62, %dma_start3A_63] : memref<32x80x128xi32, #tpu.memory_space<hbm>> -> memref<1x40x128xi32, #tpu.memory_space<hbm>>
    %dma_start3A_65 = tpu.memref_squeeze %dma_start3A_64 : memref<1x40x128xi32, #tpu.memory_space<hbm>> -> memref<40x128xi32, #tpu.memory_space<hbm>>
    tpu.enqueue_dma source(%dma_start3A_65 : memref<40x128xi32, #tpu.memory_space<hbm>>) target(%arg6 : memref<40x128xi32, #tpu.memory_space<vmem>>) target_semaphore(%arg13 : memref<!tpu.dma_semaphore, #tpu.memory_space<semaphore_mem>>)
    %dma_start3A_66 = arith.constant 40 : i32
    %dma_start3A_67 = arith.constant 0 : i32
    %dma_start3A_68 = tpu.memref_slice %arg4[%add3A, %dma_start3A_66, %dma_start3A_67] : memref<32x80x128xi32, #tpu.memory_space<hbm>> -> memref<1x40x128xi32, #tpu.memory_space<hbm>>
    %dma_start3A_69 = tpu.memref_squeeze %dma_start3A_68 : memref<1x40x128xi32, #tpu.memory_space<hbm>> -> memref<40x128xi32, #tpu.memory_space<hbm>>
    %dma_start3A_70 = arith.constant 40 : i32
    %dma_start3A_71 = arith.constant 0 : i32
    %dma_start3A_72 = tpu.memref_slice %arg4[%add3A, %dma_start3A_70, %dma_start3A_71] : memref<32x80x128xi32, #tpu.memory_space<hbm>> -> memref<1x40x128xi32, #tpu.memory_space<hbm>>
    %dma_start3A_73 = tpu.memref_squeeze %dma_start3A_72 : memref<1x40x128xi32, #tpu.memory_space<hbm>> -> memref<40x128xi32, #tpu.memory_space<hbm>>
    tpu.enqueue_dma source(%dma_start3A_73 : memref<40x128xi32, #tpu.memory_space<hbm>>) target(%arg7 : memref<40x128xi32, #tpu.memory_space<vmem>>) target_semaphore(%arg13 : memref<!tpu.dma_semaphore, #tpu.memory_space<semaphore_mem>>)
    %dma_wait3A_74 = arith.constant 0 : i32
    %dma_wait3A_75 = arith.constant 0 : i32
    %dma_wait3A_76 = tpu.memref_slice %arg3[%add3A, %dma_wait3A_74, %dma_wait3A_75] : memref<32x80x128xi32, #tpu.memory_space<hbm>> -> memref<1x40x128xi32, #tpu.memory_space<hbm>>
    %dma_wait3A_77 = tpu.memref_squeeze %dma_wait3A_76 : memref<1x40x128xi32, #tpu.memory_space<hbm>> -> memref<40x128xi32, #tpu.memory_space<hbm>>
    %dma_wait3A_78 = arith.constant 0 : i32
    %dma_wait3A_79 = arith.constant 0 : i32
    %dma_wait3A_80 = tpu.memref_slice %arg3[%add3A, %dma_wait3A_78, %dma_wait3A_79] : memref<32x80x128xi32, #tpu.memory_space<hbm>> -> memref<1x40x128xi32, #tpu.memory_space<hbm>>
    %dma_wait3A_81 = tpu.memref_squeeze %dma_wait3A_80 : memref<1x40x128xi32, #tpu.memory_space<hbm>> -> memref<40x128xi32, #tpu.memory_space<hbm>>
    tpu.wait_dma2 semaphore(%arg13 : memref<!tpu.dma_semaphore, #tpu.memory_space<semaphore_mem>>) src(%dma_wait3A_81 : memref<40x128xi32, #tpu.memory_space<hbm>>) dst(%arg6 : memref<40x128xi32, #tpu.memory_space<vmem>>)
    %dma_wait3A_82 = arith.constant 0 : i32
    %dma_wait3A_83 = arith.constant 0 : i32
    %dma_wait3A_84 = tpu.memref_slice %arg4[%add3A, %dma_wait3A_82, %dma_wait3A_83] : memref<32x80x128xi32, #tpu.memory_space<hbm>> -> memref<1x40x128xi32, #tpu.memory_space<hbm>>
    %dma_wait3A_85 = tpu.memref_squeeze %dma_wait3A_84 : memref<1x40x128xi32, #tpu.memory_space<hbm>> -> memref<40x128xi32, #tpu.memory_space<hbm>>
    %dma_wait3A_86 = arith.constant 0 : i32
    %dma_wait3A_87 = arith.constant 0 : i32
    %dma_wait3A_88 = tpu.memref_slice %arg4[%add3A, %dma_wait3A_86, %dma_wait3A_87] : memref<32x80x128xi32, #tpu.memory_space<hbm>> -> memref<1x40x128xi32, #tpu.memory_space<hbm>>
    %dma_wait3A_89 = tpu.memref_squeeze %dma_wait3A_88 : memref<1x40x128xi32, #tpu.memory_space<hbm>> -> memref<40x128xi32, #tpu.memory_space<hbm>>
    tpu.wait_dma2 semaphore(%arg13 : memref<!tpu.dma_semaphore, #tpu.memory_space<semaphore_mem>>) src(%dma_wait3A_89 : memref<40x128xi32, #tpu.memory_space<hbm>>) dst(%arg7 : memref<40x128xi32, #tpu.memory_space<vmem>>)
    %dma_start3A_90 = arith.constant 0 : i32
    %dma_start3A_91 = arith.constant 0 : i32
    %dma_start3A_92 = tpu.memref_slice %arg6[%dma_start3A_90, %dma_start3A_91] : memref<40x128xi32, #tpu.memory_space<vmem>> -> memref<1x128xi32, #tpu.memory_space<vmem>>
    %dma_start3A_93 = tpu.memref_squeeze %dma_start3A_92 : memref<1x128xi32, #tpu.memory_space<vmem>> -> memref<128xi32, #tpu.memory_space<vmem>>
    %dma_start3A_94 = arith.constant 0 : i32
    %dma_start3A_95 = arith.constant 0 : i32
    %dma_start3A_96 = tpu.memref_slice %arg2[%dma_start3A_94, %dma_start3A_95] : memref<10240x128xf32, #tpu.memory_space<hbm>> -> memref<10240x128xf32, #tpu.memory_space<hbm>>
    tpu.enqueue_indirect_dma source(%dma_start3A_96 : memref<10240x128xf32, #tpu.memory_space<hbm>>) target(%arg8 : memref<128x128xf32, #tpu.memory_space<vmem>>) offsets(%dma_start3A_93 : memref<128xi32, #tpu.memory_space<vmem>>) semaphore(%arg11 : memref<!tpu.dma_semaphore, #tpu.memory_space<semaphore_mem>>)
    %scan3A_97 = arith.constant 0 : i32
    %scan3A_98 = arith.constant 0 : i32
    %scan3A_99 = arith.constant 40 : i32
    %scan3A_100 = arith.addi %scan3A_98, %scan3A_99 : i32
    %scan3A_101 = arith.constant 1 : i32
    %scan3A_102 = scf.for %scan3A_109 = %scan3A_98 to %scan3A_100 step %scan3A_101 iter_args(%scan3A_110 = %scan3A_97) -> (i32)  : i32 {
      %jit3A = arith.constant 2 : i32
      %eq3A = arith.constant 0 : i32
      %eq3A_111 = arith.cmpi eq, %jit3A, %eq3A : i32
      %jit3A_112 = arith.constant 1 : i32
      %select_n3A = arith.select %eq3A_111, %jit3A_112, %jit3A : i32
      %rem3A = arith.remsi %scan3A_109, %select_n3A : i32
      %ne3A = arith.constant 0 : i32
      %ne3A_113 = arith.cmpi ne, %rem3A, %ne3A : i32
      %lt3A = arith.constant 0 : i32
      %lt3A_114 = arith.cmpi slt, %rem3A, %lt3A : i32
      %lt3A_115 = arith.constant 0 : i32
      %lt3A_116 = arith.cmpi slt, %select_n3A, %lt3A_115 : i32
      %ne3A_117 = arith.xori %lt3A_114, %lt3A_116 : i1
      %and3A = arith.andi %ne3A_117, %ne3A_113 : i1
      %add3A_118 = arith.addi %rem3A, %select_n3A : i32
      %select_n3A_119 = arith.select %and3A, %add3A_118, %rem3A : i32
      %eq3A_120 = arith.constant 0 : i32
      %eq3A_121 = arith.cmpi eq, %select_n3A_119, %eq3A_120 : i32
      %convert_element_type3A = arith.extui %eq3A_121 : i1 to i32
      %cond3A = arith.constant 0 : i32
      %cond3A_122 = arith.cmpi ne, %convert_element_type3A, %cond3A : i32
      scf.if %cond3A_122 {
        %add3A_145 = arith.constant 1 : i32
        %add3A_146 = arith.addi %scan3A_109, %add3A_145 : i32
        %lt3A_147 = arith.constant 40 : i32
        %lt3A_148 = arith.cmpi slt, %add3A_146, %lt3A_147 : i32
        %convert_element_type3A_149 = arith.extui %lt3A_148 : i1 to i32
        %cond3A_150 = arith.constant 0 : i32
        %cond3A_151 = arith.cmpi ne, %convert_element_type3A_149, %cond3A_150 : i32
        scf.if %cond3A_151 {
          %add3A_159 = arith.constant 1 : i32
          %add3A_160 = arith.addi %scan3A_109, %add3A_159 : i32
          %dma_start3A_161 = arith.constant 0 : i32
          %dma_start3A_162 = tpu.memref_slice %arg6[%add3A_160, %dma_start3A_161] : memref<40x128xi32, #tpu.memory_space<vmem>> -> memref<1x128xi32, #tpu.memory_space<vmem>>
          %dma_start3A_163 = tpu.memref_squeeze %dma_start3A_162 : memref<1x128xi32, #tpu.memory_space<vmem>> -> memref<128xi32, #tpu.memory_space<vmem>>
          %dma_start3A_164 = arith.constant 0 : i32
          %dma_start3A_165 = arith.constant 0 : i32
          %dma_start3A_166 = tpu.memref_slice %arg2[%dma_start3A_164, %dma_start3A_165] : memref<10240x128xf32, #tpu.memory_space<hbm>> -> memref<10240x128xf32, #tpu.memory_space<hbm>>
          tpu.enqueue_indirect_dma source(%dma_start3A_166 : memref<10240x128xf32, #tpu.memory_space<hbm>>) target(%arg9 : memref<128x128xf32, #tpu.memory_space<vmem>>) offsets(%dma_start3A_163 : memref<128xi32, #tpu.memory_space<vmem>>) semaphore(%arg12 : memref<!tpu.dma_semaphore, #tpu.memory_space<semaphore_mem>>)
        } else {
        }
        %dma_wait3A_152 = arith.constant 0 : i32
        %dma_wait3A_153 = arith.constant 0 : i32
        %dma_wait3A_154 = tpu.memref_slice %arg6[%dma_wait3A_152, %dma_wait3A_153] : memref<40x128xi32, #tpu.memory_space<vmem>> -> memref<1x128xi32, #tpu.memory_space<vmem>>
        %dma_wait3A_155 = tpu.memref_squeeze %dma_wait3A_154 : memref<1x128xi32, #tpu.memory_space<vmem>> -> memref<128xi32, #tpu.memory_space<vmem>>
        %dma_wait3A_156 = arith.constant 0 : i32
        %dma_wait3A_157 = arith.constant 0 : i32
        %dma_wait3A_158 = tpu.memref_slice %arg2[%dma_wait3A_156, %dma_wait3A_157] : memref<10240x128xf32, #tpu.memory_space<hbm>> -> memref<10240x128xf32, #tpu.memory_space<hbm>>
        tpu.wait_indirect_dma semaphore(%arg11 : memref<!tpu.dma_semaphore, #tpu.memory_space<semaphore_mem>>) src(%dma_wait3A_158 : memref<10240x128xf32, #tpu.memory_space<hbm>>) dst(%arg8 : memref<128x128xf32, #tpu.memory_space<vmem>>)
        "tpu.region"() ({
          %run_scoped3A = tpu.sem_alloc : memref<!tpu.dma_semaphore, #tpu.memory_space<semaphore_mem>>
          %dma_start3A_159 = arith.constant 0 : i32
          %dma_start3A_160 = tpu.memref_slice %arg7[%scan3A_109, %dma_start3A_159] : memref<40x128xi32, #tpu.memory_space<vmem>> -> memref<1x128xi32, #tpu.memory_space<vmem>>
          %dma_start3A_161 = tpu.memref_squeeze %dma_start3A_160 : memref<1x128xi32, #tpu.memory_space<vmem>> -> memref<128xi32, #tpu.memory_space<vmem>>
          %dma_start3A_162 = arith.constant 0 : i32
          %dma_start3A_163 = arith.constant 0 : i32
          %dma_start3A_164 = tpu.memref_slice %arg10[%dma_start3A_162, %dma_start3A_163] : memref<10240x128xf32, #tpu.memory_space<vmem_shared>> -> memref<10240x128xf32, #tpu.memory_space<vmem_shared>>
          tpu.enqueue_indirect_dma source(%arg8 : memref<128x128xf32, #tpu.memory_space<vmem>>) target(%dma_start3A_164 : memref<10240x128xf32, #tpu.memory_space<vmem_shared>>) offsets(%dma_start3A_161 : memref<128xi32, #tpu.memory_space<vmem>>) semaphore(%run_scoped3A : memref<!tpu.dma_semaphore, #tpu.memory_space<semaphore_mem>>) {add = true}
          %dma_wait3A_165 = arith.constant 0 : i32
          %dma_wait3A_166 = tpu.memref_slice %arg7[%scan3A_109, %dma_wait3A_165] : memref<40x128xi32, #tpu.memory_space<vmem>> -> memref<1x128xi32, #tpu.memory_space<vmem>>
          %dma_wait3A_167 = tpu.memref_squeeze %dma_wait3A_166 : memref<1x128xi32, #tpu.memory_space<vmem>> -> memref<128xi32, #tpu.memory_space<vmem>>
          %dma_wait3A_168 = arith.constant 0 : i32
          %dma_wait3A_169 = arith.constant 0 : i32
          %dma_wait3A_170 = tpu.memref_slice %arg10[%dma_wait3A_168, %dma_wait3A_169] : memref<10240x128xf32, #tpu.memory_space<vmem_shared>> -> memref<10240x128xf32, #tpu.memory_space<vmem_shared>>
          tpu.wait_indirect_dma semaphore(%run_scoped3A : memref<!tpu.dma_semaphore, #tpu.memory_space<semaphore_mem>>) src(%arg8 : memref<128x128xf32, #tpu.memory_space<vmem>>) dst(%dma_wait3A_170 : memref<10240x128xf32, #tpu.memory_space<vmem_shared>>)
          tpu.yield
        }) : () -> ()
      } else {
      }
      %jit3A_123 = arith.constant 2 : i32
      %eq3A_124 = arith.constant 0 : i32
      %eq3A_125 = arith.cmpi eq, %jit3A_123, %eq3A_124 : i32
      %jit3A_126 = arith.constant 1 : i32
      %select_n3A_127 = arith.select %eq3A_125, %jit3A_126, %jit3A_123 : i32
      %rem3A_128 = arith.remsi %scan3A_109, %select_n3A_127 : i32
      %ne3A_129 = arith.constant 0 : i32
      %ne3A_130 = arith.cmpi ne, %rem3A_128, %ne3A_129 : i32
      %lt3A_131 = arith.constant 0 : i32
      %lt3A_132 = arith.cmpi slt, %rem3A_128, %lt3A_131 : i32
      %lt3A_133 = arith.constant 0 : i32
      %lt3A_134 = arith.cmpi slt, %select_n3A_127, %lt3A_133 : i32
      %ne3A_135 = arith.xori %lt3A_132, %lt3A_134 : i1
      %and3A_136 = arith.andi %ne3A_135, %ne3A_130 : i1
      %add3A_137 = arith.addi %rem3A_128, %select_n3A_127 : i32
      %select_n3A_138 = arith.select %and3A_136, %add3A_137, %rem3A_128 : i32
      %eq3A_139 = arith.constant 1 : i32
      %eq3A_140 = arith.cmpi eq, %select_n3A_138, %eq3A_139 : i32
      %convert_element_type3A_141 = arith.extui %eq3A_140 : i1 to i32
      %cond3A_142 = arith.constant 0 : i32
      %cond3A_143 = arith.cmpi ne, %convert_element_type3A_141, %cond3A_142 : i32
      scf.if %cond3A_143 {
        %add3A_145 = arith.constant 1 : i32
        %add3A_146 = arith.addi %scan3A_109, %add3A_145 : i32
        %lt3A_147 = arith.constant 40 : i32
        %lt3A_148 = arith.cmpi slt, %add3A_146, %lt3A_147 : i32
        %convert_element_type3A_149 = arith.extui %lt3A_148 : i1 to i32
        %cond3A_150 = arith.constant 0 : i32
        %cond3A_151 = arith.cmpi ne, %convert_element_type3A_149, %cond3A_150 : i32
        scf.if %cond3A_151 {
          %add3A_159 = arith.constant 1 : i32
          %add3A_160 = arith.addi %scan3A_109, %add3A_159 : i32
          %dma_start3A_161 = arith.constant 0 : i32
          %dma_start3A_162 = tpu.memref_slice %arg6[%add3A_160, %dma_start3A_161] : memref<40x128xi32, #tpu.memory_space<vmem>> -> memref<1x128xi32, #tpu.memory_space<vmem>>
          %dma_start3A_163 = tpu.memref_squeeze %dma_start3A_162 : memref<1x128xi32, #tpu.memory_space<vmem>> -> memref<128xi32, #tpu.memory_space<vmem>>
          %dma_start3A_164 = arith.constant 0 : i32
          %dma_start3A_165 = arith.constant 0 : i32
          %dma_start3A_166 = tpu.memref_slice %arg2[%dma_start3A_164, %dma_start3A_165] : memref<10240x128xf32, #tpu.memory_space<hbm>> -> memref<10240x128xf32, #tpu.memory_space<hbm>>
          tpu.enqueue_indirect_dma source(%dma_start3A_166 : memref<10240x128xf32, #tpu.memory_space<hbm>>) target(%arg8 : memref<128x128xf32, #tpu.memory_space<vmem>>) offsets(%dma_start3A_163 : memref<128xi32, #tpu.memory_space<vmem>>) semaphore(%arg11 : memref<!tpu.dma_semaphore, #tpu.memory_space<semaphore_mem>>)
        } else {
        }
        %dma_wait3A_152 = arith.constant 0 : i32
        %dma_wait3A_153 = arith.constant 0 : i32
        %dma_wait3A_154 = tpu.memref_slice %arg6[%dma_wait3A_152, %dma_wait3A_153] : memref<40x128xi32, #tpu.memory_space<vmem>> -> memref<1x128xi32, #tpu.memory_space<vmem>>
        %dma_wait3A_155 = tpu.memref_squeeze %dma_wait3A_154 : memref<1x128xi32, #tpu.memory_space<vmem>> -> memref<128xi32, #tpu.memory_space<vmem>>
        %dma_wait3A_156 = arith.constant 0 : i32
        %dma_wait3A_157 = arith.constant 0 : i32
        %dma_wait3A_158 = tpu.memref_slice %arg2[%dma_wait3A_156, %dma_wait3A_157] : memref<10240x128xf32, #tpu.memory_space<hbm>> -> memref<10240x128xf32, #tpu.memory_space<hbm>>
        tpu.wait_indirect_dma semaphore(%arg12 : memref<!tpu.dma_semaphore, #tpu.memory_space<semaphore_mem>>) src(%dma_wait3A_158 : memref<10240x128xf32, #tpu.memory_space<hbm>>) dst(%arg9 : memref<128x128xf32, #tpu.memory_space<vmem>>)
        "tpu.region"() ({
          %run_scoped3A = tpu.sem_alloc : memref<!tpu.dma_semaphore, #tpu.memory_space<semaphore_mem>>
          %dma_start3A_159 = arith.constant 0 : i32
          %dma_start3A_160 = tpu.memref_slice %arg7[%scan3A_109, %dma_start3A_159] : memref<40x128xi32, #tpu.memory_space<vmem>> -> memref<1x128xi32, #tpu.memory_space<vmem>>
          %dma_start3A_161 = tpu.memref_squeeze %dma_start3A_160 : memref<1x128xi32, #tpu.memory_space<vmem>> -> memref<128xi32, #tpu.memory_space<vmem>>
          %dma_start3A_162 = arith.constant 0 : i32
          %dma_start3A_163 = arith.constant 0 : i32
          %dma_start3A_164 = tpu.memref_slice %arg10[%dma_start3A_162, %dma_start3A_163] : memref<10240x128xf32, #tpu.memory_space<vmem_shared>> -> memref<10240x128xf32, #tpu.memory_space<vmem_shared>>
          tpu.enqueue_indirect_dma source(%arg9 : memref<128x128xf32, #tpu.memory_space<vmem>>) target(%dma_start3A_164 : memref<10240x128xf32, #tpu.memory_space<vmem_shared>>) offsets(%dma_start3A_161 : memref<128xi32, #tpu.memory_space<vmem>>) semaphore(%run_scoped3A : memref<!tpu.dma_semaphore, #tpu.memory_space<semaphore_mem>>) {add = true}
          %dma_wait3A_165 = arith.constant 0 : i32
          %dma_wait3A_166 = tpu.memref_slice %arg7[%scan3A_109, %dma_wait3A_165] : memref<40x128xi32, #tpu.memory_space<vmem>> -> memref<1x128xi32, #tpu.memory_space<vmem>>
          %dma_wait3A_167 = tpu.memref_squeeze %dma_wait3A_166 : memref<1x128xi32, #tpu.memory_space<vmem>> -> memref<128xi32, #tpu.memory_space<vmem>>
          %dma_wait3A_168 = arith.constant 0 : i32
          %dma_wait3A_169 = arith.constant 0 : i32
          %dma_wait3A_170 = tpu.memref_slice %arg10[%dma_wait3A_168, %dma_wait3A_169] : memref<10240x128xf32, #tpu.memory_space<vmem_shared>> -> memref<10240x128xf32, #tpu.memory_space<vmem_shared>>
          tpu.wait_indirect_dma semaphore(%run_scoped3A : memref<!tpu.dma_semaphore, #tpu.memory_space<semaphore_mem>>) src(%arg9 : memref<128x128xf32, #tpu.memory_space<vmem>>) dst(%dma_wait3A_170 : memref<10240x128xf32, #tpu.memory_space<vmem_shared>>)
          tpu.yield
        }) : () -> ()
      } else {
      }
      %scan3A_144 = arith.constant 0 : i32
      scf.yield %scan3A_144 : i32
    }
    %scan3A_103 = arith.constant 40 : i32
    %barrier3A_104 = arith.constant 0 : index
    tpu.barrier barrier_id(%barrier3A_104)
    %mul3A_105 = arith.constant 640 : i32
    %mul3A_106 = arith.muli %arg1, %mul3A_105 : i32
    %mul3A_107 = arith.constant 640 : i32
    %mul3A_108 = arith.muli %arg1, %mul3A_107 : i32
    "tpu.region"() ({
      %run_scoped3A = tpu.sem_alloc : memref<!tpu.dma_semaphore, #tpu.memory_space<semaphore_mem>>
      %dma_start3A_109 = arith.constant 0 : i32
      %dma_start3A_110 = tpu.memref_slice %arg5[%arg0, %mul3A_108, %dma_start3A_109] : memref<2x10240x128xf32, #tpu.memory_space<hbm>> -> memref<1x640x128xf32, #tpu.memory_space<hbm>>
      %dma_start3A_111 = tpu.memref_squeeze %dma_start3A_110 : memref<1x640x128xf32, #tpu.memory_space<hbm>> -> memref<640x128xf32, #tpu.memory_space<hbm>>
      %dma_start3A_112 = arith.constant 0 : i32
      %dma_start3A_113 = tpu.memref_slice %arg10[%mul3A_106, %dma_start3A_112] : memref<10240x128xf32, #tpu.memory_space<vmem_shared>> -> memref<640x128xf32, #tpu.memory_space<vmem_shared>>
      tpu.enqueue_dma source(%dma_start3A_113 : memref<640x128xf32, #tpu.memory_space<vmem_shared>>) target(%dma_start3A_111 : memref<640x128xf32, #tpu.memory_space<hbm>>) target_semaphore(%run_scoped3A : memref<!tpu.dma_semaphore, #tpu.memory_space<semaphore_mem>>)
      %dma_wait3A_114 = arith.constant 0 : i32
      %dma_wait3A_115 = tpu.memref_slice %arg5[%arg0, %mul3A_108, %dma_wait3A_114] : memref<2x10240x128xf32, #tpu.memory_space<hbm>> -> memref<1x640x128xf32, #tpu.memory_space<hbm>>
      %dma_wait3A_116 = tpu.memref_squeeze %dma_wait3A_115 : memref<1x640x128xf32, #tpu.memory_space<hbm>> -> memref<640x128xf32, #tpu.memory_space<hbm>>
      %dma_wait3A_117 = arith.constant 0 : i32
      %dma_wait3A_118 = tpu.memref_slice %arg10[%mul3A_106, %dma_wait3A_117] : memref<10240x128xf32, #tpu.memory_space<vmem_shared>> -> memref<640x128xf32, #tpu.memory_space<vmem_shared>>
      tpu.wait_dma2 semaphore(%run_scoped3A : memref<!tpu.dma_semaphore, #tpu.memory_space<semaphore_mem>>) src(%dma_wait3A_118 : memref<640x128xf32, #tpu.memory_space<vmem_shared>>) dst(%dma_wait3A_116 : memref<640x128xf32, #tpu.memory_space<hbm>>)
      tpu.yield
    }) : () -> ()
    return
  }
}

#map = affine_map<(d0, d1) -> (0, 0)>
#map1 = affine_map<(d0, d1) -> (0, 0, 0)>
module attributes {stable_mosaic.version = 14 : i64} {
  func.func @_agg_kernel(%arg0: i32, %arg1: i32, %arg2: memref<10240x128xf32, #tpu.memory_space<hbm>>, %arg3: memref<32x80x128xi32, #tpu.memory_space<hbm>>, %arg4: memref<32x80x128xi32, #tpu.memory_space<hbm>>, %arg5: memref<2x10240x128xf32, #tpu.memory_space<hbm>>, %arg6: memref<40x128xi32, #tpu.memory_space<vmem>>, %arg7: memref<40x128xi32, #tpu.memory_space<vmem>>, %arg8: memref<128x128xf32, #tpu.memory_space<vmem>>, %arg9: memref<128x128xf32, #tpu.memory_space<vmem>>, %arg10: memref<10240x128xf32, #tpu.memory_space<vmem_shared>>, %arg11: memref<!tpu.dma_semaphore, #tpu.memory_space<semaphore_mem>>, %arg12: memref<!tpu.dma_semaphore, #tpu.memory_space<semaphore_mem>>, %arg13: memref<!tpu.dma_semaphore, #tpu.memory_space<semaphore_mem>>) attributes {dimension_semantics = [#tpu.dimension_semantics<core_parallel>, #tpu.dimension_semantics<subcore_parallel>], iteration_bounds = array<i64: 2, 16>, scalar_prefetch = 0 : i64, scratch_operands = 8 : i64, tpu.core_type = #tpu.core_type<sc_vector_subcore>, window_params = [{transform_indices = #map}, {transform_indices = #map1}, {transform_indices = #map1}, {transform_indices = #map1}]} {
    %mul3A = arith.constant 16 : i32
    %mul3A_0 = arith.muli %arg0, %mul3A : i32
    %add3A = arith.addi %mul3A_0, %arg1 : i32
    %scan3A = arith.constant 0 : i32
    %scan3A_1 = arith.constant 0 : i32
    %scan3A_2 = arith.constant 128 : i32
    %scan3A_3 = arith.addi %scan3A_1, %scan3A_2 : i32
    %scan3A_4 = arith.constant 1 : i32
    %scan3A_5 = scf.for %scan3A_109 = %scan3A_1 to %scan3A_3 step %scan3A_4 iter_args(%scan3A_110 = %scan3A) -> (i32)  : i32 {
      %scan3A_111 = arith.constant 0 : i32
      %scan3A_112 = arith.constant 0 : i32
      %scan3A_113 = arith.constant 8 : i32
      %scan3A_114 = arith.addi %scan3A_112, %scan3A_113 : i32
      %scan3A_115 = arith.constant 1 : i32
      %scan3A_116 = scf.for %scan3A_119 = %scan3A_112 to %scan3A_114 step %scan3A_115 iter_args(%scan3A_120 = %scan3A_111) -> (i32)  : i32 {
        %broadcast_in_dim3A = arith.constant 0.000000e+00 : f32
        %broadcast_in_dim3A_121 = vector.broadcast %broadcast_in_dim3A : f32 to vector<16xf32>
        %mul3A_122 = arith.constant 16 : i32
        %mul3A_123 = arith.muli %scan3A_119, %mul3A_122 : i32
        %swap3A = arith.index_cast %scan3A_109 : i32 to index
        %swap3A_124 = arith.index_cast %mul3A_123 : i32 to index
        %swap3A_125 = tpu.vector_load %arg8[%swap3A, %swap3A_124] {strides = array<i32>} : memref<128x128xf32, #tpu.memory_space<vmem>>, vector<1x16xf32>,
        %swap3A_126 = vector.shape_cast %swap3A_125 : vector<1x16xf32> to vector<16xf32>
        %swap3A_127 = vector.shape_cast %broadcast_in_dim3A_121 : vector<16xf32> to vector<1x16xf32>
        tpu.vector_store %arg8[%swap3A, %swap3A_124], %swap3A_127 {strides = array<i32>} : memref<128x128xf32, #tpu.memory_space<vmem>>, vector<1x16xf32>,
        %scan3A_128 = arith.constant 0 : i32
        scf.yield %scan3A_128 : i32
      }
      %scan3A_117 = arith.constant 8 : i32
      %scan3A_118 = arith.constant 0 : i32
      scf.yield %scan3A_118 : i32
    }
    %scan3A_6 = arith.constant 128 : i32
    %scan3A_7 = arith.constant 0 : i32
    %scan3A_8 = arith.constant 0 : i32
    %scan3A_9 = arith.constant 5 : i32
    %scan3A_10 = arith.addi %scan3A_8, %scan3A_9 : i32
    %scan3A_11 = arith.constant 1 : i32
    %scan3A_12 = scf.for %scan3A_109 = %scan3A_8 to %scan3A_10 step %scan3A_11 iter_args(%scan3A_110 = %scan3A_7) -> (i32)  : i32 {
      %mul3A_111 = arith.constant 640 : i32
      %mul3A_112 = arith.muli %arg1, %mul3A_111 : i32
      %mul3A_113 = arith.constant 128 : i32
      %mul3A_114 = arith.muli %scan3A_109, %mul3A_113 : i32
      %add3A_115 = arith.addi %mul3A_112, %mul3A_114 : i32
      "tpu.region"() ({
        %run_scoped3A = tpu.sem_alloc : memref<!tpu.dma_semaphore, #tpu.memory_space<semaphore_mem>>
        %dma_start3A_117 = arith.constant 0 : i32
        %dma_start3A_118 = tpu.memref_slice %arg10[%add3A_115, %dma_start3A_117] : memref<10240x128xf32, #tpu.memory_space<vmem_shared>> -> memref<128x128xf32, #tpu.memory_space<vmem_shared>>
        %dma_start3A_119 = arith.constant 0 : i32
        %dma_start3A_120 = tpu.memref_slice %arg10[%add3A_115, %dma_start3A_119] : memref<10240x128xf32, #tpu.memory_space<vmem_shared>> -> memref<128x128xf32, #tpu.memory_space<vmem_shared>>
        tpu.enqueue_dma source(%arg8 : memref<128x128xf32, #tpu.memory_space<vmem>>) target(%dma_start3A_120 : memref<128x128xf32, #tpu.memory_space<vmem_shared>>) target_semaphore(%run_scoped3A : memref<!tpu.dma_semaphore, #tpu.memory_space<semaphore_mem>>)
        %dma_wait3A_121 = arith.constant 0 : i32
        %dma_wait3A_122 = tpu.memref_slice %arg10[%add3A_115, %dma_wait3A_121] : memref<10240x128xf32, #tpu.memory_space<vmem_shared>> -> memref<128x128xf32, #tpu.memory_space<vmem_shared>>
        %dma_wait3A_123 = arith.constant 0 : i32
        %dma_wait3A_124 = tpu.memref_slice %arg10[%add3A_115, %dma_wait3A_123] : memref<10240x128xf32, #tpu.memory_space<vmem_shared>> -> memref<128x128xf32, #tpu.memory_space<vmem_shared>>
        tpu.wait_dma2 semaphore(%run_scoped3A : memref<!tpu.dma_semaphore, #tpu.memory_space<semaphore_mem>>) src(%arg8 : memref<128x128xf32, #tpu.memory_space<vmem>>) dst(%dma_wait3A_124 : memref<128x128xf32, #tpu.memory_space<vmem_shared>>)
        tpu.yield
      }) : () -> ()
      %scan3A_116 = arith.constant 0 : i32
      scf.yield %scan3A_116 : i32
    }
    %scan3A_13 = arith.constant 5 : i32
    %barrier3A = arith.constant 0 : index
    tpu.barrier barrier_id(%barrier3A)
    %dma_start3A = arith.constant 0 : i32
    %dma_start3A_14 = arith.constant 0 : i32
    %dma_start3A_15 = tpu.memref_slice %arg3[%add3A, %dma_start3A, %dma_start3A_14] : memref<32x80x128xi32, #tpu.memory_space<hbm>> -> memref<1x40x128xi32, #tpu.memory_space<hbm>>
    %dma_start3A_16 = tpu.memref_squeeze %dma_start3A_15 : memref<1x40x128xi32, #tpu.memory_space<hbm>> -> memref<40x128xi32, #tpu.memory_space<hbm>>
    %dma_start3A_17 = arith.constant 0 : i32
    %dma_start3A_18 = arith.constant 0 : i32
    %dma_start3A_19 = tpu.memref_slice %arg3[%add3A, %dma_start3A_17, %dma_start3A_18] : memref<32x80x128xi32, #tpu.memory_space<hbm>> -> memref<1x40x128xi32, #tpu.memory_space<hbm>>
    %dma_start3A_20 = tpu.memref_squeeze %dma_start3A_19 : memref<1x40x128xi32, #tpu.memory_space<hbm>> -> memref<40x128xi32, #tpu.memory_space<hbm>>
    tpu.enqueue_dma source(%dma_start3A_20 : memref<40x128xi32, #tpu.memory_space<hbm>>) target(%arg6 : memref<40x128xi32, #tpu.memory_space<vmem>>) target_semaphore(%arg13 : memref<!tpu.dma_semaphore, #tpu.memory_space<semaphore_mem>>)
    %dma_start3A_21 = arith.constant 0 : i32
    %dma_start3A_22 = arith.constant 0 : i32
    %dma_start3A_23 = tpu.memref_slice %arg4[%add3A, %dma_start3A_21, %dma_start3A_22] : memref<32x80x128xi32, #tpu.memory_space<hbm>> -> memref<1x40x128xi32, #tpu.memory_space<hbm>>
    %dma_start3A_24 = tpu.memref_squeeze %dma_start3A_23 : memref<1x40x128xi32, #tpu.memory_space<hbm>> -> memref<40x128xi32, #tpu.memory_space<hbm>>
    %dma_start3A_25 = arith.constant 0 : i32
    %dma_start3A_26 = arith.constant 0 : i32
    %dma_start3A_27 = tpu.memref_slice %arg4[%add3A, %dma_start3A_25, %dma_start3A_26] : memref<32x80x128xi32, #tpu.memory_space<hbm>> -> memref<1x40x128xi32, #tpu.memory_space<hbm>>
    %dma_start3A_28 = tpu.memref_squeeze %dma_start3A_27 : memref<1x40x128xi32, #tpu.memory_space<hbm>> -> memref<40x128xi32, #tpu.memory_space<hbm>>
    tpu.enqueue_dma source(%dma_start3A_28 : memref<40x128xi32, #tpu.memory_space<hbm>>) target(%arg7 : memref<40x128xi32, #tpu.memory_space<vmem>>) target_semaphore(%arg13 : memref<!tpu.dma_semaphore, #tpu.memory_space<semaphore_mem>>)
    %dma_wait3A = arith.constant 0 : i32
    %dma_wait3A_29 = arith.constant 0 : i32
    %dma_wait3A_30 = tpu.memref_slice %arg3[%add3A, %dma_wait3A, %dma_wait3A_29] : memref<32x80x128xi32, #tpu.memory_space<hbm>> -> memref<1x40x128xi32, #tpu.memory_space<hbm>>
    %dma_wait3A_31 = tpu.memref_squeeze %dma_wait3A_30 : memref<1x40x128xi32, #tpu.memory_space<hbm>> -> memref<40x128xi32, #tpu.memory_space<hbm>>
    %dma_wait3A_32 = arith.constant 0 : i32
    %dma_wait3A_33 = arith.constant 0 : i32
    %dma_wait3A_34 = tpu.memref_slice %arg3[%add3A, %dma_wait3A_32, %dma_wait3A_33] : memref<32x80x128xi32, #tpu.memory_space<hbm>> -> memref<1x40x128xi32, #tpu.memory_space<hbm>>
    %dma_wait3A_35 = tpu.memref_squeeze %dma_wait3A_34 : memref<1x40x128xi32, #tpu.memory_space<hbm>> -> memref<40x128xi32, #tpu.memory_space<hbm>>
    tpu.wait_dma2 semaphore(%arg13 : memref<!tpu.dma_semaphore, #tpu.memory_space<semaphore_mem>>) src(%dma_wait3A_35 : memref<40x128xi32, #tpu.memory_space<hbm>>) dst(%arg6 : memref<40x128xi32, #tpu.memory_space<vmem>>)
    %dma_wait3A_36 = arith.constant 0 : i32
    %dma_wait3A_37 = arith.constant 0 : i32
    %dma_wait3A_38 = tpu.memref_slice %arg4[%add3A, %dma_wait3A_36, %dma_wait3A_37] : memref<32x80x128xi32, #tpu.memory_space<hbm>> -> memref<1x40x128xi32, #tpu.memory_space<hbm>>
    %dma_wait3A_39 = tpu.memref_squeeze %dma_wait3A_38 : memref<1x40x128xi32, #tpu.memory_space<hbm>> -> memref<40x128xi32, #tpu.memory_space<hbm>>
    %dma_wait3A_40 = arith.constant 0 : i32
    %dma_wait3A_41 = arith.constant 0 : i32
    %dma_wait3A_42 = tpu.memref_slice %arg4[%add3A, %dma_wait3A_40, %dma_wait3A_41] : memref<32x80x128xi32, #tpu.memory_space<hbm>> -> memref<1x40x128xi32, #tpu.memory_space<hbm>>
    %dma_wait3A_43 = tpu.memref_squeeze %dma_wait3A_42 : memref<1x40x128xi32, #tpu.memory_space<hbm>> -> memref<40x128xi32, #tpu.memory_space<hbm>>
    tpu.wait_dma2 semaphore(%arg13 : memref<!tpu.dma_semaphore, #tpu.memory_space<semaphore_mem>>) src(%dma_wait3A_43 : memref<40x128xi32, #tpu.memory_space<hbm>>) dst(%arg7 : memref<40x128xi32, #tpu.memory_space<vmem>>)
    %dma_start3A_44 = arith.constant 0 : i32
    %dma_start3A_45 = arith.constant 0 : i32
    %dma_start3A_46 = tpu.memref_slice %arg6[%dma_start3A_44, %dma_start3A_45] : memref<40x128xi32, #tpu.memory_space<vmem>> -> memref<1x128xi32, #tpu.memory_space<vmem>>
    %dma_start3A_47 = tpu.memref_squeeze %dma_start3A_46 : memref<1x128xi32, #tpu.memory_space<vmem>> -> memref<128xi32, #tpu.memory_space<vmem>>
    %dma_start3A_48 = arith.constant 0 : i32
    %dma_start3A_49 = arith.constant 0 : i32
    %dma_start3A_50 = tpu.memref_slice %arg2[%dma_start3A_48, %dma_start3A_49] : memref<10240x128xf32, #tpu.memory_space<hbm>> -> memref<10240x128xf32, #tpu.memory_space<hbm>>
    tpu.enqueue_indirect_dma source(%dma_start3A_50 : memref<10240x128xf32, #tpu.memory_space<hbm>>) target(%arg8 : memref<128x128xf32, #tpu.memory_space<vmem>>) offsets(%dma_start3A_47 : memref<128xi32, #tpu.memory_space<vmem>>) semaphore(%arg11 : memref<!tpu.dma_semaphore, #tpu.memory_space<semaphore_mem>>)
    %scan3A_51 = arith.constant 0 : i32
    %scan3A_52 = arith.constant 0 : i32
    %scan3A_53 = arith.constant 40 : i32
    %scan3A_54 = arith.addi %scan3A_52, %scan3A_53 : i32
    %scan3A_55 = arith.constant 1 : i32
    %scan3A_56 = scf.for %scan3A_109 = %scan3A_52 to %scan3A_54 step %scan3A_55 iter_args(%scan3A_110 = %scan3A_51) -> (i32)  : i32 {
      %jit3A = arith.constant 2 : i32
      %eq3A = arith.constant 0 : i32
      %eq3A_111 = arith.cmpi eq, %jit3A, %eq3A : i32
      %jit3A_112 = arith.constant 1 : i32
      %select_n3A = arith.select %eq3A_111, %jit3A_112, %jit3A : i32
      %rem3A = arith.remsi %scan3A_109, %select_n3A : i32
      %ne3A = arith.constant 0 : i32
      %ne3A_113 = arith.cmpi ne, %rem3A, %ne3A : i32
      %lt3A = arith.constant 0 : i32
      %lt3A_114 = arith.cmpi slt, %rem3A, %lt3A : i32
      %lt3A_115 = arith.constant 0 : i32
      %lt3A_116 = arith.cmpi slt, %select_n3A, %lt3A_115 : i32
      %ne3A_117 = arith.xori %lt3A_114, %lt3A_116 : i1
      %and3A = arith.andi %ne3A_117, %ne3A_113 : i1
      %add3A_118 = arith.addi %rem3A, %select_n3A : i32
      %select_n3A_119 = arith.select %and3A, %add3A_118, %rem3A : i32
      %eq3A_120 = arith.constant 0 : i32
      %eq3A_121 = arith.cmpi eq, %select_n3A_119, %eq3A_120 : i32
      %convert_element_type3A = arith.extui %eq3A_121 : i1 to i32
      %cond3A = arith.constant 0 : i32
      %cond3A_122 = arith.cmpi ne, %convert_element_type3A, %cond3A : i32
      scf.if %cond3A_122 {
        %add3A_145 = arith.constant 1 : i32
        %add3A_146 = arith.addi %scan3A_109, %add3A_145 : i32
        %lt3A_147 = arith.constant 40 : i32
        %lt3A_148 = arith.cmpi slt, %add3A_146, %lt3A_147 : i32
        %convert_element_type3A_149 = arith.extui %lt3A_148 : i1 to i32
        %cond3A_150 = arith.constant 0 : i32
        %cond3A_151 = arith.cmpi ne, %convert_element_type3A_149, %cond3A_150 : i32
        scf.if %cond3A_151 {
          %add3A_159 = arith.constant 1 : i32
          %add3A_160 = arith.addi %scan3A_109, %add3A_159 : i32
          %dma_start3A_161 = arith.constant 0 : i32
          %dma_start3A_162 = tpu.memref_slice %arg6[%add3A_160, %dma_start3A_161] : memref<40x128xi32, #tpu.memory_space<vmem>> -> memref<1x128xi32, #tpu.memory_space<vmem>>
          %dma_start3A_163 = tpu.memref_squeeze %dma_start3A_162 : memref<1x128xi32, #tpu.memory_space<vmem>> -> memref<128xi32, #tpu.memory_space<vmem>>
          %dma_start3A_164 = arith.constant 0 : i32
          %dma_start3A_165 = arith.constant 0 : i32
          %dma_start3A_166 = tpu.memref_slice %arg2[%dma_start3A_164, %dma_start3A_165] : memref<10240x128xf32, #tpu.memory_space<hbm>> -> memref<10240x128xf32, #tpu.memory_space<hbm>>
          tpu.enqueue_indirect_dma source(%dma_start3A_166 : memref<10240x128xf32, #tpu.memory_space<hbm>>) target(%arg9 : memref<128x128xf32, #tpu.memory_space<vmem>>) offsets(%dma_start3A_163 : memref<128xi32, #tpu.memory_space<vmem>>) semaphore(%arg12 : memref<!tpu.dma_semaphore, #tpu.memory_space<semaphore_mem>>)
        } else {
        }
        %dma_wait3A_152 = arith.constant 0 : i32
        %dma_wait3A_153 = arith.constant 0 : i32
        %dma_wait3A_154 = tpu.memref_slice %arg6[%dma_wait3A_152, %dma_wait3A_153] : memref<40x128xi32, #tpu.memory_space<vmem>> -> memref<1x128xi32, #tpu.memory_space<vmem>>
        %dma_wait3A_155 = tpu.memref_squeeze %dma_wait3A_154 : memref<1x128xi32, #tpu.memory_space<vmem>> -> memref<128xi32, #tpu.memory_space<vmem>>
        %dma_wait3A_156 = arith.constant 0 : i32
        %dma_wait3A_157 = arith.constant 0 : i32
        %dma_wait3A_158 = tpu.memref_slice %arg2[%dma_wait3A_156, %dma_wait3A_157] : memref<10240x128xf32, #tpu.memory_space<hbm>> -> memref<10240x128xf32, #tpu.memory_space<hbm>>
        tpu.wait_indirect_dma semaphore(%arg11 : memref<!tpu.dma_semaphore, #tpu.memory_space<semaphore_mem>>) src(%dma_wait3A_158 : memref<10240x128xf32, #tpu.memory_space<hbm>>) dst(%arg8 : memref<128x128xf32, #tpu.memory_space<vmem>>)
        "tpu.region"() ({
          %run_scoped3A = tpu.sem_alloc : memref<!tpu.dma_semaphore, #tpu.memory_space<semaphore_mem>>
          %dma_start3A_159 = arith.constant 0 : i32
          %dma_start3A_160 = tpu.memref_slice %arg7[%scan3A_109, %dma_start3A_159] : memref<40x128xi32, #tpu.memory_space<vmem>> -> memref<1x128xi32, #tpu.memory_space<vmem>>
          %dma_start3A_161 = tpu.memref_squeeze %dma_start3A_160 : memref<1x128xi32, #tpu.memory_space<vmem>> -> memref<128xi32, #tpu.memory_space<vmem>>
          %dma_start3A_162 = arith.constant 0 : i32
          %dma_start3A_163 = arith.constant 0 : i32
          %dma_start3A_164 = tpu.memref_slice %arg10[%dma_start3A_162, %dma_start3A_163] : memref<10240x128xf32, #tpu.memory_space<vmem_shared>> -> memref<10240x128xf32, #tpu.memory_space<vmem_shared>>
          tpu.enqueue_indirect_dma source(%arg8 : memref<128x128xf32, #tpu.memory_space<vmem>>) target(%dma_start3A_164 : memref<10240x128xf32, #tpu.memory_space<vmem_shared>>) offsets(%dma_start3A_161 : memref<128xi32, #tpu.memory_space<vmem>>) semaphore(%run_scoped3A : memref<!tpu.dma_semaphore, #tpu.memory_space<semaphore_mem>>) {add = true}
          %dma_wait3A_165 = arith.constant 0 : i32
          %dma_wait3A_166 = tpu.memref_slice %arg7[%scan3A_109, %dma_wait3A_165] : memref<40x128xi32, #tpu.memory_space<vmem>> -> memref<1x128xi32, #tpu.memory_space<vmem>>
          %dma_wait3A_167 = tpu.memref_squeeze %dma_wait3A_166 : memref<1x128xi32, #tpu.memory_space<vmem>> -> memref<128xi32, #tpu.memory_space<vmem>>
          %dma_wait3A_168 = arith.constant 0 : i32
          %dma_wait3A_169 = arith.constant 0 : i32
          %dma_wait3A_170 = tpu.memref_slice %arg10[%dma_wait3A_168, %dma_wait3A_169] : memref<10240x128xf32, #tpu.memory_space<vmem_shared>> -> memref<10240x128xf32, #tpu.memory_space<vmem_shared>>
          tpu.wait_indirect_dma semaphore(%run_scoped3A : memref<!tpu.dma_semaphore, #tpu.memory_space<semaphore_mem>>) src(%arg8 : memref<128x128xf32, #tpu.memory_space<vmem>>) dst(%dma_wait3A_170 : memref<10240x128xf32, #tpu.memory_space<vmem_shared>>)
          tpu.yield
        }) : () -> ()
      } else {
      }
      %jit3A_123 = arith.constant 2 : i32
      %eq3A_124 = arith.constant 0 : i32
      %eq3A_125 = arith.cmpi eq, %jit3A_123, %eq3A_124 : i32
      %jit3A_126 = arith.constant 1 : i32
      %select_n3A_127 = arith.select %eq3A_125, %jit3A_126, %jit3A_123 : i32
      %rem3A_128 = arith.remsi %scan3A_109, %select_n3A_127 : i32
      %ne3A_129 = arith.constant 0 : i32
      %ne3A_130 = arith.cmpi ne, %rem3A_128, %ne3A_129 : i32
      %lt3A_131 = arith.constant 0 : i32
      %lt3A_132 = arith.cmpi slt, %rem3A_128, %lt3A_131 : i32
      %lt3A_133 = arith.constant 0 : i32
      %lt3A_134 = arith.cmpi slt, %select_n3A_127, %lt3A_133 : i32
      %ne3A_135 = arith.xori %lt3A_132, %lt3A_134 : i1
      %and3A_136 = arith.andi %ne3A_135, %ne3A_130 : i1
      %add3A_137 = arith.addi %rem3A_128, %select_n3A_127 : i32
      %select_n3A_138 = arith.select %and3A_136, %add3A_137, %rem3A_128 : i32
      %eq3A_139 = arith.constant 1 : i32
      %eq3A_140 = arith.cmpi eq, %select_n3A_138, %eq3A_139 : i32
      %convert_element_type3A_141 = arith.extui %eq3A_140 : i1 to i32
      %cond3A_142 = arith.constant 0 : i32
      %cond3A_143 = arith.cmpi ne, %convert_element_type3A_141, %cond3A_142 : i32
      scf.if %cond3A_143 {
        %add3A_145 = arith.constant 1 : i32
        %add3A_146 = arith.addi %scan3A_109, %add3A_145 : i32
        %lt3A_147 = arith.constant 40 : i32
        %lt3A_148 = arith.cmpi slt, %add3A_146, %lt3A_147 : i32
        %convert_element_type3A_149 = arith.extui %lt3A_148 : i1 to i32
        %cond3A_150 = arith.constant 0 : i32
        %cond3A_151 = arith.cmpi ne, %convert_element_type3A_149, %cond3A_150 : i32
        scf.if %cond3A_151 {
          %add3A_159 = arith.constant 1 : i32
          %add3A_160 = arith.addi %scan3A_109, %add3A_159 : i32
          %dma_start3A_161 = arith.constant 0 : i32
          %dma_start3A_162 = tpu.memref_slice %arg6[%add3A_160, %dma_start3A_161] : memref<40x128xi32, #tpu.memory_space<vmem>> -> memref<1x128xi32, #tpu.memory_space<vmem>>
          %dma_start3A_163 = tpu.memref_squeeze %dma_start3A_162 : memref<1x128xi32, #tpu.memory_space<vmem>> -> memref<128xi32, #tpu.memory_space<vmem>>
          %dma_start3A_164 = arith.constant 0 : i32
          %dma_start3A_165 = arith.constant 0 : i32
          %dma_start3A_166 = tpu.memref_slice %arg2[%dma_start3A_164, %dma_start3A_165] : memref<10240x128xf32, #tpu.memory_space<hbm>> -> memref<10240x128xf32, #tpu.memory_space<hbm>>
          tpu.enqueue_indirect_dma source(%dma_start3A_166 : memref<10240x128xf32, #tpu.memory_space<hbm>>) target(%arg8 : memref<128x128xf32, #tpu.memory_space<vmem>>) offsets(%dma_start3A_163 : memref<128xi32, #tpu.memory_space<vmem>>) semaphore(%arg11 : memref<!tpu.dma_semaphore, #tpu.memory_space<semaphore_mem>>)
        } else {
        }
        %dma_wait3A_152 = arith.constant 0 : i32
        %dma_wait3A_153 = arith.constant 0 : i32
        %dma_wait3A_154 = tpu.memref_slice %arg6[%dma_wait3A_152, %dma_wait3A_153] : memref<40x128xi32, #tpu.memory_space<vmem>> -> memref<1x128xi32, #tpu.memory_space<vmem>>
        %dma_wait3A_155 = tpu.memref_squeeze %dma_wait3A_154 : memref<1x128xi32, #tpu.memory_space<vmem>> -> memref<128xi32, #tpu.memory_space<vmem>>
        %dma_wait3A_156 = arith.constant 0 : i32
        %dma_wait3A_157 = arith.constant 0 : i32
        %dma_wait3A_158 = tpu.memref_slice %arg2[%dma_wait3A_156, %dma_wait3A_157] : memref<10240x128xf32, #tpu.memory_space<hbm>> -> memref<10240x128xf32, #tpu.memory_space<hbm>>
        tpu.wait_indirect_dma semaphore(%arg12 : memref<!tpu.dma_semaphore, #tpu.memory_space<semaphore_mem>>) src(%dma_wait3A_158 : memref<10240x128xf32, #tpu.memory_space<hbm>>) dst(%arg9 : memref<128x128xf32, #tpu.memory_space<vmem>>)
        "tpu.region"() ({
          %run_scoped3A = tpu.sem_alloc : memref<!tpu.dma_semaphore, #tpu.memory_space<semaphore_mem>>
          %dma_start3A_159 = arith.constant 0 : i32
          %dma_start3A_160 = tpu.memref_slice %arg7[%scan3A_109, %dma_start3A_159] : memref<40x128xi32, #tpu.memory_space<vmem>> -> memref<1x128xi32, #tpu.memory_space<vmem>>
          %dma_start3A_161 = tpu.memref_squeeze %dma_start3A_160 : memref<1x128xi32, #tpu.memory_space<vmem>> -> memref<128xi32, #tpu.memory_space<vmem>>
          %dma_start3A_162 = arith.constant 0 : i32
          %dma_start3A_163 = arith.constant 0 : i32
          %dma_start3A_164 = tpu.memref_slice %arg10[%dma_start3A_162, %dma_start3A_163] : memref<10240x128xf32, #tpu.memory_space<vmem_shared>> -> memref<10240x128xf32, #tpu.memory_space<vmem_shared>>
          tpu.enqueue_indirect_dma source(%arg9 : memref<128x128xf32, #tpu.memory_space<vmem>>) target(%dma_start3A_164 : memref<10240x128xf32, #tpu.memory_space<vmem_shared>>) offsets(%dma_start3A_161 : memref<128xi32, #tpu.memory_space<vmem>>) semaphore(%run_scoped3A : memref<!tpu.dma_semaphore, #tpu.memory_space<semaphore_mem>>) {add = true}
          %dma_wait3A_165 = arith.constant 0 : i32
          %dma_wait3A_166 = tpu.memref_slice %arg7[%scan3A_109, %dma_wait3A_165] : memref<40x128xi32, #tpu.memory_space<vmem>> -> memref<1x128xi32, #tpu.memory_space<vmem>>
          %dma_wait3A_167 = tpu.memref_squeeze %dma_wait3A_166 : memref<1x128xi32, #tpu.memory_space<vmem>> -> memref<128xi32, #tpu.memory_space<vmem>>
          %dma_wait3A_168 = arith.constant 0 : i32
          %dma_wait3A_169 = arith.constant 0 : i32
          %dma_wait3A_170 = tpu.memref_slice %arg10[%dma_wait3A_168, %dma_wait3A_169] : memref<10240x128xf32, #tpu.memory_space<vmem_shared>> -> memref<10240x128xf32, #tpu.memory_space<vmem_shared>>
          tpu.wait_indirect_dma semaphore(%run_scoped3A : memref<!tpu.dma_semaphore, #tpu.memory_space<semaphore_mem>>) src(%arg9 : memref<128x128xf32, #tpu.memory_space<vmem>>) dst(%dma_wait3A_170 : memref<10240x128xf32, #tpu.memory_space<vmem_shared>>)
          tpu.yield
        }) : () -> ()
      } else {
      }
      %scan3A_144 = arith.constant 0 : i32
      scf.yield %scan3A_144 : i32
    }
    %scan3A_57 = arith.constant 40 : i32
    %dma_start3A_58 = arith.constant 40 : i32
    %dma_start3A_59 = arith.constant 0 : i32
    %dma_start3A_60 = tpu.memref_slice %arg3[%add3A, %dma_start3A_58, %dma_start3A_59] : memref<32x80x128xi32, #tpu.memory_space<hbm>> -> memref<1x40x128xi32, #tpu.memory_space<hbm>>
    %dma_start3A_61 = tpu.memref_squeeze %dma_start3A_60 : memref<1x40x128xi32, #tpu.memory_space<hbm>> -> memref<40x128xi32, #tpu.memory_space<hbm>>
    %dma_start3A_62 = arith.constant 40 : i32
    %dma_start3A_63 = arith.constant 0 : i32
    %dma_start3A_64 = tpu.memref_slice %arg3[%add3A, %dma_start3A_62, %dma_start3A_63] : memref<32x80x128xi32, #tpu.memory_space<hbm>> -> memref<1x40x128xi32, #tpu.memory_space<hbm>>
    %dma_start3A_65 = tpu.memref_squeeze %dma_start3A_64 : memref<1x40x128xi32, #tpu.memory_space<hbm>> -> memref<40x128xi32, #tpu.memory_space<hbm>>
    tpu.enqueue_dma source(%dma_start3A_65 : memref<40x128xi32, #tpu.memory_space<hbm>>) target(%arg6 : memref<40x128xi32, #tpu.memory_space<vmem>>) target_semaphore(%arg13 : memref<!tpu.dma_semaphore, #tpu.memory_space<semaphore_mem>>)
    %dma_start3A_66 = arith.constant 40 : i32
    %dma_start3A_67 = arith.constant 0 : i32
    %dma_start3A_68 = tpu.memref_slice %arg4[%add3A, %dma_start3A_66, %dma_start3A_67] : memref<32x80x128xi32, #tpu.memory_space<hbm>> -> memref<1x40x128xi32, #tpu.memory_space<hbm>>
    %dma_start3A_69 = tpu.memref_squeeze %dma_start3A_68 : memref<1x40x128xi32, #tpu.memory_space<hbm>> -> memref<40x128xi32, #tpu.memory_space<hbm>>
    %dma_start3A_70 = arith.constant 40 : i32
    %dma_start3A_71 = arith.constant 0 : i32
    %dma_start3A_72 = tpu.memref_slice %arg4[%add3A, %dma_start3A_70, %dma_start3A_71] : memref<32x80x128xi32, #tpu.memory_space<hbm>> -> memref<1x40x128xi32, #tpu.memory_space<hbm>>
    %dma_start3A_73 = tpu.memref_squeeze %dma_start3A_72 : memref<1x40x128xi32, #tpu.memory_space<hbm>> -> memref<40x128xi32, #tpu.memory_space<hbm>>
    tpu.enqueue_dma source(%dma_start3A_73 : memref<40x128xi32, #tpu.memory_space<hbm>>) target(%arg7 : memref<40x128xi32, #tpu.memory_space<vmem>>) target_semaphore(%arg13 : memref<!tpu.dma_semaphore, #tpu.memory_space<semaphore_mem>>)
    %dma_wait3A_74 = arith.constant 0 : i32
    %dma_wait3A_75 = arith.constant 0 : i32
    %dma_wait3A_76 = tpu.memref_slice %arg3[%add3A, %dma_wait3A_74, %dma_wait3A_75] : memref<32x80x128xi32, #tpu.memory_space<hbm>> -> memref<1x40x128xi32, #tpu.memory_space<hbm>>
    %dma_wait3A_77 = tpu.memref_squeeze %dma_wait3A_76 : memref<1x40x128xi32, #tpu.memory_space<hbm>> -> memref<40x128xi32, #tpu.memory_space<hbm>>
    %dma_wait3A_78 = arith.constant 0 : i32
    %dma_wait3A_79 = arith.constant 0 : i32
    %dma_wait3A_80 = tpu.memref_slice %arg3[%add3A, %dma_wait3A_78, %dma_wait3A_79] : memref<32x80x128xi32, #tpu.memory_space<hbm>> -> memref<1x40x128xi32, #tpu.memory_space<hbm>>
    %dma_wait3A_81 = tpu.memref_squeeze %dma_wait3A_80 : memref<1x40x128xi32, #tpu.memory_space<hbm>> -> memref<40x128xi32, #tpu.memory_space<hbm>>
    tpu.wait_dma2 semaphore(%arg13 : memref<!tpu.dma_semaphore, #tpu.memory_space<semaphore_mem>>) src(%dma_wait3A_81 : memref<40x128xi32, #tpu.memory_space<hbm>>) dst(%arg6 : memref<40x128xi32, #tpu.memory_space<vmem>>)
    %dma_wait3A_82 = arith.constant 0 : i32
    %dma_wait3A_83 = arith.constant 0 : i32
    %dma_wait3A_84 = tpu.memref_slice %arg4[%add3A, %dma_wait3A_82, %dma_wait3A_83] : memref<32x80x128xi32, #tpu.memory_space<hbm>> -> memref<1x40x128xi32, #tpu.memory_space<hbm>>
    %dma_wait3A_85 = tpu.memref_squeeze %dma_wait3A_84 : memref<1x40x128xi32, #tpu.memory_space<hbm>> -> memref<40x128xi32, #tpu.memory_space<hbm>>
    %dma_wait3A_86 = arith.constant 0 : i32
    %dma_wait3A_87 = arith.constant 0 : i32
    %dma_wait3A_88 = tpu.memref_slice %arg4[%add3A, %dma_wait3A_86, %dma_wait3A_87] : memref<32x80x128xi32, #tpu.memory_space<hbm>> -> memref<1x40x128xi32, #tpu.memory_space<hbm>>
    %dma_wait3A_89 = tpu.memref_squeeze %dma_wait3A_88 : memref<1x40x128xi32, #tpu.memory_space<hbm>> -> memref<40x128xi32, #tpu.memory_space<hbm>>
    tpu.wait_dma2 semaphore(%arg13 : memref<!tpu.dma_semaphore, #tpu.memory_space<semaphore_mem>>) src(%dma_wait3A_89 : memref<40x128xi32, #tpu.memory_space<hbm>>) dst(%arg7 : memref<40x128xi32, #tpu.memory_space<vmem>>)
    %dma_start3A_90 = arith.constant 0 : i32
    %dma_start3A_91 = arith.constant 0 : i32
    %dma_start3A_92 = tpu.memref_slice %arg6[%dma_start3A_90, %dma_start3A_91] : memref<40x128xi32, #tpu.memory_space<vmem>> -> memref<1x128xi32, #tpu.memory_space<vmem>>
    %dma_start3A_93 = tpu.memref_squeeze %dma_start3A_92 : memref<1x128xi32, #tpu.memory_space<vmem>> -> memref<128xi32, #tpu.memory_space<vmem>>
    %dma_start3A_94 = arith.constant 0 : i32
    %dma_start3A_95 = arith.constant 0 : i32
    %dma_start3A_96 = tpu.memref_slice %arg2[%dma_start3A_94, %dma_start3A_95] : memref<10240x128xf32, #tpu.memory_space<hbm>> -> memref<10240x128xf32, #tpu.memory_space<hbm>>
    tpu.enqueue_indirect_dma source(%dma_start3A_96 : memref<10240x128xf32, #tpu.memory_space<hbm>>) target(%arg8 : memref<128x128xf32, #tpu.memory_space<vmem>>) offsets(%dma_start3A_93 : memref<128xi32, #tpu.memory_space<vmem>>) semaphore(%arg11 : memref<!tpu.dma_semaphore, #tpu.memory_space<semaphore_mem>>)
    %scan3A_97 = arith.constant 0 : i32
    %scan3A_98 = arith.constant 0 : i32
    %scan3A_99 = arith.constant 40 : i32
    %scan3A_100 = arith.addi %scan3A_98, %scan3A_99 : i32
    %scan3A_101 = arith.constant 1 : i32
    %scan3A_102 = scf.for %scan3A_109 = %scan3A_98 to %scan3A_100 step %scan3A_101 iter_args(%scan3A_110 = %scan3A_97) -> (i32)  : i32 {
      %jit3A = arith.constant 2 : i32
      %eq3A = arith.constant 0 : i32
      %eq3A_111 = arith.cmpi eq, %jit3A, %eq3A : i32
      %jit3A_112 = arith.constant 1 : i32
      %select_n3A = arith.select %eq3A_111, %jit3A_112, %jit3A : i32
      %rem3A = arith.remsi %scan3A_109, %select_n3A : i32
      %ne3A = arith.constant 0 : i32
      %ne3A_113 = arith.cmpi ne, %rem3A, %ne3A : i32
      %lt3A = arith.constant 0 : i32
      %lt3A_114 = arith.cmpi slt, %rem3A, %lt3A : i32
      %lt3A_115 = arith.constant 0 : i32
      %lt3A_116 = arith.cmpi slt, %select_n3A, %lt3A_115 : i32
      %ne3A_117 = arith.xori %lt3A_114, %lt3A_116 : i1
      %and3A = arith.andi %ne3A_117, %ne3A_113 : i1
      %add3A_118 = arith.addi %rem3A, %select_n3A : i32
      %select_n3A_119 = arith.select %and3A, %add3A_118, %rem3A : i32
      %eq3A_120 = arith.constant 0 : i32
      %eq3A_121 = arith.cmpi eq, %select_n3A_119, %eq3A_120 : i32
      %convert_element_type3A = arith.extui %eq3A_121 : i1 to i32
      %cond3A = arith.constant 0 : i32
      %cond3A_122 = arith.cmpi ne, %convert_element_type3A, %cond3A : i32
      scf.if %cond3A_122 {
        %add3A_145 = arith.constant 1 : i32
        %add3A_146 = arith.addi %scan3A_109, %add3A_145 : i32
        %lt3A_147 = arith.constant 40 : i32
        %lt3A_148 = arith.cmpi slt, %add3A_146, %lt3A_147 : i32
        %convert_element_type3A_149 = arith.extui %lt3A_148 : i1 to i32
        %cond3A_150 = arith.constant 0 : i32
        %cond3A_151 = arith.cmpi ne, %convert_element_type3A_149, %cond3A_150 : i32
        scf.if %cond3A_151 {
          %add3A_159 = arith.constant 1 : i32
          %add3A_160 = arith.addi %scan3A_109, %add3A_159 : i32
          %dma_start3A_161 = arith.constant 0 : i32
          %dma_start3A_162 = tpu.memref_slice %arg6[%add3A_160, %dma_start3A_161] : memref<40x128xi32, #tpu.memory_space<vmem>> -> memref<1x128xi32, #tpu.memory_space<vmem>>
          %dma_start3A_163 = tpu.memref_squeeze %dma_start3A_162 : memref<1x128xi32, #tpu.memory_space<vmem>> -> memref<128xi32, #tpu.memory_space<vmem>>
          %dma_start3A_164 = arith.constant 0 : i32
          %dma_start3A_165 = arith.constant 0 : i32
          %dma_start3A_166 = tpu.memref_slice %arg2[%dma_start3A_164, %dma_start3A_165] : memref<10240x128xf32, #tpu.memory_space<hbm>> -> memref<10240x128xf32, #tpu.memory_space<hbm>>
          tpu.enqueue_indirect_dma source(%dma_start3A_166 : memref<10240x128xf32, #tpu.memory_space<hbm>>) target(%arg9 : memref<128x128xf32, #tpu.memory_space<vmem>>) offsets(%dma_start3A_163 : memref<128xi32, #tpu.memory_space<vmem>>) semaphore(%arg12 : memref<!tpu.dma_semaphore, #tpu.memory_space<semaphore_mem>>)
        } else {
        }
        %dma_wait3A_152 = arith.constant 0 : i32
        %dma_wait3A_153 = arith.constant 0 : i32
        %dma_wait3A_154 = tpu.memref_slice %arg6[%dma_wait3A_152, %dma_wait3A_153] : memref<40x128xi32, #tpu.memory_space<vmem>> -> memref<1x128xi32, #tpu.memory_space<vmem>>
        %dma_wait3A_155 = tpu.memref_squeeze %dma_wait3A_154 : memref<1x128xi32, #tpu.memory_space<vmem>> -> memref<128xi32, #tpu.memory_space<vmem>>
        %dma_wait3A_156 = arith.constant 0 : i32
        %dma_wait3A_157 = arith.constant 0 : i32
        %dma_wait3A_158 = tpu.memref_slice %arg2[%dma_wait3A_156, %dma_wait3A_157] : memref<10240x128xf32, #tpu.memory_space<hbm>> -> memref<10240x128xf32, #tpu.memory_space<hbm>>
        tpu.wait_indirect_dma semaphore(%arg11 : memref<!tpu.dma_semaphore, #tpu.memory_space<semaphore_mem>>) src(%dma_wait3A_158 : memref<10240x128xf32, #tpu.memory_space<hbm>>) dst(%arg8 : memref<128x128xf32, #tpu.memory_space<vmem>>)
        "tpu.region"() ({
          %run_scoped3A = tpu.sem_alloc : memref<!tpu.dma_semaphore, #tpu.memory_space<semaphore_mem>>
          %dma_start3A_159 = arith.constant 0 : i32
          %dma_start3A_160 = tpu.memref_slice %arg7[%scan3A_109, %dma_start3A_159] : memref<40x128xi32, #tpu.memory_space<vmem>> -> memref<1x128xi32, #tpu.memory_space<vmem>>
          %dma_start3A_161 = tpu.memref_squeeze %dma_start3A_160 : memref<1x128xi32, #tpu.memory_space<vmem>> -> memref<128xi32, #tpu.memory_space<vmem>>
          %dma_start3A_162 = arith.constant 0 : i32
          %dma_start3A_163 = arith.constant 0 : i32
          %dma_start3A_164 = tpu.memref_slice %arg10[%dma_start3A_162, %dma_start3A_163] : memref<10240x128xf32, #tpu.memory_space<vmem_shared>> -> memref<10240x128xf32, #tpu.memory_space<vmem_shared>>
          tpu.enqueue_indirect_dma source(%arg8 : memref<128x128xf32, #tpu.memory_space<vmem>>) target(%dma_start3A_164 : memref<10240x128xf32, #tpu.memory_space<vmem_shared>>) offsets(%dma_start3A_161 : memref<128xi32, #tpu.memory_space<vmem>>) semaphore(%run_scoped3A : memref<!tpu.dma_semaphore, #tpu.memory_space<semaphore_mem>>) {add = true}
          %dma_wait3A_165 = arith.constant 0 : i32
          %dma_wait3A_166 = tpu.memref_slice %arg7[%scan3A_109, %dma_wait3A_165] : memref<40x128xi32, #tpu.memory_space<vmem>> -> memref<1x128xi32, #tpu.memory_space<vmem>>
          %dma_wait3A_167 = tpu.memref_squeeze %dma_wait3A_166 : memref<1x128xi32, #tpu.memory_space<vmem>> -> memref<128xi32, #tpu.memory_space<vmem>>
          %dma_wait3A_168 = arith.constant 0 : i32
          %dma_wait3A_169 = arith.constant 0 : i32
          %dma_wait3A_170 = tpu.memref_slice %arg10[%dma_wait3A_168, %dma_wait3A_169] : memref<10240x128xf32, #tpu.memory_space<vmem_shared>> -> memref<10240x128xf32, #tpu.memory_space<vmem_shared>>
          tpu.wait_indirect_dma semaphore(%run_scoped3A : memref<!tpu.dma_semaphore, #tpu.memory_space<semaphore_mem>>) src(%arg8 : memref<128x128xf32, #tpu.memory_space<vmem>>) dst(%dma_wait3A_170 : memref<10240x128xf32, #tpu.memory_space<vmem_shared>>)
          tpu.yield
        }) : () -> ()
      } else {
      }
      %jit3A_123 = arith.constant 2 : i32
      %eq3A_124 = arith.constant 0 : i32
      %eq3A_125 = arith.cmpi eq, %jit3A_123, %eq3A_124 : i32
      %jit3A_126 = arith.constant 1 : i32
      %select_n3A_127 = arith.select %eq3A_125, %jit3A_126, %jit3A_123 : i32
      %rem3A_128 = arith.remsi %scan3A_109, %select_n3A_127 : i32
      %ne3A_129 = arith.constant 0 : i32
      %ne3A_130 = arith.cmpi ne, %rem3A_128, %ne3A_129 : i32
      %lt3A_131 = arith.constant 0 : i32
      %lt3A_132 = arith.cmpi slt, %rem3A_128, %lt3A_131 : i32
      %lt3A_133 = arith.constant 0 : i32
      %lt3A_134 = arith.cmpi slt, %select_n3A_127, %lt3A_133 : i32
      %ne3A_135 = arith.xori %lt3A_132, %lt3A_134 : i1
      %and3A_136 = arith.andi %ne3A_135, %ne3A_130 : i1
      %add3A_137 = arith.addi %rem3A_128, %select_n3A_127 : i32
      %select_n3A_138 = arith.select %and3A_136, %add3A_137, %rem3A_128 : i32
      %eq3A_139 = arith.constant 1 : i32
      %eq3A_140 = arith.cmpi eq, %select_n3A_138, %eq3A_139 : i32
      %convert_element_type3A_141 = arith.extui %eq3A_140 : i1 to i32
      %cond3A_142 = arith.constant 0 : i32
      %cond3A_143 = arith.cmpi ne, %convert_element_type3A_141, %cond3A_142 : i32
      scf.if %cond3A_143 {
        %add3A_145 = arith.constant 1 : i32
        %add3A_146 = arith.addi %scan3A_109, %add3A_145 : i32
        %lt3A_147 = arith.constant 40 : i32
        %lt3A_148 = arith.cmpi slt, %add3A_146, %lt3A_147 : i32
        %convert_element_type3A_149 = arith.extui %lt3A_148 : i1 to i32
        %cond3A_150 = arith.constant 0 : i32
        %cond3A_151 = arith.cmpi ne, %convert_element_type3A_149, %cond3A_150 : i32
        scf.if %cond3A_151 {
          %add3A_159 = arith.constant 1 : i32
          %add3A_160 = arith.addi %scan3A_109, %add3A_159 : i32
          %dma_start3A_161 = arith.constant 0 : i32
          %dma_start3A_162 = tpu.memref_slice %arg6[%add3A_160, %dma_start3A_161] : memref<40x128xi32, #tpu.memory_space<vmem>> -> memref<1x128xi32, #tpu.memory_space<vmem>>
          %dma_start3A_163 = tpu.memref_squeeze %dma_start3A_162 : memref<1x128xi32, #tpu.memory_space<vmem>> -> memref<128xi32, #tpu.memory_space<vmem>>
          %dma_start3A_164 = arith.constant 0 : i32
          %dma_start3A_165 = arith.constant 0 : i32
          %dma_start3A_166 = tpu.memref_slice %arg2[%dma_start3A_164, %dma_start3A_165] : memref<10240x128xf32, #tpu.memory_space<hbm>> -> memref<10240x128xf32, #tpu.memory_space<hbm>>
          tpu.enqueue_indirect_dma source(%dma_start3A_166 : memref<10240x128xf32, #tpu.memory_space<hbm>>) target(%arg8 : memref<128x128xf32, #tpu.memory_space<vmem>>) offsets(%dma_start3A_163 : memref<128xi32, #tpu.memory_space<vmem>>) semaphore(%arg11 : memref<!tpu.dma_semaphore, #tpu.memory_space<semaphore_mem>>)
        } else {
        }
        %dma_wait3A_152 = arith.constant 0 : i32
        %dma_wait3A_153 = arith.constant 0 : i32
        %dma_wait3A_154 = tpu.memref_slice %arg6[%dma_wait3A_152, %dma_wait3A_153] : memref<40x128xi32, #tpu.memory_space<vmem>> -> memref<1x128xi32, #tpu.memory_space<vmem>>
        %dma_wait3A_155 = tpu.memref_squeeze %dma_wait3A_154 : memref<1x128xi32, #tpu.memory_space<vmem>> -> memref<128xi32, #tpu.memory_space<vmem>>
        %dma_wait3A_156 = arith.constant 0 : i32
        %dma_wait3A_157 = arith.constant 0 : i32
        %dma_wait3A_158 = tpu.memref_slice %arg2[%dma_wait3A_156, %dma_wait3A_157] : memref<10240x128xf32, #tpu.memory_space<hbm>> -> memref<10240x128xf32, #tpu.memory_space<hbm>>
        tpu.wait_indirect_dma semaphore(%arg12 : memref<!tpu.dma_semaphore, #tpu.memory_space<semaphore_mem>>) src(%dma_wait3A_158 : memref<10240x128xf32, #tpu.memory_space<hbm>>) dst(%arg9 : memref<128x128xf32, #tpu.memory_space<vmem>>)
        "tpu.region"() ({
          %run_scoped3A = tpu.sem_alloc : memref<!tpu.dma_semaphore, #tpu.memory_space<semaphore_mem>>
          %dma_start3A_159 = arith.constant 0 : i32
          %dma_start3A_160 = tpu.memref_slice %arg7[%scan3A_109, %dma_start3A_159] : memref<40x128xi32, #tpu.memory_space<vmem>> -> memref<1x128xi32, #tpu.memory_space<vmem>>
          %dma_start3A_161 = tpu.memref_squeeze %dma_start3A_160 : memref<1x128xi32, #tpu.memory_space<vmem>> -> memref<128xi32, #tpu.memory_space<vmem>>
          %dma_start3A_162 = arith.constant 0 : i32
          %dma_start3A_163 = arith.constant 0 : i32
          %dma_start3A_164 = tpu.memref_slice %arg10[%dma_start3A_162, %dma_start3A_163] : memref<10240x128xf32, #tpu.memory_space<vmem_shared>> -> memref<10240x128xf32, #tpu.memory_space<vmem_shared>>
          tpu.enqueue_indirect_dma source(%arg9 : memref<128x128xf32, #tpu.memory_space<vmem>>) target(%dma_start3A_164 : memref<10240x128xf32, #tpu.memory_space<vmem_shared>>) offsets(%dma_start3A_161 : memref<128xi32, #tpu.memory_space<vmem>>) semaphore(%run_scoped3A : memref<!tpu.dma_semaphore, #tpu.memory_space<semaphore_mem>>) {add = true}
          %dma_wait3A_165 = arith.constant 0 : i32
          %dma_wait3A_166 = tpu.memref_slice %arg7[%scan3A_109, %dma_wait3A_165] : memref<40x128xi32, #tpu.memory_space<vmem>> -> memref<1x128xi32, #tpu.memory_space<vmem>>
          %dma_wait3A_167 = tpu.memref_squeeze %dma_wait3A_166 : memref<1x128xi32, #tpu.memory_space<vmem>> -> memref<128xi32, #tpu.memory_space<vmem>>
          %dma_wait3A_168 = arith.constant 0 : i32
          %dma_wait3A_169 = arith.constant 0 : i32
          %dma_wait3A_170 = tpu.memref_slice %arg10[%dma_wait3A_168, %dma_wait3A_169] : memref<10240x128xf32, #tpu.memory_space<vmem_shared>> -> memref<10240x128xf32, #tpu.memory_space<vmem_shared>>
          tpu.wait_indirect_dma semaphore(%run_scoped3A : memref<!tpu.dma_semaphore, #tpu.memory_space<semaphore_mem>>) src(%arg9 : memref<128x128xf32, #tpu.memory_space<vmem>>) dst(%dma_wait3A_170 : memref<10240x128xf32, #tpu.memory_space<vmem_shared>>)
          tpu.yield
        }) : () -> ()
      } else {
      }
      %scan3A_144 = arith.constant 0 : i32
      scf.yield %scan3A_144 : i32
    }
    %scan3A_103 = arith.constant 40 : i32
    %barrier3A_104 = arith.constant 0 : index
    tpu.barrier barrier_id(%barrier3A_104)
    %mul3A_105 = arith.constant 640 : i32
    %mul3A_106 = arith.muli %arg1, %mul3A_105 : i32
    %mul3A_107 = arith.constant 640 : i32
    %mul3A_108 = arith.muli %arg1, %mul3A_107 : i32
    "tpu.region"() ({
      %run_scoped3A = tpu.sem_alloc : memref<!tpu.dma_semaphore, #tpu.memory_space<semaphore_mem>>
      %dma_start3A_109 = arith.constant 0 : i32
      %dma_start3A_110 = tpu.memref_slice %arg5[%arg0, %mul3A_108, %dma_start3A_109] : memref<2x10240x128xf32, #tpu.memory_space<hbm>> -> memref<1x640x128xf32, #tpu.memory_space<hbm>>
      %dma_start3A_111 = tpu.memref_squeeze %dma_start3A_110 : memref<1x640x128xf32, #tpu.memory_space<hbm>> -> memref<640x128xf32, #tpu.memory_space<hbm>>
      %dma_start3A_112 = arith.constant 0 : i32
      %dma_start3A_113 = tpu.memref_slice %arg10[%mul3A_106, %dma_start3A_112] : memref<10240x128xf32, #tpu.memory_space<vmem_shared>> -> memref<640x128xf32, #tpu.memory_space<vmem_shared>>
      tpu.enqueue_dma source(%dma_start3A_113 : memref<640x128xf32, #tpu.memory_space<vmem_shared>>) target(%dma_start3A_111 : memref<640x128xf32, #tpu.memory_space<hbm>>) target_semaphore(%run_scoped3A : memref<!tpu.dma_semaphore, #tpu.memory_space<semaphore_mem>>)
      %dma_wait3A_114 = arith.constant 0 : i32
      %dma_wait3A_115 = tpu.memref_slice %arg5[%arg0, %mul3A_108, %dma_wait3A_114] : memref<2x10240x128xf32, #tpu.memory_space<hbm>> -> memref<1x640x128xf32, #tpu.memory_space<hbm>>
      %dma_wait3A_116 = tpu.memref_squeeze %dma_wait3A_115 : memref<1x640x128xf32, #tpu.memory_space<hbm>> -> memref<640x128xf32, #tpu.memory_space<hbm>>
      %dma_wait3A_117 = arith.constant 0 : i32
      %dma_wait3A_118 = tpu.memref_slice %arg10[%mul3A_106, %dma_wait3A_117] : memref<10240x128xf32, #tpu.memory_space<vmem_shared>> -> memref<640x128xf32, #tpu.memory_space<vmem_shared>>
      tpu.wait_dma2 semaphore(%run_scoped3A : memref<!tpu.dma_semaphore, #tpu.memory_space<semaphore_mem>>) src(%dma_wait3A_118 : memref<640x128xf32, #tpu.memory_space<vmem_shared>>) dst(%dma_wait3A_116 : memref<640x128xf32, #tpu.memory_space<hbm>>)
      tpu.yield
    }) : () -> ()
    return
  }
}

module attributes {stable_mosaic.version = 14 : i64} {
  func.func @_k1_body(%arg0: i32, %arg1: memref<2048x2xf32, #tpu.memory_space<vmem>>, %arg2: memref<2048x128xf32, #tpu.memory_space<vmem>>, %arg3: memref<128x128xf32, #tpu.memory_space<vmem>>, %arg4: memref<2048x128xf32, #tpu.memory_space<vmem>>) attributes {dimension_semantics = [#tpu.dimension_semantics<arbitrary>], iteration_bounds = array<i64: 5>, scalar_prefetch = 0 : i64, scratch_operands = 0 : i64, tpu.core_type = #tpu.core_type<tc>, window_params = [{transform_indices = @transform_0, window_bounds = array<i64: 2048, 2>}, {transform_indices = @transform_1, window_bounds = array<i64: 2048, 128>}, {pipeline_mode = #tpu.pipeline_mode<synchronous>, transform_indices = @transform_2, window_bounds = array<i64: 128, 128>}, {transform_indices = @transform_3, window_bounds = array<i64: 2048, 128>}]} {
    %get3A = arith.constant 0 : index
    %get3A_0 = arith.constant 0 : index
    %get3A_1 = vector.load %arg1[%get3A, %get3A_0] : memref<2048x2xf32, #tpu.memory_space<vmem>>, vector<2048x1xf32>
    %get3A_2 = arith.constant 0 : index
    %get3A_3 = arith.constant 1 : index
    %get3A_4 = vector.load %arg1[%get3A_2, %get3A_3] : memref<2048x2xf32, #tpu.memory_space<vmem>>, vector<2048x1xf32>
    %add3A = arith.addf %get3A_1, %get3A_4 : vector<2048x1xf32>
    %add3A_5 = arith.constant 1.000000e+00 : f32
    %add3A_6 = vector.broadcast %add3A_5 : f32 to vector<2048x1xf32>
    %add3A_7 = arith.addf %add3A, %add3A_6 : vector<2048x1xf32>
    %rsqrt3A = math.rsqrt %add3A_7 : vector<2048x1xf32>
    %get3A_8 = arith.constant 0 : index
    %get3A_9 = arith.constant 0 : index
    %get3A_10 = vector.load %arg2[%get3A_8, %get3A_9] : memref<2048x128xf32, #tpu.memory_space<vmem>>, vector<2048x128xf32>
    %get3A_11 = arith.constant 0 : index
    %get3A_12 = arith.constant 0 : index
    %get3A_13 = vector.load %arg3[%get3A_11, %get3A_12] : memref<128x128xf32, #tpu.memory_space<vmem>>, vector<128x128xf32>
    %dot_general3A = arith.constant dense<0.000000e+00> : vector<2048x128xf32>
    %dot_general3A_14 = tpu.matmul %get3A_10, %get3A_13, %dot_general3A {dimension_numbers = #tpu.dot_dimension_numbers<[1], [0], [0], [1], [0, 0, 1, 1], [], []>, transpose_lhs_hint = false} : vector<2048x128xf32>, vector<128x128xf32>, vector<2048x128xf32> -> vector<2048x128xf32>
    %mul3A = vector.broadcast %rsqrt3A : vector<2048x1xf32> to vector<2048x128xf32>
    %mul3A_15 = arith.mulf %mul3A, %dot_general3A_14 : vector<2048x128xf32>
    %swap3A = arith.constant 0 : index
    %swap3A_16 = arith.constant 0 : index
    %swap3A_17 = vector.load %arg4[%swap3A, %swap3A_16] : memref<2048x128xf32, #tpu.memory_space<vmem>>, vector<2048x128xf32>
    tpu.vector_store %arg4[%swap3A, %swap3A_16], %mul3A_15 {strides = array<i32>} : memref<2048x128xf32, #tpu.memory_space<vmem>>, vector<2048x128xf32>,
    return
  }
  func.func @transform_0(%arg0: i32) -> (i32, i32) {
    %c0_i32 = arith.constant 0 : i32
    %c0_i32_0 = arith.constant 0 : i32
    return %arg0, %c0_i32 : i32, i32
  }
  func.func @transform_1(%arg0: i32) -> (i32, i32) {
    %c0_i32 = arith.constant 0 : i32
    %c0_i32_0 = arith.constant 0 : i32
    return %arg0, %c0_i32 : i32, i32
  }
  func.func @transform_2(%arg0: i32) -> (i32, i32) {
    %c0_i32 = arith.constant 0 : i32
    %c0_i32_0 = arith.constant 0 : i32
    %c0_i32_1 = arith.constant 0 : i32
    return %c0_i32, %c0_i32_0 : i32, i32
  }
  func.func @transform_3(%arg0: i32) -> (i32, i32) {
    %c0_i32 = arith.constant 0 : i32
    %c0_i32_0 = arith.constant 0 : i32
    return %arg0, %c0_i32 : i32, i32
  }
}

module attributes {stable_mosaic.version = 14 : i64} {
  func.func @_k2_body(%arg0: i32, %arg1: memref<2048x2xf32, #tpu.memory_space<vmem>>, %arg2: memref<2x2048x128xf32, #tpu.memory_space<vmem>>, %arg3: memref<2048x128xf32, #tpu.memory_space<vmem>>, %arg4: memref<1x128xf32, #tpu.memory_space<vmem>>, %arg5: memref<128x128xf32, #tpu.memory_space<vmem>>, %arg6: memref<2048x128xf32, #tpu.memory_space<vmem>>) attributes {dimension_semantics = [#tpu.dimension_semantics<arbitrary>], iteration_bounds = array<i64: 5>, scalar_prefetch = 0 : i64, scratch_operands = 0 : i64, tpu.core_type = #tpu.core_type<tc>, window_params = [{transform_indices = @transform_0, window_bounds = array<i64: 2048, 2>}, {transform_indices = @transform_1, window_bounds = array<i64: 2, 2048, 128>}, {transform_indices = @transform_2, window_bounds = array<i64: 2048, 128>}, {pipeline_mode = #tpu.pipeline_mode<synchronous>, transform_indices = @transform_3, window_bounds = array<i64: 1, 128>}, {pipeline_mode = #tpu.pipeline_mode<synchronous>, transform_indices = @transform_4, window_bounds = array<i64: 128, 128>}, {transform_indices = @transform_5, window_bounds = array<i64: 2048, 128>}]} {
    %get3A = arith.constant 0 : index
    %get3A_0 = arith.constant 0 : index
    %get3A_1 = vector.load %arg1[%get3A, %get3A_0] : memref<2048x2xf32, #tpu.memory_space<vmem>>, vector<2048x1xf32>
    %get3A_2 = arith.constant 0 : index
    %get3A_3 = arith.constant 1 : index
    %get3A_4 = vector.load %arg1[%get3A_2, %get3A_3] : memref<2048x2xf32, #tpu.memory_space<vmem>>, vector<2048x1xf32>
    %add3A = arith.addf %get3A_1, %get3A_4 : vector<2048x1xf32>
    %add3A_5 = arith.constant 1.000000e+00 : f32
    %add3A_6 = vector.broadcast %add3A_5 : f32 to vector<2048x1xf32>
    %add3A_7 = arith.addf %add3A, %add3A_6 : vector<2048x1xf32>
    %rsqrt3A = math.rsqrt %add3A_7 : vector<2048x1xf32>
    %get3A_8 = arith.constant 0 : index
    %get3A_9 = arith.constant 0 : index
    %get3A_10 = arith.constant 0 : index
    %get3A_11 = vector.load %arg2[%get3A_8, %get3A_9, %get3A_10] : memref<2x2048x128xf32, #tpu.memory_space<vmem>>, vector<1x2048x128xf32>
    %get3A_12 = vector.shape_cast %get3A_11 : vector<1x2048x128xf32> to vector<2048x128xf32>
    %get3A_13 = arith.constant 1 : index
    %get3A_14 = arith.constant 0 : index
    %get3A_15 = arith.constant 0 : index
    %get3A_16 = vector.load %arg2[%get3A_13, %get3A_14, %get3A_15] : memref<2x2048x128xf32, #tpu.memory_space<vmem>>, vector<1x2048x128xf32>
    %get3A_17 = vector.shape_cast %get3A_16 : vector<1x2048x128xf32> to vector<2048x128xf32>
    %add3A_18 = arith.addf %get3A_12, %get3A_17 : vector<2048x128xf32>
    %get3A_19 = arith.constant 0 : index
    %get3A_20 = arith.constant 0 : index
    %get3A_21 = vector.load %arg3[%get3A_19, %get3A_20] : memref<2048x128xf32, #tpu.memory_space<vmem>>, vector<2048x128xf32>
    %add3A_22 = arith.addf %add3A_18, %get3A_21 : vector<2048x128xf32>
    %mul3A = vector.broadcast %rsqrt3A : vector<2048x1xf32> to vector<2048x128xf32>
    %mul3A_23 = arith.mulf %mul3A, %add3A_22 : vector<2048x128xf32>
    %get3A_24 = arith.constant 0 : index
    %get3A_25 = arith.constant 0 : index
    %get3A_26 = vector.load %arg4[%get3A_24, %get3A_25] : memref<1x128xf32, #tpu.memory_space<vmem>>, vector<1x128xf32>
    %add3A_27 = vector.broadcast %get3A_26 : vector<1x128xf32> to vector<2048x128xf32>
    %add3A_28 = arith.addf %mul3A_23, %add3A_27 : vector<2048x128xf32>
    %max3A = arith.constant 0.000000e+00 : f32
    %max3A_29 = vector.broadcast %max3A : f32 to vector<2048x128xf32>
    %max3A_30 = arith.maximumf %add3A_28, %max3A_29 : vector<2048x128xf32>
    %get3A_31 = arith.constant 0 : index
    %get3A_32 = arith.constant 0 : index
    %get3A_33 = vector.load %arg5[%get3A_31, %get3A_32] : memref<128x128xf32, #tpu.memory_space<vmem>>, vector<128x128xf32>
    %dot_general3A = arith.constant dense<0.000000e+00> : vector<2048x128xf32>
    %dot_general3A_34 = tpu.matmul %max3A_30, %get3A_33, %dot_general3A {dimension_numbers = #tpu.dot_dimension_numbers<[1], [0], [0], [1], [0, 0, 1, 1], [], []>, transpose_lhs_hint = false} : vector<2048x128xf32>, vector<128x128xf32>, vector<2048x128xf32> -> vector<2048x128xf32>
    %mul3A_35 = vector.broadcast %rsqrt3A : vector<2048x1xf32> to vector<2048x128xf32>
    %mul3A_36 = arith.mulf %mul3A_35, %dot_general3A_34 : vector<2048x128xf32>
    %swap3A = arith.constant 0 : index
    %swap3A_37 = arith.constant 0 : index
    %swap3A_38 = vector.load %arg6[%swap3A, %swap3A_37] : memref<2048x128xf32, #tpu.memory_space<vmem>>, vector<2048x128xf32>
    tpu.vector_store %arg6[%swap3A, %swap3A_37], %mul3A_36 {strides = array<i32>} : memref<2048x128xf32, #tpu.memory_space<vmem>>, vector<2048x128xf32>,
    return
  }
  func.func @transform_0(%arg0: i32) -> (i32, i32) {
    %c0_i32 = arith.constant 0 : i32
    %c0_i32_0 = arith.constant 0 : i32
    return %arg0, %c0_i32 : i32, i32
  }
  func.func @transform_1(%arg0: i32) -> (i32, i32, i32) {
    %c0_i32 = arith.constant 0 : i32
    %c0_i32_0 = arith.constant 0 : i32
    %c0_i32_1 = arith.constant 0 : i32
    return %c0_i32, %arg0, %c0_i32_0 : i32, i32, i32
  }
  func.func @transform_2(%arg0: i32) -> (i32, i32) {
    %c0_i32 = arith.constant 0 : i32
    %c0_i32_0 = arith.constant 0 : i32
    return %arg0, %c0_i32 : i32, i32
  }
  func.func @transform_3(%arg0: i32) -> (i32, i32) {
    %c0_i32 = arith.constant 0 : i32
    %c0_i32_0 = arith.constant 0 : i32
    %c0_i32_1 = arith.constant 0 : i32
    return %c0_i32, %c0_i32_0 : i32, i32
  }
  func.func @transform_4(%arg0: i32) -> (i32, i32) {
    %c0_i32 = arith.constant 0 : i32
    %c0_i32_0 = arith.constant 0 : i32
    %c0_i32_1 = arith.constant 0 : i32
    return %c0_i32, %c0_i32_0 : i32, i32
  }
  func.func @transform_5(%arg0: i32) -> (i32, i32) {
    %c0_i32 = arith.constant 0 : i32
    %c0_i32_0 = arith.constant 0 : i32
    return %arg0, %c0_i32 : i32, i32
  }
}

module attributes {stable_mosaic.version = 14 : i64} {
  func.func @_k3_body(%arg0: i32, %arg1: memref<2048x2xf32, #tpu.memory_space<vmem>>, %arg2: memref<2x2048x128xf32, #tpu.memory_space<vmem>>, %arg3: memref<2048x128xf32, #tpu.memory_space<vmem>>, %arg4: memref<1x128xf32, #tpu.memory_space<vmem>>, %arg5: memref<2048x128xf32, #tpu.memory_space<vmem>>) attributes {dimension_semantics = [#tpu.dimension_semantics<arbitrary>], iteration_bounds = array<i64: 5>, scalar_prefetch = 0 : i64, scratch_operands = 0 : i64, tpu.core_type = #tpu.core_type<tc>, window_params = [{transform_indices = @transform_0, window_bounds = array<i64: 2048, 2>}, {transform_indices = @transform_1, window_bounds = array<i64: 2, 2048, 128>}, {transform_indices = @transform_2, window_bounds = array<i64: 2048, 128>}, {pipeline_mode = #tpu.pipeline_mode<synchronous>, transform_indices = @transform_3, window_bounds = array<i64: 1, 128>}, {transform_indices = @transform_4, window_bounds = array<i64: 2048, 128>}]} {
    %get3A = arith.constant 0 : index
    %get3A_0 = arith.constant 0 : index
    %get3A_1 = vector.load %arg1[%get3A, %get3A_0] : memref<2048x2xf32, #tpu.memory_space<vmem>>, vector<2048x1xf32>
    %get3A_2 = arith.constant 0 : index
    %get3A_3 = arith.constant 1 : index
    %get3A_4 = vector.load %arg1[%get3A_2, %get3A_3] : memref<2048x2xf32, #tpu.memory_space<vmem>>, vector<2048x1xf32>
    %add3A = arith.addf %get3A_1, %get3A_4 : vector<2048x1xf32>
    %add3A_5 = arith.constant 1.000000e+00 : f32
    %add3A_6 = vector.broadcast %add3A_5 : f32 to vector<2048x1xf32>
    %add3A_7 = arith.addf %add3A, %add3A_6 : vector<2048x1xf32>
    %rsqrt3A = math.rsqrt %add3A_7 : vector<2048x1xf32>
    %get3A_8 = arith.constant 0 : index
    %get3A_9 = arith.constant 0 : index
    %get3A_10 = arith.constant 0 : index
    %get3A_11 = vector.load %arg2[%get3A_8, %get3A_9, %get3A_10] : memref<2x2048x128xf32, #tpu.memory_space<vmem>>, vector<1x2048x128xf32>
    %get3A_12 = vector.shape_cast %get3A_11 : vector<1x2048x128xf32> to vector<2048x128xf32>
    %get3A_13 = arith.constant 1 : index
    %get3A_14 = arith.constant 0 : index
    %get3A_15 = arith.constant 0 : index
    %get3A_16 = vector.load %arg2[%get3A_13, %get3A_14, %get3A_15] : memref<2x2048x128xf32, #tpu.memory_space<vmem>>, vector<1x2048x128xf32>
    %get3A_17 = vector.shape_cast %get3A_16 : vector<1x2048x128xf32> to vector<2048x128xf32>
    %add3A_18 = arith.addf %get3A_12, %get3A_17 : vector<2048x128xf32>
    %get3A_19 = arith.constant 0 : index
    %get3A_20 = arith.constant 0 : index
    %get3A_21 = vector.load %arg3[%get3A_19, %get3A_20] : memref<2048x128xf32, #tpu.memory_space<vmem>>, vector<2048x128xf32>
    %add3A_22 = arith.addf %add3A_18, %get3A_21 : vector<2048x128xf32>
    %mul3A = vector.broadcast %rsqrt3A : vector<2048x1xf32> to vector<2048x128xf32>
    %mul3A_23 = arith.mulf %mul3A, %add3A_22 : vector<2048x128xf32>
    %get3A_24 = arith.constant 0 : index
    %get3A_25 = arith.constant 0 : index
    %get3A_26 = vector.load %arg4[%get3A_24, %get3A_25] : memref<1x128xf32, #tpu.memory_space<vmem>>, vector<1x128xf32>
    %add3A_27 = vector.broadcast %get3A_26 : vector<1x128xf32> to vector<2048x128xf32>
    %add3A_28 = arith.addf %mul3A_23, %add3A_27 : vector<2048x128xf32>
    %max3A = arith.constant 0.000000e+00 : f32
    %max3A_29 = vector.broadcast %max3A : f32 to vector<2048x128xf32>
    %max3A_30 = arith.maximumf %add3A_28, %max3A_29 : vector<2048x128xf32>
    %swap3A = arith.constant 0 : index
    %swap3A_31 = arith.constant 0 : index
    %swap3A_32 = vector.load %arg5[%swap3A, %swap3A_31] : memref<2048x128xf32, #tpu.memory_space<vmem>>, vector<2048x128xf32>
    tpu.vector_store %arg5[%swap3A, %swap3A_31], %max3A_30 {strides = array<i32>} : memref<2048x128xf32, #tpu.memory_space<vmem>>, vector<2048x128xf32>,
    return
  }
  func.func @transform_0(%arg0: i32) -> (i32, i32) {
    %c0_i32 = arith.constant 0 : i32
    %c0_i32_0 = arith.constant 0 : i32
    return %arg0, %c0_i32 : i32, i32
  }
  func.func @transform_1(%arg0: i32) -> (i32, i32, i32) {
    %c0_i32 = arith.constant 0 : i32
    %c0_i32_0 = arith.constant 0 : i32
    %c0_i32_1 = arith.constant 0 : i32
    return %c0_i32, %arg0, %c0_i32_0 : i32, i32, i32
  }
  func.func @transform_2(%arg0: i32) -> (i32, i32) {
    %c0_i32 = arith.constant 0 : i32
    %c0_i32_0 = arith.constant 0 : i32
    return %arg0, %c0_i32 : i32, i32
  }
  func.func @transform_3(%arg0: i32) -> (i32, i32) {
    %c0_i32 = arith.constant 0 : i32
    %c0_i32_0 = arith.constant 0 : i32
    %c0_i32_1 = arith.constant 0 : i32
    return %c0_i32, %c0_i32_0 : i32, i32
  }
  func.func @transform_4(%arg0: i32) -> (i32, i32) {
    %c0_i32 = arith.constant 0 : i32
    %c0_i32_0 = arith.constant 0 : i32
    return %arg0, %c0_i32 : i32, i32
  }
}

</mosaic_0001>

<sc_bundles>
// kernel: kernel.11.cloned.1.call-start
scs
__scs_entry_jumppad:
0x0: {  	(pc) =	sbr.rel $0x88, $3  }
0x1: {  	(tag) =	ssettag $0x0;
	lr =	simm.s32 $0x1  }
0x2: {  	[smem:$0x3F9B] =	sst lr;
	_ =	strace $0xD0000000  }
0x3: {  	_ = 	snop  }
0x4: {  	_ = 	snop  }
0x5: {  	_ = 	snop  }
0x6: {  	_ = 	snop  }
0x7: {  	_ = 	snop  }
__scs_overlays_trampoline_lowered:
0x8: {  	[smem:$0x3FAA] =	sst s0  }
0x9: {  	[smem:$0x3FAB] =	sst s1  }
0xa: {  	[smem:$0x3FAC] =	sst s2  }
0xb: {  	[smem:$0x3FAD] =	sst s3  }
0xc: {  	[smem:$0x3FAE] =	sst s4  }
0xd: {  	[smem:$0x3FAF] =	sst s5  }
0xe: {  	[smem:$0x3FB0] =	sst s6  }
0xf: {  	[smem:$0x3FB1] =	sst s7  }
0x10: {  	[smem:$0x3FB2] =	sst s8  }
0x11: {  	[smem:$0x3FB3] =	sst s9;
	s0 =	simm.s32 @!p0 $0x0  }
0x12: {  	s1 =	sld [smem:$0x3F99];
	s0 =	simm.s32 @p0 $0x1  }
0x13: {  	[smem:$0x3FB4] =	sst s0;
	s0 =	simm.s32 @!p1 $0x0  }
0x14: {  	s2 =	sld [smem:$0x3F98];
	s0 =	simm.s32 @p1 $0x1  }
0x15: {  	[smem:$0x3FB5] =	sst s0;
	s0 =	simm.s32 @!p2 $0x0  }
0x16: {  	s3 =	sld [smem:$0x3FDB];
	s0 =	simm.s32 @p2 $0x1  }
0x17: {  	s4 =	simm.s32 $0x1BF5;
	[smem:$0x3FB7] =	sst s0  }
0x18: {  	s0 =	sld [smem:$0x3F9A];
	_ =	swait.ge [sflag:s4], $0x0  }
0x19: {  	s7 =	sld [smem:$0x3F9B]  }
0x1a: {  	s8 =	sadd.s32 $0xFFFFE003, lr  }
0x1b: {  	s9 =	sadd.s32 $0xFFFFFEF7, lr;
	s5 =	simm.s32 $0xFFFFFFFF;
	p2 =	slt.u32 s8, $0xFFFFF086  }
0x1c: {  	p1 =	slt.u32 s9, $0xF7A;
	s5 =	simm.s32 @!p2 $0x0  }
0x1d: {  	s5 =	simm.s32 @p1 $0x1;
	p0 =	seq.s32 s7, s2  }
0x1e: {  	s7 =	smul.u32 @!p0 $0xF7A, s2;
	p2 =	seq.s32 @!p0 s5, $0x0  }
0x1f: {  	s9 =	smul.u32 $0xF7A, s1;
	s8 =	simm.s32 @!p0 $0x1BF5;
	p2 =	por !p2, p0  }
0x20: {  	[sflag:s8] =	ssyncset.s32 @!p0 $0xFFFFF086;
	s6 =	sadd.s32 @!p0 s3, s7;
	s7 =	simm.s32 @!p0 $0x108  }
0x21: {  	s3 =	sadd.s32 s3, s9;
	s6 =	sadd.s32 @!p0 $0x88, s6;
	s7 =	simm.s32 @p2 $0x1082  }
0x22: {  	[simem:s7], [sflag:s8] =	dma.local @!p0 [hbm:s6], $0xF7A  }
0x23: {  	s9 =	sor.u32 $0xD0000000, s2;
	s6 =	simm.s32 $0x108;
	_ =	swait.ge @!p0 [sflag:s8], $0x0  }
0x24: {  	s3 =	sadd.s32 $0x88, s3;
	s6 =	simm.s32 @!p1 $0x1082;
	[sflag:s4] =	ssyncset.s32 $0xFFFFF086  }
0x25: {  	[simem:s6], [sflag:s4] =	dma.local [hbm:s3], $0xF7A  }
0x26: {  	[smem:$0x3F9B] =	sst s1;
	(tag) =	ssettag s2;
	_ =	strace s9  }
0x27: {  	s1 =	sld [smem:$0x3FAB]  }
0x28: {  	s2 =	sld [smem:$0x3FAC]  }
0x29: {  	s4 =	sld [smem:$0x3FAE]  }
0x2a: {  	p0 =	seq.s32 s5, $0x0;
	s5 =	sld [smem:$0x3FAF]  }
0x2b: {  	s6 =	sld [smem:$0x3FB0]  }
0x2c: {  	s7 =	sld [smem:$0x3FB1]  }
0x2d: {  	s3 =	simm.s32 $0x108;
	s8 =	sld [smem:$0x3FB2]  }
0x2e: {  	s3 =	simm.s32 @!p0 $0x1082;
	s9 =	sld [smem:$0x3FB3]  }
0x2f: {  	lr =	sadd.s32 s0, s3;
	s0 =	sld [smem:$0x3FAA]  }
0x30: {  	s3 =	sld [smem:$0x3FAD]  }
0x31: {  	[smem:$0x3FB6] =	sst s10  }
0x32: {  	s10 =	sld [smem:$0x3FB4];
	_ =	sdelay $0x3  }
0x33: {  	p0 =	seq.s32 s10, $0x1;
	s10 =	sld [smem:$0x3FB6];
	_ =	sdelay $0x3  }
0x34: {  	[smem:$0x3FB6] =	sst s10  }
0x35: {  	s10 =	sld [smem:$0x3FB5];
	_ =	sdelay $0x3  }
0x36: {  	p1 =	seq.s32 s10, $0x1;
	s10 =	sld [smem:$0x3FB6];
	_ =	sdelay $0x3  }
0x37: {  	[smem:$0x3FB6] =	sst s10  }
0x38: {  	s10 =	sld [smem:$0x3FB7]  }
0x39: {  	_ = 	snop;
	(pc) =	sbr.ind lr, $3  }
0x3a: {  	_ = 	snop  }
0x3b: {  	_ = 	snop  }
0x3c: {  	p2 =	seq.s32 s10, $0x1;
	s10 =	sld [smem:$0x3FB6]  }
0x3d: {  	_ =	shalt  }
0x3e: {  	_ =	shalt  }
0x3f: {  	_ =	shalt  }
0x40: {  	_ =	shalt  }
0x41: {  	_ =	shalt  }
0x42: {  	_ =	shalt  }
0x43: {  	_ =	shalt  }
0x44: {  	_ =	shalt  }
0x45: {  	_ =	shalt  }
0x46: {  	_ =	shalt  }
0x47: {  	_ =	shalt  }
0x48: {  	_ =	shalt  }
0x49: {  	_ =	shalt  }
0x4a: {  	_ =	shalt  }
0x4b: {  	_ =	shalt  }
0x4c: {  	_ =	shalt  }
0x4d: {  	_ =	shalt  }
0x4e: {  	_ =	shalt  }
0x4f: {  	_ =	shalt  }
0x50: {  	_ =	shalt  }
0x51: {  	_ =	shalt  }
0x52: {  	_ =	shalt  }
0x53: {  	_ =	shalt  }
0x54: {  	_ =	shalt  }
0x55: {  	_ =	shalt  }
0x56: {  	_ =	shalt  }
0x57: {  	_ =	shalt  }
0x58: {  	_ =	shalt  }
0x59: {  	_ =	shalt  }
0x5a: {  	_ =	shalt  }
0x5b: {  	_ =	shalt  }
0x5c: {  	_ =	shalt  }
0x5d: {  	_ =	shalt  }
0x5e: {  	_ =	shalt  }
0x5f: {  	_ =	shalt  }
0x60: {  	_ =	shalt  }
0x61: {  	_ =	shalt  }
0x62: {  	_ =	shalt  }
0x63: {  	_ =	shalt  }
0x64: {  	_ =	shalt  }
0x65: {  	_ =	shalt  }
0x66: {  	_ =	shalt  }
0x67: {  	_ =	shalt  }
0x68: {  	_ =	shalt  }
0x69: {  	_ =	shalt  }
0x6a: {  	_ =	shalt  }
0x6b: {  	_ =	shalt  }
0x6c: {  	_ =	shalt  }
0x6d: {  	_ =	shalt  }
0x6e: {  	_ =	shalt  }
0x6f: {  	_ =	shalt  }
0x70: {  	_ =	shalt  }
0x71: {  	_ =	shalt  }
0x72: {  	_ =	shalt  }
0x73: {  	_ =	shalt  }
0x74: {  	_ =	shalt  }
0x75: {  	_ =	shalt  }
0x76: {  	_ =	shalt  }
0x77: {  	_ =	shalt  }
0x78: {  	_ =	shalt  }
0x79: {  	_ =	shalt  }
0x7a: {  	_ =	shalt  }
0x7b: {  	_ =	shalt  }
0x7c: {  	_ =	shalt  }
0x7d: {  	_ =	shalt  }
0x7e: {  	_ =	shalt  }
0x7f: {  	_ =	shalt  }
0x80: {  	_ =	shalt  }
0x81: {  	_ =	shalt  }
0x82: {  	_ =	shalt  }
0x83: {  	_ =	shalt  }
0x84: {  	_ =	shalt  }
0x85: {  	_ =	shalt  }
0x86: {  	_ =	shalt  }
0x87: {  	_ =	shalt  }
.Lfunc_end0:
.L_simem_size_0:
called_computation.1_lowered:
.L_overlay_start_0:
0x88: {  	s2 =	sld [smem:$0x3FD9]  }
0x89: {  	s3 =	sld [smem:$0x3FFE];
	_ =	sdelay $0x1  }
0x8a: {  	s1 =	srdreg.scid  }
0x8b: {  	s0 =	sand.u32 $0x1, s1  }
0x8c: {  	s17 =	sshll.u32 s0, $0xA;
	s2 =	sadd.s32 s3, s2  }
0x8d: {  	s2 =	sadd.s32 s2, s17  }
0x8e: {  	[smem:$0x3FC2] =	sst s2  }
0x8f: {  	_ = 	snop  }
0x90: {  	s2 =	sld [smem:$0x3FD0];
	(tm) =	ssettm $0x1  }
0x91: {  	s18 =	sld [smem:$0x3FFB];
	_ =	sdelay $0x3  }
0x92: {  	_ =	strace s18  }
0x93: {  	s3 =	sld [smem:$0x3FFC];
	_ =	sdelay $0x3  }
0x94: {  	_ =	strace s3  }
0x95: {  	s3 =	sld [smem:$0x3FFD];
	_ =	sdelay $0x3  }
0x96: {  	_ =	strace s3  }
0x97: {  	_ =	strace $0x8FFFFFFF  }
0x98: {  	s19 =	sld [smem:$0x3FDB];
	_ =	sdelay $0x1  }
0x99: {  	s4 =	simm.s32 $_scs_section_size  }
0x9a: {  	s5 =	simm.s32 $_size__tile_overlayer_lowered;
	s6 =	simm.s32 $_tile_overlayer_lowered  }
0x9b: {  	s22 =	simm.s32 $0x1BFF;
	s21 =	sshll.u32 s6, $0x1;
	s3 =	sadd.s32 s4, s19  }
0x9c: {  	s7 =	simm.s32 $0x0;
	s20 =	sshll.u32 s5, $0x1;
	s5 =	sadd.s32 s21, s3  }
0x9d: {  	[timem:s7], [sflag:s22] =	dma.local [hbm:s5], s20  }
0x9e: {  	_ =	swait.ge [sflag:s22], s20  }
0x9f: {  	s4 =	ssub.s32 $0x0, s20;
	[sflag:s22] =	ssyncset.done $0x0  }
0xa0: {  	[sflag:s22] =	ssyncadd.s32 s4;
	_ =	sdelay $0x1  }
0xa1: {  	s23 =	simm.s32 $0x1B8B  }
0xa2: {  	_ =	swait.ge [sflag:s23], $0x1  }
0xa3: {  	[sflag:s23] =	ssyncset.done $0x0  }
0xa4: {  	s25 =	simm.s32 $0x1B8E;
	s24 =	sld [smem:$0x3FFE];
	[sflag:s23] =	ssyncadd.s32 $0xFFFFFFFF  }
0xa5: {  	s26 =	simm.s32 $execute0_lowered;
	[smem:$0x3FD2] =	sst s25  }
0xa6: {  	s5 =	sshll.u32 s26, $0x1;
	_ =	strace $0x80000049;
	[dreg:$0x1] =	wrdreg $0xFFFFFFFF  }
0xa7: {  	s28 =	simm.s32 $_size_execute0_lowered;
	s3 =	sadd.s32 s3, s5;
	[dreg:$0x0] =	wrdreg $0x0  }
0xa8: {  	s5 =	sshll.u32 s28, $0x1;
	[dreg:$0x2] =	wrdreg s3  }
0xa9: {  	[dreg:$0x3] =	wrdreg s5  }
0xaa: {  	[dreg:$0x4] =	wrdreg $0xC0  }
0xab: {  	_ =	task [dreg:s7], $0x5FFFF  }
0xac: {  	[dreg:$0x1] =	wrdreg $0xFFFFFFFF  }
0xad: {  	[dreg:$0x0] =	wrdreg $0x60  }
0xae: {  	[dreg:$0x2] =	wrdreg s24  }
0xaf: {  	[dreg:$0x3] =	wrdreg s2  }
0xb0: {  	[dreg:$0x4] =	wrdreg $0xA8000  }
0xb1: {  	[dreg:$0x5] =	wrdreg $0x9  }
0xb2: {  	_ =	task.clear_ibuf [dreg:s7], $0x6FFFF;
	_ =	strace $0x90000049  }
0xb3: {  	s29 =	simm.s32 $0x9;
	_ =	strace $0x8000004B  }
0xb4: {  	_ =	swait.ge [sflag:s29], $0x1  }
0xb5: {  	[sflag:s29] =	ssyncadd.s32 $0xFFFFFFFF  }
0xb6: {  	_ =	strace $0x9000004B  }
0xb7: {  	_ =	sfence  }
0xb8: {  	s30 =	sld [smem:$0x0];
	_ =	sdelay $0x2  }
0xb9: {  	s31 =	sshll.u32 s1, $0xD;
	s1 =	sshrl.u32 s1, $0x2  }
0xba: {  	s3 =	sand.u32 $0x4000, s31;
	s1 =	sadd.s32 s1, s30  }
0xbb: {  	s0 =	sor.u32 s3, s0;
	s1 =	sshll.u32 s1, $0x11  }
0xbc: {  	s0 =	sor.u32 s1, s0  }
0xbd: {  	s0 =	sadd.s32 $0x8F2B, s0  }
0xbe: {  	[sflag:s0] =	ssyncadd.remote.s32 $0x1  }
0xbf: {  	_ =	sfence.sel $0xFFFF  }
0xc0: {  	[dreg:$0x0] =	wrdreg $0xFFFFFFFF;
	(pc) =	sbr.abs _section_cstart, $3  }
0xc1: {  	[dreg:$0x1] =	wrdreg $0xFFFFFFFF  }
0xc2: {  	_ =	task.clear_ibuf [dreg:s7], $0x2FFFF;
	_ =	strace $0x9FFFFFFF  }
0xc3: {  	(tm) =	ssettm $0x7FFFFFFF  }
tec
execute0_lowered:
.L_overlay_start_1:
0x0: {  	(tag) =	ssettag $0x1  }
0x1: {  	s5 =	rddreg [dreg:$0x0]  }
0x2: {  	s9 =	rddreg [dreg:$0x1]  }
0x3: {  	s1 =	rddreg [dreg:$0x2]  }
0x4: {  	s0 =	rddreg [dreg:$0x3];
	s3 =	simm.s32 $0x0;
	s2 =	srdreg.scid  }
0x5: {  	s16 =	simm.s32 $0x2800;
	s17 =	simm.s32 $0x4;
	s18 =	simm.s32 $0x3  }
0x6: {  	s19 =	simm.s32 $0x2;
	s20 =	simm.s32 $0x2780;
	s21 =	simm.s32 $0x6800  }
0x7: {  	s22 =	simm.s32 $0x80;
	[smem:$0x7FF] =	sst s3;
	s6 =	sand.u32 $0x1, s2  }
0x8: {  	s2 =	stileid.u32;
	s4 =	sadd.s32 $0xCC00, s5;
	s7 =	smul.u32 $0x140000, s6  }
0x9: {  	s10 =	sadd.s32 $0x2C00, s5;
	s8 =	smul.u32 $0x14000, s2;
	s11 =	sshll.u32 s6, $0x4  }
0xa: {  	s28 =	smul.u32 $0x50000, s2;
	s6 =	ssub.s32 $0x2, s6;
	s26 =	sor.u32 s2, s11  }
0xb: {  	s29 =	sshrl.u32 s6, $0x1;
	s7 =	sadd.s32 s8, s7;
	s8 =	smul.u32 $0x2800, s26  }
0xc: {  	_ =	strace $0x8000004A;
	s30 =	sshrl.u32 s28, $0x2;
	s31 =	ssub.s32 s6, s29  }
0xd: {  	s7 =	sshrl.u32 s7, $0x3;
	s11 =	smax.u32 s31, $0x1;
	s8 =	sshrl.u32 s8, $0x3  }
0xe: {  	s12 =	sadd.s32 s7, s5;
	s5 =	sadd.s32 s30, s1;
	s6 =	sadd.s32 s10, s8  }
0xf: {  	s7 =	sadd.s32 s9, s8;
	s13 =	sadd.s32 $0x280, s8;
	s14 =	sadd.s32 $0xC000, s5  }
0x10: {  	s15 =	sadd.s32 $0x10000, s5;
	s8 =	sadd.s32 s10, s13;
	s9 =	sadd.s32 s9, s13  }
0x11: {  	v0 =	vimm.f32 $0.0e+00;
	s10 =	sadd.s32 $0x34C00, s12;
	s12 =	sadd.s32 $0x4000, s5;
	s13 =	sadd.s32 $0x8000, s5  }
.LBB2_1:
0x12: {  	s23 =	simm.s32 $0x0;
	s24 =	simm.s32 $0x200  }
.LBB2_2:
0x13: {  	p0 =	sne.s32 s24, $0xFE00;
	[tilespmem:s23+$0x2870] =	vst v0  }
0x14: {  	[tilespmem:s23+$0x2800] =	vst v0  }
0x15: {  	[tilespmem:s23+$0x2810] =	vst v0  }
.Ltmp0:
0x16: {  	[tilespmem:s23+$0x2820] =	vst v0;
	(pc) =	sbr.rel @p0 .LBB2_2-.Ltmp0, $4  }
0x17: {  	[tilespmem:s23+$0x2830] =	vst v0  }
0x18: {  	[tilespmem:s23+$0x2840] =	vst v0  }
0x19: {  	[tilespmem:s23+$0x2850] =	vst v0  }
0x1a: {  	[tilespmem:s23+$0x2860] =	vst v0;
	s23 =	sshra.s32 s24, $0x2;
	s24 =	sadd.s32 $0x200, s24  }
0x1b: {  	[tilespmem:s23+$0x2870] =	vst v0  }
0x1c: {  	[tilespmem:s23+$0x2800] =	vst v0  }
0x1d: {  	[tilespmem:s23+$0x2810] =	vst v0  }
0x1e: {  	[tilespmem:s23+$0x2820] =	vst v0  }
0x1f: {  	[tilespmem:s23+$0x2830] =	vst v0  }
0x20: {  	[tilespmem:s23+$0x2840] =	vst v0  }
0x21: {  	[tilespmem:s23+$0x2850] =	vst v0  }
0x22: {  	[tilespmem:s23+$0x2860] =	vst v0  }
0x23: {  	[spmem:s5] =	stream.linear.scatter [tilespmem:s16], [sflag:$0x4], $0x4000, $0x38;
	[tilespmem:$0x1E800] =	vst v63  }
0x24: {  	_ =	swait.ge [sflag:s17], $0x4000  }
0x25: {  	[sflag:s17] =	ssyncset.done $0x0  }
0x26: {  	[sflag:s17] =	ssyncadd.s32 $0xFFFFC000  }
0x27: {  	[spmem:s12] =	stream.linear.scatter [tilespmem:s16], [sflag:$0x4], $0x4000, $0x38;
	[tilespmem:$0x1E800] =	vst v63  }
0x28: {  	_ =	swait.ge [sflag:s17], $0x4000  }
0x29: {  	[sflag:s17] =	ssyncset.done $0x0  }
0x2a: {  	[sflag:s17] =	ssyncadd.s32 $0xFFFFC000  }
0x2b: {  	[spmem:s13] =	stream.linear.scatter [tilespmem:s16], [sflag:$0x4], $0x4000, $0x38;
	[tilespmem:$0x1E800] =	vst v63  }
0x2c: {  	_ =	swait.ge [sflag:s17], $0x4000  }
0x2d: {  	[sflag:s17] =	ssyncset.done $0x0  }
0x2e: {  	[sflag:s17] =	ssyncadd.s32 $0xFFFFC000  }
0x2f: {  	[spmem:s14] =	stream.linear.scatter [tilespmem:s16], [sflag:$0x4], $0x4000, $0x38;
	[tilespmem:$0x1E800] =	vst v63  }
0x30: {  	_ =	swait.ge [sflag:s17], $0x4000  }
0x31: {  	[sflag:s17] =	ssyncset.done $0x0  }
0x32: {  	[sflag:s17] =	ssyncadd.s32 $0xFFFFC000  }
0x33: {  	[spmem:s15] =	stream.linear.scatter [tilespmem:s16], [sflag:$0x4], $0x4000, $0x38;
	[tilespmem:$0x1E800] =	vst v63  }
0x34: {  	_ =	swait.ge [sflag:s17], $0x4000  }
0x35: {  	[sflag:s17] =	ssyncset.done $0x0  }
0x36: {  	[sflag:s17] =	ssyncadd.s32 $0xFFFFC000  }
0x37: {  	s31 =	simm.s32 $0x0;
	[bflag:$0x0] =	sbarrier.arrive $0xFFFF  }
0x38: {  	[tilespmem:s31], [sflag:$0x3] =	stream.linear.gather [hbm4b:s6+s31], $0x1400, $0x38;
	[tilespmem:$0x1E800] =	vst v63  }
0x39: {  	s24 =	simm.s32 $0x1400  }
0x3a: {  	[tilespmem:s24], [sflag:$0x3] =	stream.linear.gather [hbm4b:s7+s31], $0x1400, $0x38;
	[tilespmem:$0x1E800] =	vst v63  }
0x3b: {  	_ =	swait.ge [sflag:s18], $0x1400  }
0x3c: {  	[sflag:s18] =	ssyncset.done $0x0  }
0x3d: {  	[sflag:s18] =	ssyncadd.s32 $0xFFFFEC00  }
0x3e: {  	_ =	swait.ge [sflag:s18], $0x1400  }
0x3f: {  	s23 =	sand.u32 $0x1, s31;
	[sflag:s18] =	ssyncset.done $0x0  }
0x40: {  	s25 =	simm.s32 $0x80;
	p0 =	seq.s32 s23, $0x1;
	[sflag:s18] =	ssyncadd.s32 $0xFFFFEC00  }
0x41: {  	[tilespmem:s16], [sflag:$0x1] =	stream.indirect.gather [hbm4b:s4+s25], $0x80, s31, s25, $0xb8;
	[tilespmem:$0x1E800] =	vst v63  }
0x42: {  	s23 =	simm.s32 @p0 $0x80;
	s26 =	simm.s32 @p0 $0x2800;
	s28 =	simm.s32 @p0 $0x2  }
0x43: {  	[tilespmem:s26], [sflag:$0x1] =	stream.indirect.gather @p0 [hbm4b:s4+s23], $0x80, s25, s23, $0xb8;
	[tilespmem:$0x1E800] =	vst v63  }
0x44: {  	_ =	swait.ge @p0 [sflag:s28], $0x4000  }
0x45: {  	[sflag:s28] =	ssyncset.done @p0 $0x0  }
0x46: {  	s26 =	simm.s32 @p0 $0x6800;
	[sflag:s28] =	ssyncadd.s32 @p0 $0xFFFFC000  }
0x47: {  	[spmem:s1] =	stream.indirect.scatter.add.f32 @p0 [tilespmem:s26], [sflag:$0x4], $0x80, s24, s23, $0xb8;
	[tilespmem:$0x1E800] =	vst v63  }
0x48: {  	s28 =	simm.s32 @!p0 $0x1;
	s23 =	simm.s32 @!p0 $0x80;
	s26 =	simm.s32 @!p0 $0x6800  }
0x49: {  	[tilespmem:s26], [sflag:$0x2] =	stream.indirect.gather @!p0 [hbm4b:s4+s23], $0x80, s25, s23, $0xb8;
	[tilespmem:$0x1E800] =	vst v63  }
0x4a: {  	_ =	swait.ge @!p0 [sflag:s28], $0x4000  }
0x4b: {  	s29 =	simm.s32 $0x1;
	s26 =	simm.s32 @!p0 $0x5;
	[sflag:s28] =	ssyncset.done @!p0 $0x0  }
0x4c: {  	s25 =	simm.s32 @!p0 $0x2800;
	s26 =	simm.s32 @p0 $0x4;
	[sflag:s28] =	ssyncadd.s32 @!p0 $0xFFFFC000  }
0x4d: {  	[spmem:s1] =	stream.indirect.scatter.add.f32 @!p0 [tilespmem:s25], [sflag:$0x5], $0x80, s24, s23, $0xb8;
	[tilespmem:$0x1E800] =	vst v63  }
0x4e: {  	s28 =	sand.u32 $0x1, s29;
	s25 =	simm.s32 $0x2;
	_ =	swait.ge [sflag:s26], $0x4000  }
0x4f: {  	s24 =	simm.s32 $0x100;
	s23 =	simm.s32 $0x1480;
	[sflag:s26] =	ssyncset.done $0x0  }
.LBB2_4:
0x50: {  	p0 =	seq.s32 s28, $0x1  }
0x51: {  	[sflag:s26] =	ssyncadd.s32 $0xFFFFC000;
	s28 =	smov.u32 s25;
	s25 =	sadd.s32 $0x1, s25  }
0x52: {  	s29 =	simm.s32 @p0 $0x80;
	s26 =	simm.s32 @p0 $0x2800;
	s30 =	simm.s32 @p0 $0x2  }
0x53: {  	[tilespmem:s26], [sflag:$0x1] =	stream.indirect.gather @p0 [hbm4b:s4+s29], $0x80, s24, s29, $0xb8;
	[tilespmem:$0x1E800] =	vst v63  }
0x54: {  	p1 =	sne.s32 s25, $0x27;
	s26 =	simm.s32 @!p0 $0x5;
	_ =	swait.ge @p0 [sflag:s30], $0x4000  }
0x55: {  	[sflag:s30] =	ssyncset.done @p0 $0x0  }
0x56: {  	[sflag:s30] =	ssyncadd.s32 @p0 $0xFFFFC000;
	s30 =	simm.s32 @p0 $0x6800  }
0x57: {  	[spmem:s1] =	stream.indirect.scatter.add.f32 @p0 [tilespmem:s30], [sflag:$0x4], $0x80, s23, s29, $0xb8;
	[tilespmem:$0x1E800] =	vst v63  }
0x58: {  	s31 =	simm.s32 @!p0 $0x1;
	s29 =	simm.s32 @!p0 $0x80;
	s30 =	simm.s32 @!p0 $0x6800  }
0x59: {  	[tilespmem:s30], [sflag:$0x2] =	stream.indirect.gather @!p0 [hbm4b:s4+s29], $0x80, s24, s29, $0xb8;
	[tilespmem:$0x1E800] =	vst v63  }
0x5a: {  	_ =	swait.ge @!p0 [sflag:s31], $0x4000  }
.Ltmp1:
0x5b: {  	[sflag:s31] =	ssyncset.done @!p0 $0x0;
	(pc) =	sbr.rel @p1 .LBB2_4-.Ltmp1, $4  }
0x5c: {  	s26 =	simm.s32 @p0 $0x4;
	s30 =	simm.s32 @!p0 $0x2800;
	[sflag:s31] =	ssyncadd.s32 @!p0 $0xFFFFC000  }
0x5d: {  	[spmem:s1] =	stream.indirect.scatter.add.f32 @!p0 [tilespmem:s30], [sflag:$0x5], $0x80, s23, s29, $0xb8;
	[tilespmem:$0x1E800] =	vst v63  }
0x5e: {  	s24 =	sadd.s32 $0x80, s24;
	_ =	swait.ge [sflag:s26], $0x4000  }
0x5f: {  	s28 =	sand.u32 $0x1, s28;
	s23 =	sadd.s32 $0x80, s23;
	[sflag:s26] =	ssyncset.done $0x0  }
0x60: {  	p0 =	seq.s32 s28, $0x1;
	[sflag:s26] =	ssyncadd.s32 $0xFFFFC000  }
0x61: {  	s25 =	simm.s32 @p0 $0x80;
	s26 =	simm.s32 @p0 $0x2800;
	s28 =	simm.s32 @p0 $0x2  }
0x62: {  	[tilespmem:s26], [sflag:$0x1] =	stream.indirect.gather @p0 [hbm4b:s4+s25], $0x80, s24, s25, $0xb8;
	[tilespmem:$0x1E800] =	vst v63  }
0x63: {  	_ =	swait.ge @p0 [sflag:s28], $0x4000  }
0x64: {  	[sflag:s28] =	ssyncset.done @p0 $0x0  }
0x65: {  	s26 =	simm.s32 @p0 $0x6800;
	[sflag:s28] =	ssyncadd.s32 @p0 $0xFFFFC000  }
0x66: {  	[spmem:s1] =	stream.indirect.scatter.add.f32 @p0 [tilespmem:s26], [sflag:$0x4], $0x80, s23, s25, $0xb8;
	[tilespmem:$0x1E800] =	vst v63  }
0x67: {  	s28 =	simm.s32 @!p0 $0x1;
	s25 =	simm.s32 @!p0 $0x80;
	s26 =	simm.s32 @!p0 $0x6800  }
0x68: {  	[tilespmem:s26], [sflag:$0x2] =	stream.indirect.gather @!p0 [hbm4b:s4+s25], $0x80, s24, s25, $0xb8;
	[tilespmem:$0x1E800] =	vst v63  }
0x69: {  	_ =	swait.ge @!p0 [sflag:s28], $0x4000  }
0x6a: {  	s24 =	simm.s32 @!p0 $0x5;
	[sflag:s28] =	ssyncset.done @!p0 $0x0  }
0x6b: {  	s26 =	simm.s32 @!p0 $0x2800;
	s24 =	simm.s32 @p0 $0x4;
	[sflag:s28] =	ssyncadd.s32 @!p0 $0xFFFFC000  }
0x6c: {  	[spmem:s1] =	stream.indirect.scatter.add.f32 @!p0 [tilespmem:s26], [sflag:$0x5], $0x80, s23, s25, $0xb8;
	[tilespmem:$0x1E800] =	vst v63  }
0x6d: {  	_ =	swait.ge [sflag:s24], $0x4000  }
0x6e: {  	[sflag:s24] =	ssyncset.done $0x0  }
0x6f: {  	[sflag:s24] =	ssyncadd.s32 $0xFFFFC000  }
0x70: {  	_ =	swait.ge [sflag:s19], $0x4000  }
0x71: {  	[sflag:s19] =	ssyncset.done $0x0  }
0x72: {  	s23 =	simm.s32 $0x80;
	[sflag:s19] =	ssyncadd.s32 $0xFFFFC000  }
0x73: {  	[spmem:s1] =	stream.indirect.scatter.add.f32 [tilespmem:s21], [sflag:$0x4], $0x80, s20, s23, $0xb8;
	[tilespmem:$0x1E800] =	vst v63  }
0x74: {  	_ =	swait.ge [sflag:s17], $0x4000  }
0x75: {  	[sflag:s17] =	ssyncset.done $0x0  }
0x76: {  	s30 =	simm.s32 $0x0;
	[sflag:s17] =	ssyncadd.s32 $0xFFFFC000  }
0x77: {  	[tilespmem:s30], [sflag:$0x3] =	stream.linear.gather [hbm4b:s8+s30], $0x1400, $0x38;
	[tilespmem:$0x1E800] =	vst v63  }
0x78: {  	s25 =	simm.s32 $0x1400  }
0x79: {  	[tilespmem:s25], [sflag:$0x3] =	stream.linear.gather [hbm4b:s9+s30], $0x1400, $0x38;
	[tilespmem:$0x1E800] =	vst v63  }
0x7a: {  	_ =	swait.ge [sflag:s18], $0x1400  }
0x7b: {  	[sflag:s18] =	ssyncset.done $0x0  }
0x7c: {  	[sflag:s18] =	ssyncadd.s32 $0xFFFFEC00  }
0x7d: {  	_ =	swait.ge [sflag:s18], $0x1400  }
0x7e: {  	s24 =	sand.u32 $0x1, s30;
	[sflag:s18] =	ssyncset.done $0x0  }
0x7f: {  	p0 =	seq.s32 s24, $0x1;
	[sflag:s18] =	ssyncadd.s32 $0xFFFFEC00  }
0x80: {  	[tilespmem:s16], [sflag:$0x1] =	stream.indirect.gather [hbm4b:s4+s23], $0x80, s30, s23, $0xb8;
	[tilespmem:$0x1E800] =	vst v63  }
0x81: {  	s24 =	simm.s32 @p0 $0x80;
	s26 =	simm.s32 @p0 $0x2800;
	s28 =	simm.s32 @p0 $0x2  }
0x82: {  	[tilespmem:s26], [sflag:$0x1] =	stream.indirect.gather @p0 [hbm4b:s4+s24], $0x80, s23, s24, $0xb8;
	[tilespmem:$0x1E800] =	vst v63  }
0x83: {  	_ =	swait.ge @p0 [sflag:s28], $0x4000  }
0x84: {  	[sflag:s28] =	ssyncset.done @p0 $0x0  }
0x85: {  	s26 =	simm.s32 @p0 $0x6800;
	[sflag:s28] =	ssyncadd.s32 @p0 $0xFFFFC000  }
0x86: {  	[spmem:s1] =	stream.indirect.scatter.add.f32 @p0 [tilespmem:s26], [sflag:$0x4], $0x80, s25, s24, $0xb8;
	[tilespmem:$0x1E800] =	vst v63  }
0x87: {  	s28 =	simm.s32 @!p0 $0x1;
	s24 =	simm.s32 @!p0 $0x80;
	s26 =	simm.s32 @!p0 $0x6800  }
0x88: {  	[tilespmem:s26], [sflag:$0x2] =	stream.indirect.gather @!p0 [hbm4b:s4+s24], $0x80, s23, s24, $0xb8;
	[tilespmem:$0x1E800] =	vst v63  }
0x89: {  	_ =	swait.ge @!p0 [sflag:s28], $0x4000  }
0x8a: {  	s31 =	simm.s32 $0x1;
	s26 =	simm.s32 @!p0 $0x5;
	[sflag:s28] =	ssyncset.done @!p0 $0x0  }
0x8b: {  	s26 =	simm.s32 @p0 $0x4;
	[sflag:s28] =	ssyncadd.s32 @!p0 $0xFFFFC000;
	s28 =	simm.s32 @!p0 $0x2800  }
0x8c: {  	[spmem:s1] =	stream.indirect.scatter.add.f32 @!p0 [tilespmem:s28], [sflag:$0x5], $0x80, s25, s24, $0xb8;
	[tilespmem:$0x1E800] =	vst v63  }
0x8d: {  	s23 =	simm.s32 $0x1480;
	s25 =	simm.s32 $0x2;
	_ =	swait.ge [sflag:s26], $0x4000  }
0x8e: {  	s24 =	simm.s32 $0x100;
	s28 =	sand.u32 $0x1, s31;
	[sflag:s26] =	ssyncset.done $0x0  }
.LBB2_6:
0x8f: {  	p0 =	seq.s32 s28, $0x1  }
0x90: {  	[sflag:s26] =	ssyncadd.s32 $0xFFFFC000;
	s28 =	smov.u32 s25;
	s25 =	sadd.s32 $0x1, s25  }
0x91: {  	s29 =	simm.s32 @p0 $0x80;
	s26 =	simm.s32 @p0 $0x2800;
	s30 =	simm.s32 @p0 $0x2  }
0x92: {  	[tilespmem:s26], [sflag:$0x1] =	stream.indirect.gather @p0 [hbm4b:s4+s29], $0x80, s24, s29, $0xb8;
	[tilespmem:$0x1E800] =	vst v63  }
0x93: {  	p1 =	sne.s32 s25, $0x27;
	s26 =	simm.s32 @!p0 $0x5;
	_ =	swait.ge @p0 [sflag:s30], $0x4000  }
0x94: {  	[sflag:s30] =	ssyncset.done @p0 $0x0  }
0x95: {  	[sflag:s30] =	ssyncadd.s32 @p0 $0xFFFFC000;
	s30 =	simm.s32 @p0 $0x6800  }
0x96: {  	[spmem:s1] =	stream.indirect.scatter.add.f32 @p0 [tilespmem:s30], [sflag:$0x4], $0x80, s23, s29, $0xb8;
	[tilespmem:$0x1E800] =	vst v63  }
0x97: {  	s31 =	simm.s32 @!p0 $0x1;
	s29 =	simm.s32 @!p0 $0x80;
	s30 =	simm.s32 @!p0 $0x6800  }
0x98: {  	[tilespmem:s30], [sflag:$0x2] =	stream.indirect.gather @!p0 [hbm4b:s4+s29], $0x80, s24, s29, $0xb8;
	[tilespmem:$0x1E800] =	vst v63  }
0x99: {  	_ =	swait.ge @!p0 [sflag:s31], $0x4000  }
.Ltmp2:
0x9a: {  	[sflag:s31] =	ssyncset.done @!p0 $0x0;
	(pc) =	sbr.rel @p1 .LBB2_6-.Ltmp2, $4  }
0x9b: {  	s26 =	simm.s32 @p0 $0x4;
	s30 =	simm.s32 @!p0 $0x2800;
	[sflag:s31] =	ssyncadd.s32 @!p0 $0xFFFFC000  }
0x9c: {  	[spmem:s1] =	stream.indirect.scatter.add.f32 @!p0 [tilespmem:s30], [sflag:$0x5], $0x80, s23, s29, $0xb8;
	[tilespmem:$0x1E800] =	vst v63  }
0x9d: {  	s24 =	sadd.s32 $0x80, s24;
	_ =	swait.ge [sflag:s26], $0x4000  }
0x9e: {  	s28 =	sand.u32 $0x1, s28;
	s23 =	sadd.s32 $0x80, s23;
	[sflag:s26] =	ssyncset.done $0x0  }
0x9f: {  	p0 =	seq.s32 s28, $0x1;
	[sflag:s26] =	ssyncadd.s32 $0xFFFFC000  }
0xa0: {  	s25 =	simm.s32 @p0 $0x80;
	s26 =	simm.s32 @p0 $0x2800;
	s28 =	simm.s32 @p0 $0x2  }
0xa1: {  	[tilespmem:s26], [sflag:$0x1] =	stream.indirect.gather @p0 [hbm4b:s4+s25], $0x80, s24, s25, $0xb8;
	[tilespmem:$0x1E800] =	vst v63  }
0xa2: {  	_ =	swait.ge @p0 [sflag:s28], $0x4000  }
0xa3: {  	[sflag:s28] =	ssyncset.done @p0 $0x0  }
0xa4: {  	s26 =	simm.s32 @p0 $0x6800;
	[sflag:s28] =	ssyncadd.s32 @p0 $0xFFFFC000  }
0xa5: {  	[spmem:s1] =	stream.indirect.scatter.add.f32 @p0 [tilespmem:s26], [sflag:$0x4], $0x80, s23, s25, $0xb8;
	[tilespmem:$0x1E800] =	vst v63  }
0xa6: {  	s28 =	simm.s32 @!p0 $0x1;
	s25 =	simm.s32 @!p0 $0x80;
	s26 =	simm.s32 @!p0 $0x6800  }
0xa7: {  	[tilespmem:s26], [sflag:$0x2] =	stream.indirect.gather @!p0 [hbm4b:s4+s25], $0x80, s24, s25, $0xb8;
	[tilespmem:$0x1E800] =	vst v63  }
0xa8: {  	_ =	swait.ge @!p0 [sflag:s28], $0x4000  }
0xa9: {  	s24 =	simm.s32 @!p0 $0x5;
	[sflag:s28] =	ssyncset.done @!p0 $0x0  }
0xaa: {  	s26 =	simm.s32 @!p0 $0x2800;
	s24 =	simm.s32 @p0 $0x4;
	[sflag:s28] =	ssyncadd.s32 @!p0 $0xFFFFC000  }
0xab: {  	[spmem:s1] =	stream.indirect.scatter.add.f32 @!p0 [tilespmem:s26], [sflag:$0x5], $0x80, s23, s25, $0xb8;
	[tilespmem:$0x1E800] =	vst v63  }
0xac: {  	_ =	swait.ge [sflag:s24], $0x4000  }
0xad: {  	[sflag:s24] =	ssyncset.done $0x0  }
0xae: {  	[sflag:s24] =	ssyncadd.s32 $0xFFFFC000  }
0xaf: {  	_ =	swait.ge [sflag:s19], $0x4000  }
0xb0: {  	[sflag:s19] =	ssyncset.done $0x0  }
0xb1: {  	[sflag:s19] =	ssyncadd.s32 $0xFFFFC000  }
0xb2: {  	[spmem:s1] =	stream.indirect.scatter.add.f32 [tilespmem:s21], [sflag:$0x4], $0x80, s20, s22, $0xb8;
	[tilespmem:$0x1E800] =	vst v63  }
0xb3: {  	_ =	swait.ge [sflag:s17], $0x4000  }
0xb4: {  	s30 =	sshll.u32 s2, $0x6;
	s3 =	sadd.s32 $0x1, s3;
	[sflag:s17] =	ssyncset.done $0x0  }
0xb5: {  	s31 =	sshrl.u32 s5, $0x3;
	p0 =	sne.s32 s3, s11;
	[sflag:s17] =	ssyncadd.s32 $0xFFFFC000  }
.Ltmp3:
0xb6: {  	s23 =	sor.u32 $0x1C04, s30;
	[bflag:$0x0] =	sbarrier.arrive $0xFFFF;
	(pc) =	sbr.rel @p0 .LBB2_1-.Ltmp3, $4  }
0xb7: {  	[hbm:s10], [sflag:s23] =	dma.local [spmem:s31], $0x2800  }
0xb8: {  	_ =	swait.ge [sflag:s17], $0x2800  }
0xb9: {  	[sflag:s17] =	ssyncset.done $0x0  }
0xba: {  	[sflag:s17] =	ssyncadd.s32 $0xFFFFD800  }
0xbb: {  	_ =	sfence.sel $0x180000  }
0xbc: {  	[bflag:$0x0] =	sbarrier.arrive $0xFFFF  }
0xbd: {  	p0 =	sne.s32 s2, $0x0;
	_ =	strace $0x9000004A  }
0xbe: {  	s0 =	sadd.s32 @!p0 $0x100000, s0;
	[bflag:$0x2] =	sbarrier.arrive $0xFFFF  }
0xbf: {  	[sflag:s0] =	ssyncadd.tile.s32 @!p0 $0x1;
	_ =	shalt  }
.Lfunc_end2:
_tile_overlayer_lowered:
.L_overlay_start_2:
0xc0: {  	(tag) =	ssettag $0x2  }
0xc1: {  	s0 =	rddreg [dreg:$0x0];
	s2 =	stileid.u32  }
0xc2: {  	s1 =	rddreg [dreg:$0x1];
	p0 =	sne.s32 s2, $0x0  }
0xc3: {  	s3 =	rddreg [dreg:$0x2];
	[bflag:$0x3] =	sbarrier.arrive $0xFFFF;
	s2 =	simm.s32 @!p0 $0x1C04  }
0xc4: {  	[timem:s3], [sflag:s2] =	dma.local @!p0 [hbm:s0], s1  }
0xc5: {  	s0 =	simm.s32 @!p0 $0x4  }
0xc6: {  	_ =	swait.ge @!p0 [sflag:s0], s1  }
0xc7: {  	s1 =	ssub.s32 @!p0 $0x0, s1;
	[sflag:s0] =	ssyncset.done @!p0 $0x0  }
0xc8: {  	[sflag:s0] =	ssyncadd.s32 @!p0 s1  }
0xc9: {  	[bflag:$0x3] =	sbarrier.arrive $0xFFFF  }
0xca: {  	_ =	shalt  }

// kernel: kernel.14.cloned.1.call-start
scs
__scs_entry_jumppad:
0x0: {  	(pc) =	sbr.rel $0x88, $3  }
0x1: {  	(tag) =	ssettag $0x0;
	lr =	simm.s32 $0x1  }
0x2: {  	[smem:$0x3F9B] =	sst lr;
	_ =	strace $0xD0000000  }
0x3: {  	_ = 	snop  }
0x4: {  	_ = 	snop  }
0x5: {  	_ = 	snop  }
0x6: {  	_ = 	snop  }
0x7: {  	_ = 	snop  }
__scs_overlays_trampoline_lowered:
0x8: {  	[smem:$0x3FAA] =	sst s0  }
0x9: {  	[smem:$0x3FAB] =	sst s1  }
0xa: {  	[smem:$0x3FAC] =	sst s2  }
0xb: {  	[smem:$0x3FAD] =	sst s3  }
0xc: {  	[smem:$0x3FAE] =	sst s4  }
0xd: {  	[smem:$0x3FAF] =	sst s5  }
0xe: {  	[smem:$0x3FB0] =	sst s6  }
0xf: {  	[smem:$0x3FB1] =	sst s7  }
0x10: {  	[smem:$0x3FB2] =	sst s8  }
0x11: {  	[smem:$0x3FB3] =	sst s9;
	s0 =	simm.s32 @!p0 $0x0  }
0x12: {  	s1 =	sld [smem:$0x3F99];
	s0 =	simm.s32 @p0 $0x1  }
0x13: {  	[smem:$0x3FB4] =	sst s0;
	s0 =	simm.s32 @!p1 $0x0  }
0x14: {  	s2 =	sld [smem:$0x3F98];
	s0 =	simm.s32 @p1 $0x1  }
0x15: {  	[smem:$0x3FB5] =	sst s0;
	s0 =	simm.s32 @!p2 $0x0  }
0x16: {  	s3 =	sld [smem:$0x3FDB];
	s0 =	simm.s32 @p2 $0x1  }
0x17: {  	s4 =	simm.s32 $0x1BF5;
	[smem:$0x3FB7] =	sst s0  }
0x18: {  	s0 =	sld [smem:$0x3F9A];
	_ =	swait.ge [sflag:s4], $0x0  }
0x19: {  	s7 =	sld [smem:$0x3F9B]  }
0x1a: {  	s8 =	sadd.s32 $0xFFFFE003, lr  }
0x1b: {  	s9 =	sadd.s32 $0xFFFFFEF7, lr;
	s5 =	simm.s32 $0xFFFFFFFF;
	p2 =	slt.u32 s8, $0xFFFFF086  }
0x1c: {  	p1 =	slt.u32 s9, $0xF7A;
	s5 =	simm.s32 @!p2 $0x0  }
0x1d: {  	s5 =	simm.s32 @p1 $0x1;
	p0 =	seq.s32 s7, s2  }
0x1e: {  	s7 =	smul.u32 @!p0 $0xF7A, s2;
	p2 =	seq.s32 @!p0 s5, $0x0  }
0x1f: {  	s9 =	smul.u32 $0xF7A, s1;
	s8 =	simm.s32 @!p0 $0x1BF5;
	p2 =	por !p2, p0  }
0x20: {  	[sflag:s8] =	ssyncset.s32 @!p0 $0xFFFFF086;
	s6 =	sadd.s32 @!p0 s3, s7;
	s7 =	simm.s32 @!p0 $0x108  }
0x21: {  	s3 =	sadd.s32 s3, s9;
	s6 =	sadd.s32 @!p0 $0x88, s6;
	s7 =	simm.s32 @p2 $0x1082  }
0x22: {  	[simem:s7], [sflag:s8] =	dma.local @!p0 [hbm:s6], $0xF7A  }
0x23: {  	s9 =	sor.u32 $0xD0000000, s2;
	s6 =	simm.s32 $0x108;
	_ =	swait.ge @!p0 [sflag:s8], $0x0  }
0x24: {  	s3 =	sadd.s32 $0x88, s3;
	s6 =	simm.s32 @!p1 $0x1082;
	[sflag:s4] =	ssyncset.s32 $0xFFFFF086  }
0x25: {  	[simem:s6], [sflag:s4] =	dma.local [hbm:s3], $0xF7A  }
0x26: {  	[smem:$0x3F9B] =	sst s1;
	(tag) =	ssettag s2;
	_ =	strace s9  }
0x27: {  	s1 =	sld [smem:$0x3FAB]  }
0x28: {  	s2 =	sld [smem:$0x3FAC]  }
0x29: {  	s4 =	sld [smem:$0x3FAE]  }
0x2a: {  	p0 =	seq.s32 s5, $0x0;
	s5 =	sld [smem:$0x3FAF]  }
0x2b: {  	s6 =	sld [smem:$0x3FB0]  }
0x2c: {  	s7 =	sld [smem:$0x3FB1]  }
0x2d: {  	s3 =	simm.s32 $0x108;
	s8 =	sld [smem:$0x3FB2]  }
0x2e: {  	s3 =	simm.s32 @!p0 $0x1082;
	s9 =	sld [smem:$0x3FB3]  }
0x2f: {  	lr =	sadd.s32 s0, s3;
	s0 =	sld [smem:$0x3FAA]  }
0x30: {  	s3 =	sld [smem:$0x3FAD]  }
0x31: {  	[smem:$0x3FB6] =	sst s10  }
0x32: {  	s10 =	sld [smem:$0x3FB4];
	_ =	sdelay $0x3  }
0x33: {  	p0 =	seq.s32 s10, $0x1;
	s10 =	sld [smem:$0x3FB6];
	_ =	sdelay $0x3  }
0x34: {  	[smem:$0x3FB6] =	sst s10  }
0x35: {  	s10 =	sld [smem:$0x3FB5];
	_ =	sdelay $0x3  }
0x36: {  	p1 =	seq.s32 s10, $0x1;
	s10 =	sld [smem:$0x3FB6];
	_ =	sdelay $0x3  }
0x37: {  	[smem:$0x3FB6] =	sst s10  }
0x38: {  	s10 =	sld [smem:$0x3FB7]  }
0x39: {  	_ = 	snop;
	(pc) =	sbr.ind lr, $3  }
0x3a: {  	_ = 	snop  }
0x3b: {  	_ = 	snop  }
0x3c: {  	p2 =	seq.s32 s10, $0x1;
	s10 =	sld [smem:$0x3FB6]  }
0x3d: {  	_ =	shalt  }
0x3e: {  	_ =	shalt  }
0x3f: {  	_ =	shalt  }
0x40: {  	_ =	shalt  }
0x41: {  	_ =	shalt  }
0x42: {  	_ =	shalt  }
0x43: {  	_ =	shalt  }
0x44: {  	_ =	shalt  }
0x45: {  	_ =	shalt  }
0x46: {  	_ =	shalt  }
0x47: {  	_ =	shalt  }
0x48: {  	_ =	shalt  }
0x49: {  	_ =	shalt  }
0x4a: {  	_ =	shalt  }
0x4b: {  	_ =	shalt  }
0x4c: {  	_ =	shalt  }
0x4d: {  	_ =	shalt  }
0x4e: {  	_ =	shalt  }
0x4f: {  	_ =	shalt  }
0x50: {  	_ =	shalt  }
0x51: {  	_ =	shalt  }
0x52: {  	_ =	shalt  }
0x53: {  	_ =	shalt  }
0x54: {  	_ =	shalt  }
0x55: {  	_ =	shalt  }
0x56: {  	_ =	shalt  }
0x57: {  	_ =	shalt  }
0x58: {  	_ =	shalt  }
0x59: {  	_ =	shalt  }
0x5a: {  	_ =	shalt  }
0x5b: {  	_ =	shalt  }
0x5c: {  	_ =	shalt  }
0x5d: {  	_ =	shalt  }
0x5e: {  	_ =	shalt  }
0x5f: {  	_ =	shalt  }
0x60: {  	_ =	shalt  }
0x61: {  	_ =	shalt  }
0x62: {  	_ =	shalt  }
0x63: {  	_ =	shalt  }
0x64: {  	_ =	shalt  }
0x65: {  	_ =	shalt  }
0x66: {  	_ =	shalt  }
0x67: {  	_ =	shalt  }
0x68: {  	_ =	shalt  }
0x69: {  	_ =	shalt  }
0x6a: {  	_ =	shalt  }
0x6b: {  	_ =	shalt  }
0x6c: {  	_ =	shalt  }
0x6d: {  	_ =	shalt  }
0x6e: {  	_ =	shalt  }
0x6f: {  	_ =	shalt  }
0x70: {  	_ =	shalt  }
0x71: {  	_ =	shalt  }
0x72: {  	_ =	shalt  }
0x73: {  	_ =	shalt  }
0x74: {  	_ =	shalt  }
0x75: {  	_ =	shalt  }
0x76: {  	_ =	shalt  }
0x77: {  	_ =	shalt  }
0x78: {  	_ =	shalt  }
0x79: {  	_ =	shalt  }
0x7a: {  	_ =	shalt  }
0x7b: {  	_ =	shalt  }
0x7c: {  	_ =	shalt  }
0x7d: {  	_ =	shalt  }
0x7e: {  	_ =	shalt  }
0x7f: {  	_ =	shalt  }
0x80: {  	_ =	shalt  }
0x81: {  	_ =	shalt  }
0x82: {  	_ =	shalt  }
0x83: {  	_ =	shalt  }
0x84: {  	_ =	shalt  }
0x85: {  	_ =	shalt  }
0x86: {  	_ =	shalt  }
0x87: {  	_ =	shalt  }
.Lfunc_end0:
.L_simem_size_0:
called_computation.2_lowered:
.L_overlay_start_0:
0x88: {  	s2 =	sld [smem:$0x3FD9]  }
0x89: {  	s3 =	sld [smem:$0x3FFE];
	_ =	sdelay $0x1  }
0x8a: {  	s1 =	srdreg.scid  }
0x8b: {  	s0 =	sand.u32 $0x1, s1  }
0x8c: {  	s17 =	sshll.u32 s0, $0xA;
	s2 =	sadd.s32 s3, s2  }
0x8d: {  	s2 =	sadd.s32 s2, s17  }
0x8e: {  	[smem:$0x3FC2] =	sst s2  }
0x8f: {  	_ = 	snop  }
0x90: {  	s2 =	sld [smem:$0x3FD0];
	(tm) =	ssettm $0x1  }
0x91: {  	s18 =	sld [smem:$0x3FFB];
	_ =	sdelay $0x3  }
0x92: {  	_ =	strace s18  }
0x93: {  	s3 =	sld [smem:$0x3FFC];
	_ =	sdelay $0x3  }
0x94: {  	_ =	strace s3  }
0x95: {  	s3 =	sld [smem:$0x3FFD];
	_ =	sdelay $0x3  }
0x96: {  	_ =	strace s3  }
0x97: {  	_ =	strace $0x8FFFFFFF  }
0x98: {  	s19 =	sld [smem:$0x3FDB];
	_ =	sdelay $0x1  }
0x99: {  	s4 =	simm.s32 $_scs_section_size  }
0x9a: {  	s5 =	simm.s32 $_size__tile_overlayer_lowered;
	s6 =	simm.s32 $_tile_overlayer_lowered  }
0x9b: {  	s22 =	simm.s32 $0x1BFF;
	s21 =	sshll.u32 s6, $0x1;
	s3 =	sadd.s32 s4, s19  }
0x9c: {  	s7 =	simm.s32 $0x0;
	s20 =	sshll.u32 s5, $0x1;
	s5 =	sadd.s32 s21, s3  }
0x9d: {  	[timem:s7], [sflag:s22] =	dma.local [hbm:s5], s20  }
0x9e: {  	_ =	swait.ge [sflag:s22], s20  }
0x9f: {  	s4 =	ssub.s32 $0x0, s20;
	[sflag:s22] =	ssyncset.done $0x0  }
0xa0: {  	[sflag:s22] =	ssyncadd.s32 s4;
	_ =	sdelay $0x1  }
0xa1: {  	s23 =	simm.s32 $0x1B8B  }
0xa2: {  	_ =	swait.ge [sflag:s23], $0x1  }
0xa3: {  	[sflag:s23] =	ssyncset.done $0x0  }
0xa4: {  	s25 =	simm.s32 $0x1B8E;
	s24 =	sld [smem:$0x3FFE];
	[sflag:s23] =	ssyncadd.s32 $0xFFFFFFFF  }
0xa5: {  	s26 =	simm.s32 $execute0_lowered;
	[smem:$0x3FD2] =	sst s25  }
0xa6: {  	s5 =	sshll.u32 s26, $0x1;
	_ =	strace $0x8000004C;
	[dreg:$0x1] =	wrdreg $0xFFFFFFFF  }
0xa7: {  	s28 =	simm.s32 $_size_execute0_lowered;
	s3 =	sadd.s32 s3, s5;
	[dreg:$0x0] =	wrdreg $0x0  }
0xa8: {  	s5 =	sshll.u32 s28, $0x1;
	[dreg:$0x2] =	wrdreg s3  }
0xa9: {  	[dreg:$0x3] =	wrdreg s5  }
0xaa: {  	[dreg:$0x4] =	wrdreg $0xC0  }
0xab: {  	_ =	task [dreg:s7], $0x5FFFF  }
0xac: {  	[dreg:$0x1] =	wrdreg $0xFFFFFFFF  }
0xad: {  	[dreg:$0x0] =	wrdreg $0x60  }
0xae: {  	[dreg:$0x2] =	wrdreg s24  }
0xaf: {  	[dreg:$0x3] =	wrdreg s2  }
0xb0: {  	[dreg:$0x4] =	wrdreg $0xA8000  }
0xb1: {  	[dreg:$0x5] =	wrdreg $0x9  }
0xb2: {  	_ =	task.clear_ibuf [dreg:s7], $0x6FFFF;
	_ =	strace $0x9000004C  }
0xb3: {  	s29 =	simm.s32 $0x9;
	_ =	strace $0x8000004E  }
0xb4: {  	_ =	swait.ge [sflag:s29], $0x1  }
0xb5: {  	[sflag:s29] =	ssyncadd.s32 $0xFFFFFFFF  }
0xb6: {  	_ =	strace $0x9000004E  }
0xb7: {  	_ =	sfence  }
0xb8: {  	s30 =	sld [smem:$0x0];
	_ =	sdelay $0x2  }
0xb9: {  	s31 =	sshll.u32 s1, $0xD;
	s1 =	sshrl.u32 s1, $0x2  }
0xba: {  	s3 =	sand.u32 $0x4000, s31;
	s1 =	sadd.s32 s1, s30  }
0xbb: {  	s0 =	sor.u32 s3, s0;
	s1 =	sshll.u32 s1, $0x11  }
0xbc: {  	s0 =	sor.u32 s1, s0  }
0xbd: {  	s0 =	sadd.s32 $0x8F2B, s0  }
0xbe: {  	[sflag:s0] =	ssyncadd.remote.s32 $0x1  }
0xbf: {  	_ =	sfence.sel $0xFFFF  }
0xc0: {  	[dreg:$0x0] =	wrdreg $0xFFFFFFFF;
	(pc) =	sbr.abs _section_cstart, $3  }
0xc1: {  	[dreg:$0x1] =	wrdreg $0xFFFFFFFF  }
0xc2: {  	_ =	task.clear_ibuf [dreg:s7], $0x2FFFF;
	_ =	strace $0x9FFFFFFF  }
0xc3: {  	(tm) =	ssettm $0x7FFFFFFF  }
tec
execute0_lowered:
.L_overlay_start_1:
0x0: {  	(tag) =	ssettag $0x1  }
0x1: {  	s5 =	rddreg [dreg:$0x0]  }
0x2: {  	s9 =	rddreg [dreg:$0x1]  }
0x3: {  	s1 =	rddreg [dreg:$0x2]  }
0x4: {  	s0 =	rddreg [dreg:$0x3];
	s3 =	simm.s32 $0x0;
	s2 =	srdreg.scid  }
0x5: {  	s16 =	simm.s32 $0x2800;
	s17 =	simm.s32 $0x4;
	s18 =	simm.s32 $0x3  }
0x6: {  	s19 =	simm.s32 $0x2;
	s20 =	simm.s32 $0x2780;
	s21 =	simm.s32 $0x6800  }
0x7: {  	s22 =	simm.s32 $0x80;
	[smem:$0x7FF] =	sst s3;
	s6 =	sand.u32 $0x1, s2  }
0x8: {  	s2 =	stileid.u32;
	s4 =	sadd.s32 $0xCC00, s5;
	s7 =	smul.u32 $0x140000, s6  }
0x9: {  	s10 =	sadd.s32 $0x2C00, s5;
	s8 =	smul.u32 $0x14000, s2;
	s11 =	sshll.u32 s6, $0x4  }
0xa: {  	s28 =	smul.u32 $0x50000, s2;
	s6 =	ssub.s32 $0x2, s6;
	s26 =	sor.u32 s2, s11  }
0xb: {  	s29 =	sshrl.u32 s6, $0x1;
	s7 =	sadd.s32 s8, s7;
	s8 =	smul.u32 $0x2800, s26  }
0xc: {  	_ =	strace $0x8000004D;
	s30 =	sshrl.u32 s28, $0x2;
	s31 =	ssub.s32 s6, s29  }
0xd: {  	s7 =	sshrl.u32 s7, $0x3;
	s11 =	smax.u32 s31, $0x1;
	s8 =	sshrl.u32 s8, $0x3  }
0xe: {  	s12 =	sadd.s32 s7, s5;
	s5 =	sadd.s32 s30, s1;
	s6 =	sadd.s32 s10, s8  }
0xf: {  	s7 =	sadd.s32 s9, s8;
	s13 =	sadd.s32 $0x280, s8;
	s14 =	sadd.s32 $0xC000, s5  }
0x10: {  	s15 =	sadd.s32 $0x10000, s5;
	s8 =	sadd.s32 s10, s13;
	s9 =	sadd.s32 s9, s13  }
0x11: {  	v0 =	vimm.f32 $0.0e+00;
	s10 =	sadd.s32 $0x34C00, s12;
	s12 =	sadd.s32 $0x4000, s5;
	s13 =	sadd.s32 $0x8000, s5  }
.LBB2_1:
0x12: {  	s23 =	simm.s32 $0x0;
	s24 =	simm.s32 $0x200  }
.LBB2_2:
0x13: {  	p0 =	sne.s32 s24, $0xFE00;
	[tilespmem:s23+$0x2870] =	vst v0  }
0x14: {  	[tilespmem:s23+$0x2800] =	vst v0  }
0x15: {  	[tilespmem:s23+$0x2810] =	vst v0  }
.Ltmp0:
0x16: {  	[tilespmem:s23+$0x2820] =	vst v0;
	(pc) =	sbr.rel @p0 .LBB2_2-.Ltmp0, $4  }
0x17: {  	[tilespmem:s23+$0x2830] =	vst v0  }
0x18: {  	[tilespmem:s23+$0x2840] =	vst v0  }
0x19: {  	[tilespmem:s23+$0x2850] =	vst v0  }
0x1a: {  	[tilespmem:s23+$0x2860] =	vst v0;
	s23 =	sshra.s32 s24, $0x2;
	s24 =	sadd.s32 $0x200, s24  }
0x1b: {  	[tilespmem:s23+$0x2870] =	vst v0  }
0x1c: {  	[tilespmem:s23+$0x2800] =	vst v0  }
0x1d: {  	[tilespmem:s23+$0x2810] =	vst v0  }
0x1e: {  	[tilespmem:s23+$0x2820] =	vst v0  }
0x1f: {  	[tilespmem:s23+$0x2830] =	vst v0  }
0x20: {  	[tilespmem:s23+$0x2840] =	vst v0  }
0x21: {  	[tilespmem:s23+$0x2850] =	vst v0  }
0x22: {  	[tilespmem:s23+$0x2860] =	vst v0  }
0x23: {  	[spmem:s5] =	stream.linear.scatter [tilespmem:s16], [sflag:$0x4], $0x4000, $0x38;
	[tilespmem:$0x1E800] =	vst v63  }
0x24: {  	_ =	swait.ge [sflag:s17], $0x4000  }
0x25: {  	[sflag:s17] =	ssyncset.done $0x0  }
0x26: {  	[sflag:s17] =	ssyncadd.s32 $0xFFFFC000  }
0x27: {  	[spmem:s12] =	stream.linear.scatter [tilespmem:s16], [sflag:$0x4], $0x4000, $0x38;
	[tilespmem:$0x1E800] =	vst v63  }
0x28: {  	_ =	swait.ge [sflag:s17], $0x4000  }
0x29: {  	[sflag:s17] =	ssyncset.done $0x0  }
0x2a: {  	[sflag:s17] =	ssyncadd.s32 $0xFFFFC000  }
0x2b: {  	[spmem:s13] =	stream.linear.scatter [tilespmem:s16], [sflag:$0x4], $0x4000, $0x38;
	[tilespmem:$0x1E800] =	vst v63  }
0x2c: {  	_ =	swait.ge [sflag:s17], $0x4000  }
0x2d: {  	[sflag:s17] =	ssyncset.done $0x0  }
0x2e: {  	[sflag:s17] =	ssyncadd.s32 $0xFFFFC000  }
0x2f: {  	[spmem:s14] =	stream.linear.scatter [tilespmem:s16], [sflag:$0x4], $0x4000, $0x38;
	[tilespmem:$0x1E800] =	vst v63  }
0x30: {  	_ =	swait.ge [sflag:s17], $0x4000  }
0x31: {  	[sflag:s17] =	ssyncset.done $0x0  }
0x32: {  	[sflag:s17] =	ssyncadd.s32 $0xFFFFC000  }
0x33: {  	[spmem:s15] =	stream.linear.scatter [tilespmem:s16], [sflag:$0x4], $0x4000, $0x38;
	[tilespmem:$0x1E800] =	vst v63  }
0x34: {  	_ =	swait.ge [sflag:s17], $0x4000  }
0x35: {  	[sflag:s17] =	ssyncset.done $0x0  }
0x36: {  	[sflag:s17] =	ssyncadd.s32 $0xFFFFC000  }
0x37: {  	s31 =	simm.s32 $0x0;
	[bflag:$0x0] =	sbarrier.arrive $0xFFFF  }
0x38: {  	[tilespmem:s31], [sflag:$0x3] =	stream.linear.gather [hbm4b:s6+s31], $0x1400, $0x38;
	[tilespmem:$0x1E800] =	vst v63  }
0x39: {  	s24 =	simm.s32 $0x1400  }
0x3a: {  	[tilespmem:s24], [sflag:$0x3] =	stream.linear.gather [hbm4b:s7+s31], $0x1400, $0x38;
	[tilespmem:$0x1E800] =	vst v63  }
0x3b: {  	_ =	swait.ge [sflag:s18], $0x1400  }
0x3c: {  	[sflag:s18] =	ssyncset.done $0x0  }
0x3d: {  	[sflag:s18] =	ssyncadd.s32 $0xFFFFEC00  }
0x3e: {  	_ =	swait.ge [sflag:s18], $0x1400  }
0x3f: {  	s23 =	sand.u32 $0x1, s31;
	[sflag:s18] =	ssyncset.done $0x0  }
0x40: {  	s25 =	simm.s32 $0x80;
	p0 =	seq.s32 s23, $0x1;
	[sflag:s18] =	ssyncadd.s32 $0xFFFFEC00  }
0x41: {  	[tilespmem:s16], [sflag:$0x1] =	stream.indirect.gather [hbm4b:s4+s25], $0x80, s31, s25, $0xb8;
	[tilespmem:$0x1E800] =	vst v63  }
0x42: {  	s23 =	simm.s32 @p0 $0x80;
	s26 =	simm.s32 @p0 $0x2800;
	s28 =	simm.s32 @p0 $0x2  }
0x43: {  	[tilespmem:s26], [sflag:$0x1] =	stream.indirect.gather @p0 [hbm4b:s4+s23], $0x80, s25, s23, $0xb8;
	[tilespmem:$0x1E800] =	vst v63  }
0x44: {  	_ =	swait.ge @p0 [sflag:s28], $0x4000  }
0x45: {  	[sflag:s28] =	ssyncset.done @p0 $0x0  }
0x46: {  	s26 =	simm.s32 @p0 $0x6800;
	[sflag:s28] =	ssyncadd.s32 @p0 $0xFFFFC000  }
0x47: {  	[spmem:s1] =	stream.indirect.scatter.add.f32 @p0 [tilespmem:s26], [sflag:$0x4], $0x80, s24, s23, $0xb8;
	[tilespmem:$0x1E800] =	vst v63  }
0x48: {  	s28 =	simm.s32 @!p0 $0x1;
	s23 =	simm.s32 @!p0 $0x80;
	s26 =	simm.s32 @!p0 $0x6800  }
0x49: {  	[tilespmem:s26], [sflag:$0x2] =	stream.indirect.gather @!p0 [hbm4b:s4+s23], $0x80, s25, s23, $0xb8;
	[tilespmem:$0x1E800] =	vst v63  }
0x4a: {  	_ =	swait.ge @!p0 [sflag:s28], $0x4000  }
0x4b: {  	s29 =	simm.s32 $0x1;
	s26 =	simm.s32 @!p0 $0x5;
	[sflag:s28] =	ssyncset.done @!p0 $0x0  }
0x4c: {  	s25 =	simm.s32 @!p0 $0x2800;
	s26 =	simm.s32 @p0 $0x4;
	[sflag:s28] =	ssyncadd.s32 @!p0 $0xFFFFC000  }
0x4d: {  	[spmem:s1] =	stream.indirect.scatter.add.f32 @!p0 [tilespmem:s25], [sflag:$0x5], $0x80, s24, s23, $0xb8;
	[tilespmem:$0x1E800] =	vst v63  }
0x4e: {  	s28 =	sand.u32 $0x1, s29;
	s25 =	simm.s32 $0x2;
	_ =	swait.ge [sflag:s26], $0x4000  }
0x4f: {  	s24 =	simm.s32 $0x100;
	s23 =	simm.s32 $0x1480;
	[sflag:s26] =	ssyncset.done $0x0  }
.LBB2_4:
0x50: {  	p0 =	seq.s32 s28, $0x1  }
0x51: {  	[sflag:s26] =	ssyncadd.s32 $0xFFFFC000;
	s28 =	smov.u32 s25;
	s25 =	sadd.s32 $0x1, s25  }
0x52: {  	s29 =	simm.s32 @p0 $0x80;
	s26 =	simm.s32 @p0 $0x2800;
	s30 =	simm.s32 @p0 $0x2  }
0x53: {  	[tilespmem:s26], [sflag:$0x1] =	stream.indirect.gather @p0 [hbm4b:s4+s29], $0x80, s24, s29, $0xb8;
	[tilespmem:$0x1E800] =	vst v63  }
0x54: {  	p1 =	sne.s32 s25, $0x27;
	s26 =	simm.s32 @!p0 $0x5;
	_ =	swait.ge @p0 [sflag:s30], $0x4000  }
0x55: {  	[sflag:s30] =	ssyncset.done @p0 $0x0  }
0x56: {  	[sflag:s30] =	ssyncadd.s32 @p0 $0xFFFFC000;
	s30 =	simm.s32 @p0 $0x6800  }
0x57: {  	[spmem:s1] =	stream.indirect.scatter.add.f32 @p0 [tilespmem:s30], [sflag:$0x4], $0x80, s23, s29, $0xb8;
	[tilespmem:$0x1E800] =	vst v63  }
0x58: {  	s31 =	simm.s32 @!p0 $0x1;
	s29 =	simm.s32 @!p0 $0x80;
	s30 =	simm.s32 @!p0 $0x6800  }
0x59: {  	[tilespmem:s30], [sflag:$0x2] =	stream.indirect.gather @!p0 [hbm4b:s4+s29], $0x80, s24, s29, $0xb8;
	[tilespmem:$0x1E800] =	vst v63  }
0x5a: {  	_ =	swait.ge @!p0 [sflag:s31], $0x4000  }
.Ltmp1:
0x5b: {  	[sflag:s31] =	ssyncset.done @!p0 $0x0;
	(pc) =	sbr.rel @p1 .LBB2_4-.Ltmp1, $4  }
0x5c: {  	s26 =	simm.s32 @p0 $0x4;
	s30 =	simm.s32 @!p0 $0x2800;
	[sflag:s31] =	ssyncadd.s32 @!p0 $0xFFFFC000  }
0x5d: {  	[spmem:s1] =	stream.indirect.scatter.add.f32 @!p0 [tilespmem:s30], [sflag:$0x5], $0x80, s23, s29, $0xb8;
	[tilespmem:$0x1E800] =	vst v63  }
0x5e: {  	s24 =	sadd.s32 $0x80, s24;
	_ =	swait.ge [sflag:s26], $0x4000  }
0x5f: {  	s28 =	sand.u32 $0x1, s28;
	s23 =	sadd.s32 $0x80, s23;
	[sflag:s26] =	ssyncset.done $0x0  }
0x60: {  	p0 =	seq.s32 s28, $0x1;
	[sflag:s26] =	ssyncadd.s32 $0xFFFFC000  }
0x61: {  	s25 =	simm.s32 @p0 $0x80;
	s26 =	simm.s32 @p0 $0x2800;
	s28 =	simm.s32 @p0 $0x2  }
0x62: {  	[tilespmem:s26], [sflag:$0x1] =	stream.indirect.gather @p0 [hbm4b:s4+s25], $0x80, s24, s25, $0xb8;
	[tilespmem:$0x1E800] =	vst v63  }
0x63: {  	_ =	swait.ge @p0 [sflag:s28], $0x4000  }
0x64: {  	[sflag:s28] =	ssyncset.done @p0 $0x0  }
0x65: {  	s26 =	simm.s32 @p0 $0x6800;
	[sflag:s28] =	ssyncadd.s32 @p0 $0xFFFFC000  }
0x66: {  	[spmem:s1] =	stream.indirect.scatter.add.f32 @p0 [tilespmem:s26], [sflag:$0x4], $0x80, s23, s25, $0xb8;
	[tilespmem:$0x1E800] =	vst v63  }
0x67: {  	s28 =	simm.s32 @!p0 $0x1;
	s25 =	simm.s32 @!p0 $0x80;
	s26 =	simm.s32 @!p0 $0x6800  }
0x68: {  	[tilespmem:s26], [sflag:$0x2] =	stream.indirect.gather @!p0 [hbm4b:s4+s25], $0x80, s24, s25, $0xb8;
	[tilespmem:$0x1E800] =	vst v63  }
0x69: {  	_ =	swait.ge @!p0 [sflag:s28], $0x4000  }
0x6a: {  	s24 =	simm.s32 @!p0 $0x5;
	[sflag:s28] =	ssyncset.done @!p0 $0x0  }
0x6b: {  	s26 =	simm.s32 @!p0 $0x2800;
	s24 =	simm.s32 @p0 $0x4;
	[sflag:s28] =	ssyncadd.s32 @!p0 $0xFFFFC000  }
0x6c: {  	[spmem:s1] =	stream.indirect.scatter.add.f32 @!p0 [tilespmem:s26], [sflag:$0x5], $0x80, s23, s25, $0xb8;
	[tilespmem:$0x1E800] =	vst v63  }
0x6d: {  	_ =	swait.ge [sflag:s24], $0x4000  }
0x6e: {  	[sflag:s24] =	ssyncset.done $0x0  }
0x6f: {  	[sflag:s24] =	ssyncadd.s32 $0xFFFFC000  }
0x70: {  	_ =	swait.ge [sflag:s19], $0x4000  }
0x71: {  	[sflag:s19] =	ssyncset.done $0x0  }
0x72: {  	s23 =	simm.s32 $0x80;
	[sflag:s19] =	ssyncadd.s32 $0xFFFFC000  }
0x73: {  	[spmem:s1] =	stream.indirect.scatter.add.f32 [tilespmem:s21], [sflag:$0x4], $0x80, s20, s23, $0xb8;
	[tilespmem:$0x1E800] =	vst v63  }
0x74: {  	_ =	swait.ge [sflag:s17], $0x4000  }
0x75: {  	[sflag:s17] =	ssyncset.done $0x0  }
0x76: {  	s30 =	simm.s32 $0x0;
	[sflag:s17] =	ssyncadd.s32 $0xFFFFC000  }
0x77: {  	[tilespmem:s30], [sflag:$0x3] =	stream.linear.gather [hbm4b:s8+s30], $0x1400, $0x38;
	[tilespmem:$0x1E800] =	vst v63  }
0x78: {  	s25 =	simm.s32 $0x1400  }
0x79: {  	[tilespmem:s25], [sflag:$0x3] =	stream.linear.gather [hbm4b:s9+s30], $0x1400, $0x38;
	[tilespmem:$0x1E800] =	vst v63  }
0x7a: {  	_ =	swait.ge [sflag:s18], $0x1400  }
0x7b: {  	[sflag:s18] =	ssyncset.done $0x0  }
0x7c: {  	[sflag:s18] =	ssyncadd.s32 $0xFFFFEC00  }
0x7d: {  	_ =	swait.ge [sflag:s18], $0x1400  }
0x7e: {  	s24 =	sand.u32 $0x1, s30;
	[sflag:s18] =	ssyncset.done $0x0  }
0x7f: {  	p0 =	seq.s32 s24, $0x1;
	[sflag:s18] =	ssyncadd.s32 $0xFFFFEC00  }
0x80: {  	[tilespmem:s16], [sflag:$0x1] =	stream.indirect.gather [hbm4b:s4+s23], $0x80, s30, s23, $0xb8;
	[tilespmem:$0x1E800] =	vst v63  }
0x81: {  	s24 =	simm.s32 @p0 $0x80;
	s26 =	simm.s32 @p0 $0x2800;
	s28 =	simm.s32 @p0 $0x2  }
0x82: {  	[tilespmem:s26], [sflag:$0x1] =	stream.indirect.gather @p0 [hbm4b:s4+s24], $0x80, s23, s24, $0xb8;
	[tilespmem:$0x1E800] =	vst v63  }
0x83: {  	_ =	swait.ge @p0 [sflag:s28], $0x4000  }
0x84: {  	[sflag:s28] =	ssyncset.done @p0 $0x0  }
0x85: {  	s26 =	simm.s32 @p0 $0x6800;
	[sflag:s28] =	ssyncadd.s32 @p0 $0xFFFFC000  }
0x86: {  	[spmem:s1] =	stream.indirect.scatter.add.f32 @p0 [tilespmem:s26], [sflag:$0x4], $0x80, s25, s24, $0xb8;
	[tilespmem:$0x1E800] =	vst v63  }
0x87: {  	s28 =	simm.s32 @!p0 $0x1;
	s24 =	simm.s32 @!p0 $0x80;
	s26 =	simm.s32 @!p0 $0x6800  }
0x88: {  	[tilespmem:s26], [sflag:$0x2] =	stream.indirect.gather @!p0 [hbm4b:s4+s24], $0x80, s23, s24, $0xb8;
	[tilespmem:$0x1E800] =	vst v63  }
0x89: {  	_ =	swait.ge @!p0 [sflag:s28], $0x4000  }
0x8a: {  	s31 =	simm.s32 $0x1;
	s26 =	simm.s32 @!p0 $0x5;
	[sflag:s28] =	ssyncset.done @!p0 $0x0  }
0x8b: {  	s26 =	simm.s32 @p0 $0x4;
	[sflag:s28] =	ssyncadd.s32 @!p0 $0xFFFFC000;
	s28 =	simm.s32 @!p0 $0x2800  }
0x8c: {  	[spmem:s1] =	stream.indirect.scatter.add.f32 @!p0 [tilespmem:s28], [sflag:$0x5], $0x80, s25, s24, $0xb8;
	[tilespmem:$0x1E800] =	vst v63  }
0x8d: {  	s23 =	simm.s32 $0x1480;
	s25 =	simm.s32 $0x2;
	_ =	swait.ge [sflag:s26], $0x4000  }
0x8e: {  	s24 =	simm.s32 $0x100;
	s28 =	sand.u32 $0x1, s31;
	[sflag:s26] =	ssyncset.done $0x0  }
.LBB2_6:
0x8f: {  	p0 =	seq.s32 s28, $0x1  }
0x90: {  	[sflag:s26] =	ssyncadd.s32 $0xFFFFC000;
	s28 =	smov.u32 s25;
	s25 =	sadd.s32 $0x1, s25  }
0x91: {  	s29 =	simm.s32 @p0 $0x80;
	s26 =	simm.s32 @p0 $0x2800;
	s30 =	simm.s32 @p0 $0x2  }
0x92: {  	[tilespmem:s26], [sflag:$0x1] =	stream.indirect.gather @p0 [hbm4b:s4+s29], $0x80, s24, s29, $0xb8;
	[tilespmem:$0x1E800] =	vst v63  }
0x93: {  	p1 =	sne.s32 s25, $0x27;
	s26 =	simm.s32 @!p0 $0x5;
	_ =	swait.ge @p0 [sflag:s30], $0x4000  }
0x94: {  	[sflag:s30] =	ssyncset.done @p0 $0x0  }
0x95: {  	[sflag:s30] =	ssyncadd.s32 @p0 $0xFFFFC000;
	s30 =	simm.s32 @p0 $0x6800  }
0x96: {  	[spmem:s1] =	stream.indirect.scatter.add.f32 @p0 [tilespmem:s30], [sflag:$0x4], $0x80, s23, s29, $0xb8;
	[tilespmem:$0x1E800] =	vst v63  }
0x97: {  	s31 =	simm.s32 @!p0 $0x1;
	s29 =	simm.s32 @!p0 $0x80;
	s30 =	simm.s32 @!p0 $0x6800  }
0x98: {  	[tilespmem:s30], [sflag:$0x2] =	stream.indirect.gather @!p0 [hbm4b:s4+s29], $0x80, s24, s29, $0xb8;
	[tilespmem:$0x1E800] =	vst v63  }
0x99: {  	_ =	swait.ge @!p0 [sflag:s31], $0x4000  }
.Ltmp2:
0x9a: {  	[sflag:s31] =	ssyncset.done @!p0 $0x0;
	(pc) =	sbr.rel @p1 .LBB2_6-.Ltmp2, $4  }
0x9b: {  	s26 =	simm.s32 @p0 $0x4;
	s30 =	simm.s32 @!p0 $0x2800;
	[sflag:s31] =	ssyncadd.s32 @!p0 $0xFFFFC000  }
0x9c: {  	[spmem:s1] =	stream.indirect.scatter.add.f32 @!p0 [tilespmem:s30], [sflag:$0x5], $0x80, s23, s29, $0xb8;
	[tilespmem:$0x1E800] =	vst v63  }
0x9d: {  	s24 =	sadd.s32 $0x80, s24;
	_ =	swait.ge [sflag:s26], $0x4000  }
0x9e: {  	s28 =	sand.u32 $0x1, s28;
	s23 =	sadd.s32 $0x80, s23;
	[sflag:s26] =	ssyncset.done $0x0  }
0x9f: {  	p0 =	seq.s32 s28, $0x1;
	[sflag:s26] =	ssyncadd.s32 $0xFFFFC000  }
0xa0: {  	s25 =	simm.s32 @p0 $0x80;
	s26 =	simm.s32 @p0 $0x2800;
	s28 =	simm.s32 @p0 $0x2  }
0xa1: {  	[tilespmem:s26], [sflag:$0x1] =	stream.indirect.gather @p0 [hbm4b:s4+s25], $0x80, s24, s25, $0xb8;
	[tilespmem:$0x1E800] =	vst v63  }
0xa2: {  	_ =	swait.ge @p0 [sflag:s28], $0x4000  }
0xa3: {  	[sflag:s28] =	ssyncset.done @p0 $0x0  }
0xa4: {  	s26 =	simm.s32 @p0 $0x6800;
	[sflag:s28] =	ssyncadd.s32 @p0 $0xFFFFC000  }
0xa5: {  	[spmem:s1] =	stream.indirect.scatter.add.f32 @p0 [tilespmem:s26], [sflag:$0x4], $0x80, s23, s25, $0xb8;
	[tilespmem:$0x1E800] =	vst v63  }
0xa6: {  	s28 =	simm.s32 @!p0 $0x1;
	s25 =	simm.s32 @!p0 $0x80;
	s26 =	simm.s32 @!p0 $0x6800  }
0xa7: {  	[tilespmem:s26], [sflag:$0x2] =	stream.indirect.gather @!p0 [hbm4b:s4+s25], $0x80, s24, s25, $0xb8;
	[tilespmem:$0x1E800] =	vst v63  }
0xa8: {  	_ =	swait.ge @!p0 [sflag:s28], $0x4000  }
0xa9: {  	s24 =	simm.s32 @!p0 $0x5;
	[sflag:s28] =	ssyncset.done @!p0 $0x0  }
0xaa: {  	s26 =	simm.s32 @!p0 $0x2800;
	s24 =	simm.s32 @p0 $0x4;
	[sflag:s28] =	ssyncadd.s32 @!p0 $0xFFFFC000  }
0xab: {  	[spmem:s1] =	stream.indirect.scatter.add.f32 @!p0 [tilespmem:s26], [sflag:$0x5], $0x80, s23, s25, $0xb8;
	[tilespmem:$0x1E800] =	vst v63  }
0xac: {  	_ =	swait.ge [sflag:s24], $0x4000  }
0xad: {  	[sflag:s24] =	ssyncset.done $0x0  }
0xae: {  	[sflag:s24] =	ssyncadd.s32 $0xFFFFC000  }
0xaf: {  	_ =	swait.ge [sflag:s19], $0x4000  }
0xb0: {  	[sflag:s19] =	ssyncset.done $0x0  }
0xb1: {  	[sflag:s19] =	ssyncadd.s32 $0xFFFFC000  }
0xb2: {  	[spmem:s1] =	stream.indirect.scatter.add.f32 [tilespmem:s21], [sflag:$0x4], $0x80, s20, s22, $0xb8;
	[tilespmem:$0x1E800] =	vst v63  }
0xb3: {  	_ =	swait.ge [sflag:s17], $0x4000  }
0xb4: {  	s30 =	sshll.u32 s2, $0x6;
	s3 =	sadd.s32 $0x1, s3;
	[sflag:s17] =	ssyncset.done $0x0  }
0xb5: {  	s31 =	sshrl.u32 s5, $0x3;
	p0 =	sne.s32 s3, s11;
	[sflag:s17] =	ssyncadd.s32 $0xFFFFC000  }
.Ltmp3:
0xb6: {  	s23 =	sor.u32 $0x1C04, s30;
	[bflag:$0x0] =	sbarrier.arrive $0xFFFF;
	(pc) =	sbr.rel @p0 .LBB2_1-.Ltmp3, $4  }
0xb7: {  	[hbm:s10], [sflag:s23] =	dma.local [spmem:s31], $0x2800  }
0xb8: {  	_ =	swait.ge [sflag:s17], $0x2800  }
0xb9: {  	[sflag:s17] =	ssyncset.done $0x0  }
0xba: {  	[sflag:s17] =	ssyncadd.s32 $0xFFFFD800  }
0xbb: {  	_ =	sfence.sel $0x180000  }
0xbc: {  	[bflag:$0x0] =	sbarrier.arrive $0xFFFF  }
0xbd: {  	p0 =	sne.s32 s2, $0x0;
	_ =	strace $0x9000004D  }
0xbe: {  	s0 =	sadd.s32 @!p0 $0x100000, s0;
	[bflag:$0x2] =	sbarrier.arrive $0xFFFF  }
0xbf: {  	[sflag:s0] =	ssyncadd.tile.s32 @!p0 $0x1;
	_ =	shalt  }
.Lfunc_end2:
_tile_overlayer_lowered:
.L_overlay_start_2:
0xc0: {  	(tag) =	ssettag $0x2  }
0xc1: {  	s0 =	rddreg [dreg:$0x0];
	s2 =	stileid.u32  }
0xc2: {  	s1 =	rddreg [dreg:$0x1];
	p0 =	sne.s32 s2, $0x0  }
0xc3: {  	s3 =	rddreg [dreg:$0x2];
	[bflag:$0x3] =	sbarrier.arrive $0xFFFF;
	s2 =	simm.s32 @!p0 $0x1C04  }
0xc4: {  	[timem:s3], [sflag:s2] =	dma.local @!p0 [hbm:s0], s1  }
0xc5: {  	s0 =	simm.s32 @!p0 $0x4  }
0xc6: {  	_ =	swait.ge @!p0 [sflag:s0], s1  }
0xc7: {  	s1 =	ssub.s32 @!p0 $0x0, s1;
	[sflag:s0] =	ssyncset.done @!p0 $0x0  }
0xc8: {  	[sflag:s0] =	ssyncadd.s32 @!p0 s1  }
0xc9: {  	[bflag:$0x3] =	sbarrier.arrive $0xFFFF  }
0xca: {  	_ =	shalt  }

// kernel: kernel.8.cloned.1.call-start
scs
__scs_entry_jumppad:
0x0: {  	(pc) =	sbr.rel $0x88, $3  }
0x1: {  	(tag) =	ssettag $0x0;
	lr =	simm.s32 $0x1  }
0x2: {  	[smem:$0x3F9B] =	sst lr;
	_ =	strace $0xD0000000  }
0x3: {  	_ = 	snop  }
0x4: {  	_ = 	snop  }
0x5: {  	_ = 	snop  }
0x6: {  	_ = 	snop  }
0x7: {  	_ = 	snop  }
__scs_overlays_trampoline_lowered:
0x8: {  	[smem:$0x3FAA] =	sst s0  }
0x9: {  	[smem:$0x3FAB] =	sst s1  }
0xa: {  	[smem:$0x3FAC] =	sst s2  }
0xb: {  	[smem:$0x3FAD] =	sst s3  }
0xc: {  	[smem:$0x3FAE] =	sst s4  }
0xd: {  	[smem:$0x3FAF] =	sst s5  }
0xe: {  	[smem:$0x3FB0] =	sst s6  }
0xf: {  	[smem:$0x3FB1] =	sst s7  }
0x10: {  	[smem:$0x3FB2] =	sst s8  }
0x11: {  	[smem:$0x3FB3] =	sst s9;
	s0 =	simm.s32 @!p0 $0x0  }
0x12: {  	s1 =	sld [smem:$0x3F99];
	s0 =	simm.s32 @p0 $0x1  }
0x13: {  	[smem:$0x3FB4] =	sst s0;
	s0 =	simm.s32 @!p1 $0x0  }
0x14: {  	s2 =	sld [smem:$0x3F98];
	s0 =	simm.s32 @p1 $0x1  }
0x15: {  	[smem:$0x3FB5] =	sst s0;
	s0 =	simm.s32 @!p2 $0x0  }
0x16: {  	s3 =	sld [smem:$0x3FDB];
	s0 =	simm.s32 @p2 $0x1  }
0x17: {  	s4 =	simm.s32 $0x1BF5;
	[smem:$0x3FB7] =	sst s0  }
0x18: {  	s0 =	sld [smem:$0x3F9A];
	_ =	swait.ge [sflag:s4], $0x0  }
0x19: {  	s7 =	sld [smem:$0x3F9B]  }
0x1a: {  	s8 =	sadd.s32 $0xFFFFE003, lr  }
0x1b: {  	s9 =	sadd.s32 $0xFFFFFEF7, lr;
	s5 =	simm.s32 $0xFFFFFFFF;
	p2 =	slt.u32 s8, $0xFFFFF086  }
0x1c: {  	p1 =	slt.u32 s9, $0xF7A;
	s5 =	simm.s32 @!p2 $0x0  }
0x1d: {  	s5 =	simm.s32 @p1 $0x1;
	p0 =	seq.s32 s7, s2  }
0x1e: {  	s7 =	smul.u32 @!p0 $0xF7A, s2;
	p2 =	seq.s32 @!p0 s5, $0x0  }
0x1f: {  	s9 =	smul.u32 $0xF7A, s1;
	s8 =	simm.s32 @!p0 $0x1BF5;
	p2 =	por !p2, p0  }
0x20: {  	[sflag:s8] =	ssyncset.s32 @!p0 $0xFFFFF086;
	s6 =	sadd.s32 @!p0 s3, s7;
	s7 =	simm.s32 @!p0 $0x108  }
0x21: {  	s3 =	sadd.s32 s3, s9;
	s6 =	sadd.s32 @!p0 $0x88, s6;
	s7 =	simm.s32 @p2 $0x1082  }
0x22: {  	[simem:s7], [sflag:s8] =	dma.local @!p0 [hbm:s6], $0xF7A  }
0x23: {  	s9 =	sor.u32 $0xD0000000, s2;
	s6 =	simm.s32 $0x108;
	_ =	swait.ge @!p0 [sflag:s8], $0x0  }
0x24: {  	s3 =	sadd.s32 $0x88, s3;
	s6 =	simm.s32 @!p1 $0x1082;
	[sflag:s4] =	ssyncset.s32 $0xFFFFF086  }
0x25: {  	[simem:s6], [sflag:s4] =	dma.local [hbm:s3], $0xF7A  }
0x26: {  	[smem:$0x3F9B] =	sst s1;
	(tag) =	ssettag s2;
	_ =	strace s9  }
0x27: {  	s1 =	sld [smem:$0x3FAB]  }
0x28: {  	s2 =	sld [smem:$0x3FAC]  }
0x29: {  	s4 =	sld [smem:$0x3FAE]  }
0x2a: {  	p0 =	seq.s32 s5, $0x0;
	s5 =	sld [smem:$0x3FAF]  }
0x2b: {  	s6 =	sld [smem:$0x3FB0]  }
0x2c: {  	s7 =	sld [smem:$0x3FB1]  }
0x2d: {  	s3 =	simm.s32 $0x108;
	s8 =	sld [smem:$0x3FB2]  }
0x2e: {  	s3 =	simm.s32 @!p0 $0x1082;
	s9 =	sld [smem:$0x3FB3]  }
0x2f: {  	lr =	sadd.s32 s0, s3;
	s0 =	sld [smem:$0x3FAA]  }
0x30: {  	s3 =	sld [smem:$0x3FAD]  }
0x31: {  	[smem:$0x3FB6] =	sst s10  }
0x32: {  	s10 =	sld [smem:$0x3FB4];
	_ =	sdelay $0x3  }
0x33: {  	p0 =	seq.s32 s10, $0x1;
	s10 =	sld [smem:$0x3FB6];
	_ =	sdelay $0x3  }
0x34: {  	[smem:$0x3FB6] =	sst s10  }
0x35: {  	s10 =	sld [smem:$0x3FB5];
	_ =	sdelay $0x3  }
0x36: {  	p1 =	seq.s32 s10, $0x1;
	s10 =	sld [smem:$0x3FB6];
	_ =	sdelay $0x3  }
0x37: {  	[smem:$0x3FB6] =	sst s10  }
0x38: {  	s10 =	sld [smem:$0x3FB7]  }
0x39: {  	_ = 	snop;
	(pc) =	sbr.ind lr, $3  }
0x3a: {  	_ = 	snop  }
0x3b: {  	_ = 	snop  }
0x3c: {  	p2 =	seq.s32 s10, $0x1;
	s10 =	sld [smem:$0x3FB6]  }
0x3d: {  	_ =	shalt  }
0x3e: {  	_ =	shalt  }
0x3f: {  	_ =	shalt  }
0x40: {  	_ =	shalt  }
0x41: {  	_ =	shalt  }
0x42: {  	_ =	shalt  }
0x43: {  	_ =	shalt  }
0x44: {  	_ =	shalt  }
0x45: {  	_ =	shalt  }
0x46: {  	_ =	shalt  }
0x47: {  	_ =	shalt  }
0x48: {  	_ =	shalt  }
0x49: {  	_ =	shalt  }
0x4a: {  	_ =	shalt  }
0x4b: {  	_ =	shalt  }
0x4c: {  	_ =	shalt  }
0x4d: {  	_ =	shalt  }
0x4e: {  	_ =	shalt  }
0x4f: {  	_ =	shalt  }
0x50: {  	_ =	shalt  }
0x51: {  	_ =	shalt  }
0x52: {  	_ =	shalt  }
0x53: {  	_ =	shalt  }
0x54: {  	_ =	shalt  }
0x55: {  	_ =	shalt  }
0x56: {  	_ =	shalt  }
0x57: {  	_ =	shalt  }
0x58: {  	_ =	shalt  }
0x59: {  	_ =	shalt  }
0x5a: {  	_ =	shalt  }
0x5b: {  	_ =	shalt  }
0x5c: {  	_ =	shalt  }
0x5d: {  	_ =	shalt  }
0x5e: {  	_ =	shalt  }
0x5f: {  	_ =	shalt  }
0x60: {  	_ =	shalt  }
0x61: {  	_ =	shalt  }
0x62: {  	_ =	shalt  }
0x63: {  	_ =	shalt  }
0x64: {  	_ =	shalt  }
0x65: {  	_ =	shalt  }
0x66: {  	_ =	shalt  }
0x67: {  	_ =	shalt  }
0x68: {  	_ =	shalt  }
0x69: {  	_ =	shalt  }
0x6a: {  	_ =	shalt  }
0x6b: {  	_ =	shalt  }
0x6c: {  	_ =	shalt  }
0x6d: {  	_ =	shalt  }
0x6e: {  	_ =	shalt  }
0x6f: {  	_ =	shalt  }
0x70: {  	_ =	shalt  }
0x71: {  	_ =	shalt  }
0x72: {  	_ =	shalt  }
0x73: {  	_ =	shalt  }
0x74: {  	_ =	shalt  }
0x75: {  	_ =	shalt  }
0x76: {  	_ =	shalt  }
0x77: {  	_ =	shalt  }
0x78: {  	_ =	shalt  }
0x79: {  	_ =	shalt  }
0x7a: {  	_ =	shalt  }
0x7b: {  	_ =	shalt  }
0x7c: {  	_ =	shalt  }
0x7d: {  	_ =	shalt  }
0x7e: {  	_ =	shalt  }
0x7f: {  	_ =	shalt  }
0x80: {  	_ =	shalt  }
0x81: {  	_ =	shalt  }
0x82: {  	_ =	shalt  }
0x83: {  	_ =	shalt  }
0x84: {  	_ =	shalt  }
0x85: {  	_ =	shalt  }
0x86: {  	_ =	shalt  }
0x87: {  	_ =	shalt  }
.Lfunc_end0:
.L_simem_size_0:
called_computation_lowered:
.L_overlay_start_0:
0x88: {  	s2 =	sld [smem:$0x3FD9]  }
0x89: {  	s3 =	sld [smem:$0x3FFE];
	_ =	sdelay $0x1  }
0x8a: {  	s1 =	srdreg.scid  }
0x8b: {  	s0 =	sand.u32 $0x1, s1  }
0x8c: {  	s17 =	sshll.u32 s0, $0xA;
	s2 =	sadd.s32 s3, s2  }
0x8d: {  	s2 =	sadd.s32 s2, s17  }
0x8e: {  	[smem:$0x3FC2] =	sst s2  }
0x8f: {  	_ = 	snop  }
0x90: {  	s2 =	sld [smem:$0x3FD0];
	(tm) =	ssettm $0x1  }
0x91: {  	s18 =	sld [smem:$0x3FFB];
	_ =	sdelay $0x3  }
0x92: {  	_ =	strace s18  }
0x93: {  	s3 =	sld [smem:$0x3FFC];
	_ =	sdelay $0x3  }
0x94: {  	_ =	strace s3  }
0x95: {  	s3 =	sld [smem:$0x3FFD];
	_ =	sdelay $0x3  }
0x96: {  	_ =	strace s3  }
0x97: {  	_ =	strace $0x8FFFFFFF  }
0x98: {  	s19 =	sld [smem:$0x3FDB];
	_ =	sdelay $0x1  }
0x99: {  	s4 =	simm.s32 $_scs_section_size  }
0x9a: {  	s5 =	simm.s32 $_size__tile_overlayer_lowered;
	s6 =	simm.s32 $_tile_overlayer_lowered  }
0x9b: {  	s22 =	simm.s32 $0x1BFF;
	s21 =	sshll.u32 s6, $0x1;
	s3 =	sadd.s32 s4, s19  }
0x9c: {  	s7 =	simm.s32 $0x0;
	s20 =	sshll.u32 s5, $0x1;
	s5 =	sadd.s32 s21, s3  }
0x9d: {  	[timem:s7], [sflag:s22] =	dma.local [hbm:s5], s20  }
0x9e: {  	_ =	swait.ge [sflag:s22], s20  }
0x9f: {  	s4 =	ssub.s32 $0x0, s20;
	[sflag:s22] =	ssyncset.done $0x0  }
0xa0: {  	[sflag:s22] =	ssyncadd.s32 s4;
	_ =	sdelay $0x1  }
0xa1: {  	s23 =	simm.s32 $0x1B8B  }
0xa2: {  	_ =	swait.ge [sflag:s23], $0x1  }
0xa3: {  	[sflag:s23] =	ssyncset.done $0x0  }
0xa4: {  	s25 =	simm.s32 $0x1B8E;
	s24 =	sld [smem:$0x3FFE];
	[sflag:s23] =	ssyncadd.s32 $0xFFFFFFFF  }
0xa5: {  	s26 =	simm.s32 $execute0_lowered;
	[smem:$0x3FD2] =	sst s25  }
0xa6: {  	s5 =	sshll.u32 s26, $0x1;
	_ =	strace $0x80000046;
	[dreg:$0x1] =	wrdreg $0xFFFFFFFF  }
0xa7: {  	s28 =	simm.s32 $_size_execute0_lowered;
	s3 =	sadd.s32 s3, s5;
	[dreg:$0x0] =	wrdreg $0x0  }
0xa8: {  	s5 =	sshll.u32 s28, $0x1;
	[dreg:$0x2] =	wrdreg s3  }
0xa9: {  	[dreg:$0x3] =	wrdreg s5  }
0xaa: {  	[dreg:$0x4] =	wrdreg $0xC0  }
0xab: {  	_ =	task [dreg:s7], $0x5FFFF  }
0xac: {  	[dreg:$0x1] =	wrdreg $0xFFFFFFFF  }
0xad: {  	[dreg:$0x0] =	wrdreg $0x60  }
0xae: {  	[dreg:$0x2] =	wrdreg s2  }
0xaf: {  	[dreg:$0x3] =	wrdreg s24  }
0xb0: {  	[dreg:$0x4] =	wrdreg $0x2B000  }
0xb1: {  	[dreg:$0x5] =	wrdreg $0x9  }
0xb2: {  	_ =	task.clear_ibuf [dreg:s7], $0x6FFFF;
	_ =	strace $0x90000046  }
0xb3: {  	s29 =	simm.s32 $0x9;
	_ =	strace $0x80000048  }
0xb4: {  	_ =	swait.ge [sflag:s29], $0x1  }
0xb5: {  	[sflag:s29] =	ssyncadd.s32 $0xFFFFFFFF  }
0xb6: {  	_ =	strace $0x90000048  }
0xb7: {  	_ =	sfence  }
0xb8: {  	s30 =	sld [smem:$0x0];
	_ =	sdelay $0x2  }
0xb9: {  	s31 =	sshll.u32 s1, $0xD;
	s1 =	sshrl.u32 s1, $0x2  }
0xba: {  	s3 =	sand.u32 $0x4000, s31;
	s1 =	sadd.s32 s1, s30  }
0xbb: {  	s0 =	sor.u32 s3, s0;
	s1 =	sshll.u32 s1, $0x11  }
0xbc: {  	s0 =	sor.u32 s1, s0  }
0xbd: {  	s0 =	sadd.s32 $0x8F2B, s0  }
0xbe: {  	[sflag:s0] =	ssyncadd.remote.s32 $0x1  }
0xbf: {  	_ =	sfence.sel $0xFFFF  }
0xc0: {  	[dreg:$0x0] =	wrdreg $0xFFFFFFFF;
	(pc) =	sbr.abs _section_cstart, $3  }
0xc1: {  	[dreg:$0x1] =	wrdreg $0xFFFFFFFF  }
0xc2: {  	_ =	task.clear_ibuf [dreg:s7], $0x2FFFF;
	_ =	strace $0x9FFFFFFF  }
0xc3: {  	(tm) =	ssettm $0x7FFFFFFF  }
tec
execute0_lowered:
.L_overlay_start_1:
0x0: {  	(tag) =	ssettag $0x1  }
0x1: {  	s5 =	rddreg [dreg:$0x0]  }
0x2: {  	s4 =	rddreg [dreg:$0x1]  }
0x3: {  	s2 =	rddreg [dreg:$0x2]  }
0x4: {  	s0 =	rddreg [dreg:$0x3];
	s6 =	srdreg.scid  }
0x5: {  	s1 =	stileid.u32;
	s3 =	simm.s32 $0x0;
	s11 =	simm.s32 $0x80  }
0x6: {  	s12 =	simm.s32 $0x2800;
	s15 =	simm.s32 $0x20;
	s16 =	simm.s32 $0x10  }
0x7: {  	s17 =	simm.s32 $0x0;
	s6 =	sand.u32 $0x1, s6;
	s7 =	smul.u32 $0x500, s1  }
0x8: {  	[smem:$0x7FF] =	sst s3;
	s9 =	smul.u32 $0xA00, s1;
	s13 =	sshll.u32 s1, $0x6  }
0x9: {  	s8 =	sshll.u32 s6, $0x7;
	_ =	strace $0x80000047;
	s30 =	sshll.u32 s6, $0x4  }
0xa: {  	s6 =	ssub.s32 $0x2, s6;
	s13 =	sor.u32 $0x1C02, s13;
	s7 =	sor.u32 s8, s7  }
0xb: {  	s8 =	sor.u32 s1, s30;
	s10 =	sshrl.u32 s6, $0x1;
	s31 =	sshrl.u32 s9, $0x2  }
0xc: {  	s9 =	simm.s32 $0x2;
	s7 =	sshrl.u32 s7, $0x3;
	s8 =	smul.u32 $0x500, s8  }
0xd: {  	s10 =	ssub.s32 s6, s10;
	s7 =	sadd.s32 s7, s4;
	s4 =	sadd.s32 s31, s2  }
0xe: {  	s5 =	sadd.s32 s5, s8;
	s6 =	sadd.s32 $0x2200, s7;
	s7 =	smax.u32 s10, $0x1  }
0xf: {  	v0 =	vimm.f32 $1.000000000e+00;
	v1 =	vimm.f32 $0.0e+00;
	s8 =	simm.s32 $0x2880;
	s10 =	simm.s32 $0x1;
	s14 =	sshrl.u32 s4, $0x3  }
.LBB2_1:
0x10: {  	[tilespmem:$0x2800] =	vst v0  }
0x11: {  	[tilespmem:$0x2810] =	vst v0  }
0x12: {  	[tilespmem:$0x2820] =	vst v0  }
0x13: {  	[tilespmem:$0x2830] =	vst v0  }
0x14: {  	[tilespmem:$0x2840] =	vst v0  }
0x15: {  	[tilespmem:$0x2850] =	vst v0  }
0x16: {  	[tilespmem:$0x2860] =	vst v0  }
0x17: {  	[tilespmem:$0x2870] =	vst v0  }
0x18: {  	[tilespmem:$0x2880] =	vst v1  }
0x19: {  	[tilespmem:$0x2890] =	vst v1  }
0x1a: {  	[tilespmem:$0x28A0] =	vst v1  }
0x1b: {  	[tilespmem:$0x28B0] =	vst v1  }
0x1c: {  	[tilespmem:$0x28C0] =	vst v1  }
0x1d: {  	[tilespmem:$0x28D0] =	vst v1  }
0x1e: {  	[tilespmem:$0x28E0] =	vst v1  }
0x1f: {  	[tilespmem:$0x28F0] =	vst v1  }
0x20: {  	[tilespmem:$0x2900] =	vst v1  }
0x21: {  	[tilespmem:$0x2910] =	vst v1  }
0x22: {  	[tilespmem:$0x2920] =	vst v1  }
0x23: {  	[tilespmem:$0x2930] =	vst v1  }
0x24: {  	[tilespmem:$0x2940] =	vst v1  }
0x25: {  	[tilespmem:$0x2950] =	vst v1  }
0x26: {  	[tilespmem:$0x2960] =	vst v1  }
0x27: {  	[tilespmem:$0x2970] =	vst v1  }
0x28: {  	[tilespmem:$0x2980] =	vst v1  }
0x29: {  	[tilespmem:$0x2990] =	vst v1  }
0x2a: {  	[tilespmem:$0x29A0] =	vst v1  }
0x2b: {  	[tilespmem:$0x29B0] =	vst v1  }
0x2c: {  	[tilespmem:$0x29C0] =	vst v1  }
0x2d: {  	[tilespmem:$0x29D0] =	vst v1  }
0x2e: {  	[tilespmem:$0x29E0] =	vst v1  }
0x2f: {  	[tilespmem:$0x29F0] =	vst v1  }
0x30: {  	[tilespmem:$0x2A00] =	vst v1  }
0x31: {  	[tilespmem:$0x2A10] =	vst v1  }
0x32: {  	[tilespmem:$0x2A20] =	vst v1  }
0x33: {  	[tilespmem:$0x2A30] =	vst v1  }
0x34: {  	[tilespmem:$0x2A40] =	vst v1  }
0x35: {  	[tilespmem:$0x2A50] =	vst v1  }
0x36: {  	[tilespmem:$0x2A60] =	vst v1  }
0x37: {  	[tilespmem:$0x2A70] =	vst v1  }
0x38: {  	[tilespmem:$0x2A80] =	vst v1  }
0x39: {  	[tilespmem:$0x2A90] =	vst v1  }
0x3a: {  	[tilespmem:$0x2AA0] =	vst v1  }
0x3b: {  	[tilespmem:$0x2AB0] =	vst v1  }
0x3c: {  	[tilespmem:$0x2AC0] =	vst v1  }
0x3d: {  	[tilespmem:$0x2AD0] =	vst v1  }
0x3e: {  	[tilespmem:$0x2AE0] =	vst v1  }
0x3f: {  	[tilespmem:$0x2AF0] =	vst v1  }
0x40: {  	[spmem:s4] =	stream.linear.scatter [tilespmem:s8], [sflag:$0x2], $0x280, $0x38;
	[tilespmem:$0x2D80] =	vst v63  }
0x41: {  	_ =	swait.ge [sflag:s9], $0x280  }
0x42: {  	[sflag:s9] =	ssyncset.done $0x0  }
0x43: {  	[sflag:s9] =	ssyncadd.s32 $0xFFFFFD80  }
0x44: {  	[tilespmem:s3], [sflag:$0x1] =	stream.linear.gather [hbm4b:s5+s3], $0x2800, $0x38;
	[tilespmem:$0x2D80] =	vst v63  }
0x45: {  	_ =	swait.ge [sflag:s10], $0x2800  }
0x46: {  	[sflag:s10] =	ssyncset.done $0x0  }
0x47: {  	[sflag:s10] =	ssyncadd.s32 $0xFFFFD800  }
0x48: {  	s18 =	simm.s32 $0x0;
	[bflag:$0x0] =	sbarrier.arrive $0xFFFF  }
0x49: {  	[spmem:s2] =	stream.indirect.scatter.add.f32 [tilespmem:s12], [sflag:$0x1], $0x1, s18, s11, $0xb8;
	[tilespmem:$0x2D80] =	vst v63  }
0x4a: {  	s24 =	simm.s32 $0x80  }
0x4b: {  	[spmem:s2] =	stream.indirect.scatter.add.f32 [tilespmem:s12], [sflag:$0x1], $0x1, s24, s11, $0xb8;
	[tilespmem:$0x2D80] =	vst v63  }
0x4c: {  	s25 =	simm.s32 $0x100  }
0x4d: {  	[spmem:s2] =	stream.indirect.scatter.add.f32 [tilespmem:s12], [sflag:$0x1], $0x1, s25, s11, $0xb8;
	[tilespmem:$0x2D80] =	vst v63  }
0x4e: {  	s26 =	simm.s32 $0x180  }
0x4f: {  	[spmem:s2] =	stream.indirect.scatter.add.f32 [tilespmem:s12], [sflag:$0x1], $0x1, s26, s11, $0xb8;
	[tilespmem:$0x2D80] =	vst v63  }
0x50: {  	s28 =	simm.s32 $0x200  }
0x51: {  	[spmem:s2] =	stream.indirect.scatter.add.f32 [tilespmem:s12], [sflag:$0x1], $0x1, s28, s11, $0xb8;
	[tilespmem:$0x2D80] =	vst v63  }
0x52: {  	s29 =	simm.s32 $0x280  }
0x53: {  	[spmem:s2] =	stream.indirect.scatter.add.f32 [tilespmem:s12], [sflag:$0x1], $0x1, s29, s11, $0xb8;
	[tilespmem:$0x2D80] =	vst v63  }
0x54: {  	s30 =	simm.s32 $0x300  }
0x55: {  	[spmem:s2] =	stream.indirect.scatter.add.f32 [tilespmem:s12], [sflag:$0x1], $0x1, s30, s11, $0xb8;
	[tilespmem:$0x2D80] =	vst v63  }
0x56: {  	s31 =	simm.s32 $0x380  }
0x57: {  	[spmem:s2] =	stream.indirect.scatter.add.f32 [tilespmem:s12], [sflag:$0x1], $0x1, s31, s11, $0xb8;
	[tilespmem:$0x2D80] =	vst v63  }
0x58: {  	_ =	swait.ge [sflag:s10], $0x80  }
0x59: {  	[sflag:s10] =	ssyncset.done $0x0  }
0x5a: {  	[sflag:s10] =	ssyncadd.s32 $0xFFFFFF80  }
0x5b: {  	_ =	swait.ge [sflag:s10], $0x80  }
0x5c: {  	[sflag:s10] =	ssyncset.done $0x0  }
0x5d: {  	[sflag:s10] =	ssyncadd.s32 $0xFFFFFF80  }
0x5e: {  	_ =	swait.ge [sflag:s10], $0x80  }
0x5f: {  	[sflag:s10] =	ssyncset.done $0x0  }
0x60: {  	[sflag:s10] =	ssyncadd.s32 $0xFFFFFF80  }
0x61: {  	_ =	swait.ge [sflag:s10], $0x80  }
0x62: {  	[sflag:s10] =	ssyncset.done $0x0  }
0x63: {  	[sflag:s10] =	ssyncadd.s32 $0xFFFFFF80  }
0x64: {  	_ =	swait.ge [sflag:s10], $0x80  }
0x65: {  	[sflag:s10] =	ssyncset.done $0x0  }
0x66: {  	[sflag:s10] =	ssyncadd.s32 $0xFFFFFF80  }
0x67: {  	_ =	swait.ge [sflag:s10], $0x80  }
0x68: {  	[sflag:s10] =	ssyncset.done $0x0  }
0x69: {  	[sflag:s10] =	ssyncadd.s32 $0xFFFFFF80  }
0x6a: {  	_ =	swait.ge [sflag:s10], $0x80  }
0x6b: {  	[sflag:s10] =	ssyncset.done $0x0  }
0x6c: {  	[sflag:s10] =	ssyncadd.s32 $0xFFFFFF80  }
0x6d: {  	_ =	swait.ge [sflag:s10], $0x80  }
0x6e: {  	s20 =	simm.s32 $0x2000;
	s18 =	simm.s32 $0x1000;
	[sflag:s10] =	ssyncset.done $0x0  }
.LBB2_2:
0x6f: {  	s21 =	sshra.s32 s18, $0x2  }
0x70: {  	[sflag:s10] =	ssyncadd.s32 $0xFFFFFF80;
	s18 =	smov.u32 s20;
	s19 =	sadd.s32 $0x1000, s20  }
0x71: {  	[spmem:s2] =	stream.indirect.scatter.add.f32 [tilespmem:s12], [sflag:$0x1], $0x1, s21, s11, $0xb8;
	[tilespmem:$0x2D80] =	vst v63  }
0x72: {  	p0 =	sne.s32 s20, $0x9000;
	s20 =	sadd.s32 $0x80, s21  }
0x73: {  	[spmem:s2] =	stream.indirect.scatter.add.f32 [tilespmem:s12], [sflag:$0x1], $0x1, s20, s11, $0xb8;
	[tilespmem:$0x2D80] =	vst v63  }
0x74: {  	s20 =	sadd.s32 $0x100, s21  }
0x75: {  	[spmem:s2] =	stream.indirect.scatter.add.f32 [tilespmem:s12], [sflag:$0x1], $0x1, s20, s11, $0xb8;
	[tilespmem:$0x2D80] =	vst v63  }
0x76: {  	s20 =	sadd.s32 $0x180, s21  }
0x77: {  	[spmem:s2] =	stream.indirect.scatter.add.f32 [tilespmem:s12], [sflag:$0x1], $0x1, s20, s11, $0xb8;
	[tilespmem:$0x2D80] =	vst v63  }
0x78: {  	s20 =	sadd.s32 $0x200, s21  }
0x79: {  	[spmem:s2] =	stream.indirect.scatter.add.f32 [tilespmem:s12], [sflag:$0x1], $0x1, s20, s11, $0xb8;
	[tilespmem:$0x2D80] =	vst v63  }
0x7a: {  	s20 =	sadd.s32 $0x280, s21  }
0x7b: {  	[spmem:s2] =	stream.indirect.scatter.add.f32 [tilespmem:s12], [sflag:$0x1], $0x1, s20, s11, $0xb8;
	[tilespmem:$0x2D80] =	vst v63  }
0x7c: {  	s20 =	sadd.s32 $0x300, s21  }
0x7d: {  	[spmem:s2] =	stream.indirect.scatter.add.f32 [tilespmem:s12], [sflag:$0x1], $0x1, s20, s11, $0xb8;
	[tilespmem:$0x2D80] =	vst v63  }
0x7e: {  	s20 =	sadd.s32 $0x380, s21  }
0x7f: {  	[spmem:s2] =	stream.indirect.scatter.add.f32 [tilespmem:s12], [sflag:$0x1], $0x1, s20, s11, $0xb8;
	[tilespmem:$0x2D80] =	vst v63  }
0x80: {  	_ =	swait.ge [sflag:s10], $0x80  }
0x81: {  	[sflag:s10] =	ssyncset.done $0x0  }
0x82: {  	[sflag:s10] =	ssyncadd.s32 $0xFFFFFF80  }
0x83: {  	_ =	swait.ge [sflag:s10], $0x80  }
0x84: {  	[sflag:s10] =	ssyncset.done $0x0  }
0x85: {  	[sflag:s10] =	ssyncadd.s32 $0xFFFFFF80  }
0x86: {  	_ =	swait.ge [sflag:s10], $0x80  }
0x87: {  	[sflag:s10] =	ssyncset.done $0x0  }
0x88: {  	[sflag:s10] =	ssyncadd.s32 $0xFFFFFF80  }
0x89: {  	_ =	swait.ge [sflag:s10], $0x80  }
0x8a: {  	[sflag:s10] =	ssyncset.done $0x0  }
0x8b: {  	[sflag:s10] =	ssyncadd.s32 $0xFFFFFF80  }
0x8c: {  	_ =	swait.ge [sflag:s10], $0x80  }
0x8d: {  	[sflag:s10] =	ssyncset.done $0x0  }
0x8e: {  	[sflag:s10] =	ssyncadd.s32 $0xFFFFFF80  }
0x8f: {  	_ =	swait.ge [sflag:s10], $0x80  }
0x90: {  	[sflag:s10] =	ssyncset.done $0x0  }
0x91: {  	[sflag:s10] =	ssyncadd.s32 $0xFFFFFF80  }
.Ltmp0:
0x92: {  	_ =	swait.ge [sflag:s10], $0x80;
	(pc) =	sbr.rel @p0 .LBB2_2-.Ltmp0, $4  }
0x93: {  	[sflag:s10] =	ssyncset.done $0x0  }
0x94: {  	[sflag:s10] =	ssyncadd.s32 $0xFFFFFF80  }
0x95: {  	_ =	swait.ge [sflag:s10], $0x80  }
0x96: {  	s20 =	smov.u32 s19;
	[sflag:s10] =	ssyncset.done $0x0  }
0x97: {  	s18 =	sshra.s32 s18, $0x2;
	[sflag:s10] =	ssyncadd.s32 $0xFFFFFF80  }
0x98: {  	[spmem:s2] =	stream.indirect.scatter.add.f32 [tilespmem:s12], [sflag:$0x1], $0x1, s18, s11, $0xb8;
	[tilespmem:$0x2D80] =	vst v63  }
0x99: {  	s19 =	sadd.s32 $0x80, s18  }
0x9a: {  	[spmem:s2] =	stream.indirect.scatter.add.f32 [tilespmem:s12], [sflag:$0x1], $0x1, s19, s11, $0xb8;
	[tilespmem:$0x2D80] =	vst v63  }
0x9b: {  	s26 =	sadd.s32 $0x100, s18  }
0x9c: {  	[spmem:s2] =	stream.indirect.scatter.add.f32 [tilespmem:s12], [sflag:$0x1], $0x1, s26, s11, $0xb8;
	[tilespmem:$0x2D80] =	vst v63  }
0x9d: {  	s28 =	sadd.s32 $0x180, s18  }
0x9e: {  	[spmem:s2] =	stream.indirect.scatter.add.f32 [tilespmem:s12], [sflag:$0x1], $0x1, s28, s11, $0xb8;
	[tilespmem:$0x2D80] =	vst v63  }
0x9f: {  	s29 =	sadd.s32 $0x200, s18  }
0xa0: {  	[spmem:s2] =	stream.indirect.scatter.add.f32 [tilespmem:s12], [sflag:$0x1], $0x1, s29, s11, $0xb8;
	[tilespmem:$0x2D80] =	vst v63  }
0xa1: {  	s30 =	sadd.s32 $0x280, s18  }
0xa2: {  	[spmem:s2] =	stream.indirect.scatter.add.f32 [tilespmem:s12], [sflag:$0x1], $0x1, s30, s11, $0xb8;
	[tilespmem:$0x2D80] =	vst v63  }
0xa3: {  	s31 =	sadd.s32 $0x300, s18  }
0xa4: {  	[spmem:s2] =	stream.indirect.scatter.add.f32 [tilespmem:s12], [sflag:$0x1], $0x1, s31, s11, $0xb8;
	[tilespmem:$0x2D80] =	vst v63  }
0xa5: {  	s18 =	sadd.s32 $0x380, s18  }
0xa6: {  	[spmem:s2] =	stream.indirect.scatter.add.f32 [tilespmem:s12], [sflag:$0x1], $0x1, s18, s11, $0xb8;
	[tilespmem:$0x2D80] =	vst v63  }
0xa7: {  	_ =	swait.ge [sflag:s10], $0x80  }
0xa8: {  	[sflag:s10] =	ssyncset.done $0x0  }
0xa9: {  	[sflag:s10] =	ssyncadd.s32 $0xFFFFFF80  }
0xaa: {  	_ =	swait.ge [sflag:s10], $0x80  }
0xab: {  	[sflag:s10] =	ssyncset.done $0x0  }
0xac: {  	[sflag:s10] =	ssyncadd.s32 $0xFFFFFF80  }
0xad: {  	_ =	swait.ge [sflag:s10], $0x80  }
0xae: {  	[sflag:s10] =	ssyncset.done $0x0  }
0xaf: {  	[sflag:s10] =	ssyncadd.s32 $0xFFFFFF80  }
0xb0: {  	_ =	swait.ge [sflag:s10], $0x80  }
0xb1: {  	[sflag:s10] =	ssyncset.done $0x0  }
0xb2: {  	[sflag:s10] =	ssyncadd.s32 $0xFFFFFF80  }
0xb3: {  	_ =	swait.ge [sflag:s10], $0x80  }
0xb4: {  	[sflag:s10] =	ssyncset.done $0x0  }
0xb5: {  	[sflag:s10] =	ssyncadd.s32 $0xFFFFFF80  }
0xb6: {  	_ =	swait.ge [sflag:s10], $0x80  }
0xb7: {  	[sflag:s10] =	ssyncset.done $0x0  }
0xb8: {  	[sflag:s10] =	ssyncadd.s32 $0xFFFFFF80  }
0xb9: {  	_ =	swait.ge [sflag:s10], $0x80  }
0xba: {  	[sflag:s10] =	ssyncset.done $0x0  }
0xbb: {  	[sflag:s10] =	ssyncadd.s32 $0xFFFFFF80  }
0xbc: {  	_ =	swait.ge [sflag:s10], $0x80  }
0xbd: {  	s17 =	sadd.s32 $0x1, s17;
	[sflag:s10] =	ssyncset.done $0x0  }
0xbe: {  	p0 =	sne.s32 s17, s7;
	[sflag:s10] =	ssyncadd.s32 $0xFFFFFF80  }
.Ltmp1:
0xbf: {  	[bflag:$0x0] =	sbarrier.arrive $0xFFFF;
	(pc) =	sbr.rel @p0 .LBB2_1-.Ltmp1, $4  }
0xc0: {  	[hbm:s6@s15], [sflag:s13] =	dma.strided [spmem:s14@s16], $0x50, s10, $0x10   }
0xc1: {  	_ =	swait.ge [sflag:s9], $0x50  }
0xc2: {  	[sflag:s9] =	ssyncset.done $0x0  }
0xc3: {  	[sflag:s9] =	ssyncadd.s32 $0xFFFFFFB0  }
0xc4: {  	_ =	sfence.sel $0x180000  }
0xc5: {  	[bflag:$0x0] =	sbarrier.arrive $0xFFFF  }
0xc6: {  	p0 =	sne.s32 s1, $0x0;
	_ =	strace $0x90000047  }
0xc7: {  	s0 =	sadd.s32 @!p0 $0x100000, s0;
	[bflag:$0x2] =	sbarrier.arrive $0xFFFF  }
0xc8: {  	[sflag:s0] =	ssyncadd.tile.s32 @!p0 $0x1;
	_ =	shalt  }
.Lfunc_end2:
_tile_overlayer_lowered:
.L_overlay_start_2:
0xc9: {  	(tag) =	ssettag $0x2  }
0xca: {  	s0 =	rddreg [dreg:$0x0];
	s2 =	stileid.u32  }
0xcb: {  	s1 =	rddreg [dreg:$0x1];
	p0 =	sne.s32 s2, $0x0  }
0xcc: {  	s3 =	rddreg [dreg:$0x2];
	[bflag:$0x3] =	sbarrier.arrive $0xFFFF;
	s2 =	simm.s32 @!p0 $0x1C02  }
0xcd: {  	[timem:s3], [sflag:s2] =	dma.local @!p0 [hbm:s0], s1  }
0xce: {  	s0 =	simm.s32 @!p0 $0x2  }
0xcf: {  	_ =	swait.ge @!p0 [sflag:s0], s1  }
0xd0: {  	s1 =	ssub.s32 @!p0 $0x0, s1;
	[sflag:s0] =	ssyncset.done @!p0 $0x0  }
0xd1: {  	[sflag:s0] =	ssyncadd.s32 @!p0 s1  }
0xd2: {  	[bflag:$0x3] =	sbarrier.arrive $0xFFFF  }
0xd3: {  	_ =	shalt  }

</sc_bundles>
